<compile_context>
chip_gen: v7x
topology: tpu7x:2x2x1
jax: 0.10.2.dev20260603
libtpu: 0.0.44.dev20260713+nightly
codegen_flags: <defaults>
</compile_context>

<pallas_src>
import functools

import jax
import jax.numpy as jnp
from jax import lax
from jax.experimental import pallas as pl
from jax.experimental.pallas import tpu as pltpu
from jax.experimental.pallas import tpu_sc as plsc

_NC = 2
_NS = 16
_NW = _NC * _NS
_L = 16


def _mesh():
    return plsc.VectorSubcoreMesh(
        core_axis_name="c", subcore_axis_name="s",
        num_cores=_NC, num_subcores=_NS)


_SC_PARAMS = pltpu.CompilerParams(needs_layout_passes=False)


def _wid():
    return lax.axis_index("s") * _NC + lax.axis_index("c")


def _zero_loop(refs, n):
    zeros = jnp.zeros((_L,), jnp.float32)

    def body(i, carry):
        for r in refs:
            r[pl.ds(i * _L, _L)] = zeros
        return carry

    lax.fori_loop(0, n // _L, body, 0)


@functools.lru_cache(maxsize=None)
def _make_count(n, e):
    e_per = e // _NW

    @functools.partial(
        pl.kernel,
        mesh=_mesh(),
        compiler_params=_SC_PARAMS,
        out_type=jax.ShapeDtypeStruct((_NW, n), jnp.float32),
        scratch_types=[
            pltpu.VMEM((e_per,), jnp.int32),
            pltpu.VMEM((n,), jnp.float32),
            pltpu.SemaphoreType.DMA,
        ],
    )
    def count(col_hbm, out_hbm, cb, ob, sem):
        w = _wid()
        cp = pltpu.async_copy(col_hbm.at[pl.ds(w * e_per, e_per)], cb, sem)
        _zero_loop([ob], n)
        cp.wait()
        ones = jnp.ones((_L,), jnp.float32)
        u = 5

        def step(j, carry):
            base = j * (_L * u)
            for k in range(u):
                idx = cb[pl.ds(base + k * _L, _L)]
                plsc.addupdate_scatter(ob, [idx], ones)
            return carry

        lax.fori_loop(0, e_per // (_L * u), step, 0)
        pltpu.sync_copy(ob, out_hbm.at[w])

    return count


@functools.lru_cache(maxsize=None)
def _make_prop1(n, e):
    e_per = e // _NW

    @functools.partial(
        pl.kernel,
        mesh=_mesh(),
        compiler_params=_SC_PARAMS,
        out_type=jax.ShapeDtypeStruct((_NW, n), jnp.float32),
        scratch_types=[
            pltpu.VMEM((n,), jnp.float32),
            pltpu.VMEM((e_per,), jnp.int32),
            pltpu.VMEM((n,), jnp.float32),
            pltpu.SemaphoreType.DMA,
            pltpu.SemaphoreType.DMA,
        ],
    )
    def prop1(y_hbm, packed_hbm, out_hbm, yv, pb, ob, s1, s2):
        w = _wid()
        c1 = pltpu.async_copy(y_hbm.at[0], yv, s1)
        c2 = pltpu.async_copy(packed_hbm.at[pl.ds(w * e_per, e_per)], pb, s2)
        _zero_loop([ob], n)
        c1.wait()
        c2.wait()

        u = 5
        mask = jnp.full((_L,), 0xFFFF, jnp.int32)

        def step(j, carry):
            base = j * (_L * u)
            gathered = []
            for k in range(u):
                p = pb[pl.ds(base + k * _L, _L)]
                r = p & mask
                c = lax.shift_right_logical(p, 16)
                gathered.append((c, plsc.load_gather(yv, [r])))
            for c, v in gathered:
                plsc.addupdate_scatter(ob, [c], v)
            return carry

        lax.fori_loop(0, e_per // (_L * u), step, 0)
        pltpu.sync_copy(ob, out_hbm.at[w])

    return prop1


@functools.lru_cache(maxsize=None)
def _make_prop(n, e, dfull, chunk):
    d = dfull // _NW
    nchunks = e // chunk
    unroll = 32 // d if d < 32 else 1
    assert chunk % (_L * unroll) == 0 and nchunks % 2 == 0
    scratch = (
        [pltpu.VMEM((n,), jnp.float32) for _ in range(2 * d)]
        + [pltpu.VMEM((chunk,), jnp.int32) for _ in range(2)]
        + [pltpu.SemaphoreType.DMA for _ in range(3)]
    )

    @functools.partial(
        pl.kernel,
        mesh=_mesh(),
        compiler_params=_SC_PARAMS,
        out_type=jax.ShapeDtypeStruct((dfull, n), jnp.float32),
        scratch_types=scratch,
    )
    def prop(y_hbm, packed_hbm, out_hbm, *bufs):
        yb = bufs[:d]
        zb = bufs[d:2 * d]
        pb = (bufs[2 * d], bufs[2 * d + 1])
        sp = (bufs[2 * d + 2], bufs[2 * d + 3])
        sz = bufs[2 * d + 4]
        w = _wid()
        f0 = w * d
        for b in range(2):
            pltpu.async_copy(packed_hbm.at[pl.ds(b * chunk, chunk)], pb[b], sp[b])
        zcp = [pltpu.async_copy(y_hbm.at[f0 + f], zb[f], sz) for f in range(d)]
        for f in range(d):
            pltpu.sync_copy(y_hbm.at[f0 + f], yb[f])
        for c in zcp:
            c.wait()
        mask = jnp.full((_L,), 0xFFFF, jnp.int32)

        def compute(pbuf):
            def step(j, c2):
                base = j * (_L * unroll)
                gathered = []
                for k in range(unroll):
                    p = pbuf[pl.ds(base + k * _L, _L)]
                    r = p & mask
                    c = lax.shift_right_logical(p, 16)
                    for f in range(d):
                        gathered.append((f, c, plsc.load_gather(yb[f], [r])))
                for f, c, v in gathered:
                    plsc.addupdate_scatter(zb[f], [c], v)
                return c2

            lax.fori_loop(0, chunk // (_L * unroll), step, 0)

        def outer(g, carry):
            for b in range(2):
                k = g * 2 + b
                pltpu.make_async_copy(
                    packed_hbm.at[pl.ds(0, chunk)], pb[b], sp[b]).wait()
                compute(pb[b])

                @pl.when(k + 2 < nchunks)
                def _():
                    pltpu.async_copy(
                        packed_hbm.at[pl.ds((k + 2) * chunk, chunk)], pb[b], sp[b])
            return carry

        lax.fori_loop(0, nchunks // 2, outer, 0)
        for f in range(d):
            pltpu.sync_copy(zb[f], out_hbm.at[f0 + f])

    return prop




def _stage1_body(w1_ref, x_ref, cnt_ref, ei_ref, yt_ref, dinv_ref, pk_ref):
    deg = 1.0 + jnp.sum(cnt_ref[...], axis=0, keepdims=True)
    dinv = 1.0 / jnp.sqrt(deg)
    dinv_ref[...] = dinv
    pk_ref[...] = ei_ref[0] | lax.shift_left(ei_ref[1], 16)
    yt_ref[...] = dinv * lax.dot_general(
        w1_ref[...].astype(jnp.bfloat16), x_ref[...].astype(jnp.bfloat16),
        (((0,), (1,)), ((), ())),
        preferred_element_type=jnp.float32)


def _mid_body(zy_ref, dinv_ref, b_ref, w_ref, out_ref):
    dinv = dinv_ref[...]
    h = jnp.tanh(dinv * zy_ref[...] + b_ref[...])
    out_ref[...] = dinv * lax.dot_general(
        w_ref[...].astype(jnp.bfloat16), h.astype(jnp.bfloat16),
        (((0,), (0,)), ((), ())),
        preferred_element_type=jnp.float32)


def _stage3_body(zy_ref, dinv_ref, b_ref, w3_ref, out_ref):
    dinv = dinv_ref[...]
    h = jnp.tanh(dinv * zy_ref[...] + b_ref[...])
    hb = h.astype(jnp.bfloat16).astype(jnp.float32)
    w3b = w3_ref[...].astype(jnp.bfloat16).astype(jnp.float32)
    out_ref[...] = dinv * jnp.sum(hb * w3b, axis=0, keepdims=True)


def _stage4_body(zp_ref, y_ref, dinv_ref, b3_ref, w4_ref, b4_ref, out_ref):
    z = jnp.sum(zp_ref[...], axis=0, keepdims=True)
    h = jnp.tanh(dinv_ref[...] * (z + y_ref[...]) + b3_ref[...])
    out_ref[...] = jnp.sum(h * w4_ref[...], axis=1, keepdims=True) + b4_ref[...]


def kernel(x, edge_index, W1, b1, W2, b2, W3, b3, W4, b4):
    n, f1 = x.shape
    e = edge_index.shape[1]
    h1 = W1.shape[1]
    h2 = W2.shape[1]
    col = edge_index[1]
    chunk = 6400

    cnt = _make_count(n, e)(col)

    ei3 = edge_index.reshape(2, e // 128, 128)
    yt1, dinv, packed = pl.pallas_call(
        _stage1_body,
        out_shape=[
            jax.ShapeDtypeStruct((h1, n), jnp.float32),
            jax.ShapeDtypeStruct((1, n), jnp.float32),
            jax.ShapeDtypeStruct((e // 128, 128), jnp.int32),
        ],
    )(W1, x, cnt, ei3)
    packed = packed.reshape(e)

    z1 = _make_prop(n, e, h1, chunk)(yt1, packed)

    yt2 = pl.pallas_call(
        _mid_body,
        out_shape=jax.ShapeDtypeStruct((h2, n), jnp.float32),
    )(z1, dinv, b1.reshape(-1, 1), W2)

    z2 = _make_prop(n, e, h2, chunk)(yt2, packed)

    yt3 = pl.pallas_call(
        _stage3_body,
        out_shape=jax.ShapeDtypeStruct((1, n), jnp.float32),
    )(z2, dinv, b2.reshape(-1, 1), W3)

    z3p = _make_prop1(n, e)(yt3, packed)

    out = pl.pallas_call(
        _stage4_body,
        out_shape=jax.ShapeDtypeStruct((1, 1), jnp.float32),
    )(z3p, yt3, dinv, b3.reshape(1, 1), W4.reshape(1, -1), b4.reshape(1, 1))

    return out.reshape(1)

# --- scband reference (transcript-rebuilt; emitter-appended) ---
"""Pipeline reference for scband-gcn-value-net-12884901888561 (READ-ONLY COPY).

The authoritative reference and input builder live on the scoring server;
editing this copy changes nothing except your own understanding.
"""

import jax, jax.numpy as jnp
import numpy as np

N = 10000
E = 320000
F1 = 128
H1 = 128
H2 = 64


def gcn_conv(x, edge_index, W, b):
    n = x.shape[0]
    loop = jnp.arange(n, dtype=edge_index.dtype)
    row = jnp.concatenate([edge_index[0], loop])
    col = jnp.concatenate([edge_index[1], loop])
    deg = jax.ops.segment_sum(jnp.ones_like(col, dtype=x.dtype), col, num_segments=n)
    dinv = jnp.where(deg > 0, 1.0 / jnp.sqrt(deg), 0.0)
    norm = dinv[row] * dinv[col]
    xw = x @ W
    out = jax.ops.segment_sum(norm[:, None] * xw[row], col, num_segments=n)
    return out + b


def setup_inputs(seed: int = 0) -> dict:
    key = jax.random.key(seed)
    ks = jax.random.split(key, 12)
    x = jax.random.normal(ks[0], (N, F1), dtype=jnp.float32)
    edge_index = jax.random.randint(ks[1], (2, E), 0, N, dtype=jnp.int32)
    W1 = jax.random.normal(ks[2], (F1, H1), dtype=jnp.float32) / np.sqrt(F1)
    b1 = jnp.zeros((H1,), dtype=jnp.float32)
    W2 = jax.random.normal(ks[3], (H1, H2), dtype=jnp.float32) / np.sqrt(H1)
    b2 = jnp.zeros((H2,), dtype=jnp.float32)
    W3 = jax.random.normal(ks[4], (H2, 1), dtype=jnp.float32) / np.sqrt(H2)
    b3 = jnp.zeros((1,), dtype=jnp.float32)
    W4 = jax.random.normal(ks[5], (N, 1), dtype=jnp.float32) / np.sqrt(N)
    b4 = jnp.zeros((1,), dtype=jnp.float32)
    return {"x": x, "edge_index": edge_index, "W1": W1, "b1": b1, "W2": W2, "b2": b2, "W3": W3, "b3": b3, "W4": W4, "b4": b4}


def reference(x, edge_index, W1, b1, W2, b2, W3, b3, W4, b4):
    h = jnp.tanh(gcn_conv(x, edge_index, W1, b1))
    h = jnp.tanh(gcn_conv(h, edge_index, W2, b2))
    h = jnp.tanh(gcn_conv(h, edge_index, W3, b3))
    h = h.reshape(-1)
    out = h @ W4 + b4
    return out

if __name__ == "__main__":
    import jax
    _d = setup_inputs()
    print(jax.jit(kernel)(*tuple(_d.values())))

</pallas_src>

<mosaic_0001>
#map = affine_map<(d0, d1) -> (0, 0)>
#map1 = affine_map<(d0, d1) -> (0)>
module attributes {stable_mosaic.version = 14 : i64} {
  func.func @prop(%arg0: i32, %arg1: i32, %arg2: memref<128x10000xf32, #tpu.memory_space<hbm>>, %arg3: memref<320000xi32, #tpu.memory_space<hbm>>, %arg4: memref<128x10000xf32, #tpu.memory_space<hbm>>, %arg5: memref<10000xf32, #tpu.memory_space<vmem>>, %arg6: memref<10000xf32, #tpu.memory_space<vmem>>, %arg7: memref<10000xf32, #tpu.memory_space<vmem>>, %arg8: memref<10000xf32, #tpu.memory_space<vmem>>, %arg9: memref<10000xf32, #tpu.memory_space<vmem>>, %arg10: memref<10000xf32, #tpu.memory_space<vmem>>, %arg11: memref<10000xf32, #tpu.memory_space<vmem>>, %arg12: memref<10000xf32, #tpu.memory_space<vmem>>, %arg13: memref<6400xi32, #tpu.memory_space<vmem>>, %arg14: memref<6400xi32, #tpu.memory_space<vmem>>, %arg15: memref<!tpu.dma_semaphore, #tpu.memory_space<semaphore_mem>>, %arg16: memref<!tpu.dma_semaphore, #tpu.memory_space<semaphore_mem>>, %arg17: memref<!tpu.dma_semaphore, #tpu.memory_space<semaphore_mem>>) attributes {dimension_semantics = [#tpu.dimension_semantics<core_parallel>, #tpu.dimension_semantics<subcore_parallel>], iteration_bounds = array<i64: 2, 16>, scalar_prefetch = 0 : i64, scratch_operands = 13 : i64, tpu.core_type = #tpu.core_type<sc_vector_subcore>, window_params = [{transform_indices = #map}, {transform_indices = #map1}, {transform_indices = #map}]} {
    %mul3A = arith.constant 2 : i32
    %mul3A_0 = arith.muli %arg1, %mul3A : i32
    %add3A = arith.addi %mul3A_0, %arg0 : i32
    %mul3A_1 = arith.constant 4 : i32
    %mul3A_2 = arith.muli %add3A, %mul3A_1 : i32
    %dma_start3A = arith.constant 0 : i32
    %dma_start3A_3 = tpu.memref_slice %arg3[%dma_start3A] : memref<320000xi32, #tpu.memory_space<hbm>> -> memref<6400xi32, #tpu.memory_space<hbm>>
    %dma_start3A_4 = arith.constant 0 : i32
    %dma_start3A_5 = tpu.memref_slice %arg3[%dma_start3A_4] : memref<320000xi32, #tpu.memory_space<hbm>> -> memref<6400xi32, #tpu.memory_space<hbm>>
    tpu.enqueue_dma source(%dma_start3A_5 : memref<6400xi32, #tpu.memory_space<hbm>>) target(%arg13 : memref<6400xi32, #tpu.memory_space<vmem>>) target_semaphore(%arg15 : memref<!tpu.dma_semaphore, #tpu.memory_space<semaphore_mem>>)
    %dma_start3A_6 = arith.constant 6400 : i32
    %dma_start3A_7 = tpu.memref_slice %arg3[%dma_start3A_6] : memref<320000xi32, #tpu.memory_space<hbm>> -> memref<6400xi32, #tpu.memory_space<hbm>>
    %dma_start3A_8 = arith.constant 6400 : i32
    %dma_start3A_9 = tpu.memref_slice %arg3[%dma_start3A_8] : memref<320000xi32, #tpu.memory_space<hbm>> -> memref<6400xi32, #tpu.memory_space<hbm>>
    tpu.enqueue_dma source(%dma_start3A_9 : memref<6400xi32, #tpu.memory_space<hbm>>) target(%arg14 : memref<6400xi32, #tpu.memory_space<vmem>>) target_semaphore(%arg16 : memref<!tpu.dma_semaphore, #tpu.memory_space<semaphore_mem>>)
    %add3A_10 = arith.constant 0 : i32
    %add3A_11 = arith.addi %mul3A_2, %add3A_10 : i32
    %dma_start3A_12 = arith.constant 0 : i32
    %dma_start3A_13 = tpu.memref_slice %arg2[%add3A_11, %dma_start3A_12] : memref<128x10000xf32, #tpu.memory_space<hbm>> -> memref<1x10000xf32, #tpu.memory_space<hbm>>
    %dma_start3A_14 = tpu.memref_squeeze %dma_start3A_13 : memref<1x10000xf32, #tpu.memory_space<hbm>> -> memref<10000xf32, #tpu.memory_space<hbm>>
    %dma_start3A_15 = arith.constant 0 : i32
    %dma_start3A_16 = tpu.memref_slice %arg2[%add3A_11, %dma_start3A_15] : memref<128x10000xf32, #tpu.memory_space<hbm>> -> memref<1x10000xf32, #tpu.memory_space<hbm>>
    %dma_start3A_17 = tpu.memref_squeeze %dma_start3A_16 : memref<1x10000xf32, #tpu.memory_space<hbm>> -> memref<10000xf32, #tpu.memory_space<hbm>>
    tpu.enqueue_dma source(%dma_start3A_17 : memref<10000xf32, #tpu.memory_space<hbm>>) target(%arg9 : memref<10000xf32, #tpu.memory_space<vmem>>) target_semaphore(%arg17 : memref<!tpu.dma_semaphore, #tpu.memory_space<semaphore_mem>>)
    %add3A_18 = arith.constant 1 : i32
    %add3A_19 = arith.addi %mul3A_2, %add3A_18 : i32
    %dma_start3A_20 = arith.constant 0 : i32
    %dma_start3A_21 = tpu.memref_slice %arg2[%add3A_19, %dma_start3A_20] : memref<128x10000xf32, #tpu.memory_space<hbm>> -> memref<1x10000xf32, #tpu.memory_space<hbm>>
    %dma_start3A_22 = tpu.memref_squeeze %dma_start3A_21 : memref<1x10000xf32, #tpu.memory_space<hbm>> -> memref<10000xf32, #tpu.memory_space<hbm>>
    %dma_start3A_23 = arith.constant 0 : i32
    %dma_start3A_24 = tpu.memref_slice %arg2[%add3A_19, %dma_start3A_23] : memref<128x10000xf32, #tpu.memory_space<hbm>> -> memref<1x10000xf32, #tpu.memory_space<hbm>>
    %dma_start3A_25 = tpu.memref_squeeze %dma_start3A_24 : memref<1x10000xf32, #tpu.memory_space<hbm>> -> memref<10000xf32, #tpu.memory_space<hbm>>
    tpu.enqueue_dma source(%dma_start3A_25 : memref<10000xf32, #tpu.memory_space<hbm>>) target(%arg10 : memref<10000xf32, #tpu.memory_space<vmem>>) target_semaphore(%arg17 : memref<!tpu.dma_semaphore, #tpu.memory_space<semaphore_mem>>)
    %add3A_26 = arith.constant 2 : i32
    %add3A_27 = arith.addi %mul3A_2, %add3A_26 : i32
    %dma_start3A_28 = arith.constant 0 : i32
    %dma_start3A_29 = tpu.memref_slice %arg2[%add3A_27, %dma_start3A_28] : memref<128x10000xf32, #tpu.memory_space<hbm>> -> memref<1x10000xf32, #tpu.memory_space<hbm>>
    %dma_start3A_30 = tpu.memref_squeeze %dma_start3A_29 : memref<1x10000xf32, #tpu.memory_space<hbm>> -> memref<10000xf32, #tpu.memory_space<hbm>>
    %dma_start3A_31 = arith.constant 0 : i32
    %dma_start3A_32 = tpu.memref_slice %arg2[%add3A_27, %dma_start3A_31] : memref<128x10000xf32, #tpu.memory_space<hbm>> -> memref<1x10000xf32, #tpu.memory_space<hbm>>
    %dma_start3A_33 = tpu.memref_squeeze %dma_start3A_32 : memref<1x10000xf32, #tpu.memory_space<hbm>> -> memref<10000xf32, #tpu.memory_space<hbm>>
    tpu.enqueue_dma source(%dma_start3A_33 : memref<10000xf32, #tpu.memory_space<hbm>>) target(%arg11 : memref<10000xf32, #tpu.memory_space<vmem>>) target_semaphore(%arg17 : memref<!tpu.dma_semaphore, #tpu.memory_space<semaphore_mem>>)
    %add3A_34 = arith.constant 3 : i32
    %add3A_35 = arith.addi %mul3A_2, %add3A_34 : i32
    %dma_start3A_36 = arith.constant 0 : i32
    %dma_start3A_37 = tpu.memref_slice %arg2[%add3A_35, %dma_start3A_36] : memref<128x10000xf32, #tpu.memory_space<hbm>> -> memref<1x10000xf32, #tpu.memory_space<hbm>>
    %dma_start3A_38 = tpu.memref_squeeze %dma_start3A_37 : memref<1x10000xf32, #tpu.memory_space<hbm>> -> memref<10000xf32, #tpu.memory_space<hbm>>
    %dma_start3A_39 = arith.constant 0 : i32
    %dma_start3A_40 = tpu.memref_slice %arg2[%add3A_35, %dma_start3A_39] : memref<128x10000xf32, #tpu.memory_space<hbm>> -> memref<1x10000xf32, #tpu.memory_space<hbm>>
    %dma_start3A_41 = tpu.memref_squeeze %dma_start3A_40 : memref<1x10000xf32, #tpu.memory_space<hbm>> -> memref<10000xf32, #tpu.memory_space<hbm>>
    tpu.enqueue_dma source(%dma_start3A_41 : memref<10000xf32, #tpu.memory_space<hbm>>) target(%arg12 : memref<10000xf32, #tpu.memory_space<vmem>>) target_semaphore(%arg17 : memref<!tpu.dma_semaphore, #tpu.memory_space<semaphore_mem>>)
    %add3A_42 = arith.constant 0 : i32
    %add3A_43 = arith.addi %mul3A_2, %add3A_42 : i32
    "tpu.region"() ({
      %run_scoped3A = tpu.sem_alloc : memref<!tpu.dma_semaphore, #tpu.memory_space<semaphore_mem>>
      %dma_start3A_87 = arith.constant 0 : i32
      %dma_start3A_88 = tpu.memref_slice %arg2[%add3A_43, %dma_start3A_87] : memref<128x10000xf32, #tpu.memory_space<hbm>> -> memref<1x10000xf32, #tpu.memory_space<hbm>>
      %dma_start3A_89 = tpu.memref_squeeze %dma_start3A_88 : memref<1x10000xf32, #tpu.memory_space<hbm>> -> memref<10000xf32, #tpu.memory_space<hbm>>
      %dma_start3A_90 = arith.constant 0 : i32
      %dma_start3A_91 = tpu.memref_slice %arg2[%add3A_43, %dma_start3A_90] : memref<128x10000xf32, #tpu.memory_space<hbm>> -> memref<1x10000xf32, #tpu.memory_space<hbm>>
      %dma_start3A_92 = tpu.memref_squeeze %dma_start3A_91 : memref<1x10000xf32, #tpu.memory_space<hbm>> -> memref<10000xf32, #tpu.memory_space<hbm>>
      tpu.enqueue_dma source(%dma_start3A_92 : memref<10000xf32, #tpu.memory_space<hbm>>) target(%arg5 : memref<10000xf32, #tpu.memory_space<vmem>>) target_semaphore(%run_scoped3A : memref<!tpu.dma_semaphore, #tpu.memory_space<semaphore_mem>>)
      %dma_wait3A_93 = arith.constant 0 : i32
      %dma_wait3A_94 = tpu.memref_slice %arg2[%add3A_43, %dma_wait3A_93] : memref<128x10000xf32, #tpu.memory_space<hbm>> -> memref<1x10000xf32, #tpu.memory_space<hbm>>
      %dma_wait3A_95 = tpu.memref_squeeze %dma_wait3A_94 : memref<1x10000xf32, #tpu.memory_space<hbm>> -> memref<10000xf32, #tpu.memory_space<hbm>>
      %dma_wait3A_96 = arith.constant 0 : i32
      %dma_wait3A_97 = tpu.memref_slice %arg2[%add3A_43, %dma_wait3A_96] : memref<128x10000xf32, #tpu.memory_space<hbm>> -> memref<1x10000xf32, #tpu.memory_space<hbm>>
      %dma_wait3A_98 = tpu.memref_squeeze %dma_wait3A_97 : memref<1x10000xf32, #tpu.memory_space<hbm>> -> memref<10000xf32, #tpu.memory_space<hbm>>
      tpu.wait_dma2 semaphore(%run_scoped3A : memref<!tpu.dma_semaphore, #tpu.memory_space<semaphore_mem>>) src(%dma_wait3A_98 : memref<10000xf32, #tpu.memory_space<hbm>>) dst(%arg5 : memref<10000xf32, #tpu.memory_space<vmem>>)
      tpu.yield
    }) : () -> ()
    %add3A_44 = arith.constant 1 : i32
    %add3A_45 = arith.addi %mul3A_2, %add3A_44 : i32
    "tpu.region"() ({
      %run_scoped3A = tpu.sem_alloc : memref<!tpu.dma_semaphore, #tpu.memory_space<semaphore_mem>>
      %dma_start3A_87 = arith.constant 0 : i32
      %dma_start3A_88 = tpu.memref_slice %arg2[%add3A_45, %dma_start3A_87] : memref<128x10000xf32, #tpu.memory_space<hbm>> -> memref<1x10000xf32, #tpu.memory_space<hbm>>
      %dma_start3A_89 = tpu.memref_squeeze %dma_start3A_88 : memref<1x10000xf32, #tpu.memory_space<hbm>> -> memref<10000xf32, #tpu.memory_space<hbm>>
      %dma_start3A_90 = arith.constant 0 : i32
      %dma_start3A_91 = tpu.memref_slice %arg2[%add3A_45, %dma_start3A_90] : memref<128x10000xf32, #tpu.memory_space<hbm>> -> memref<1x10000xf32, #tpu.memory_space<hbm>>
      %dma_start3A_92 = tpu.memref_squeeze %dma_start3A_91 : memref<1x10000xf32, #tpu.memory_space<hbm>> -> memref<10000xf32, #tpu.memory_space<hbm>>
      tpu.enqueue_dma source(%dma_start3A_92 : memref<10000xf32, #tpu.memory_space<hbm>>) target(%arg6 : memref<10000xf32, #tpu.memory_space<vmem>>) target_semaphore(%run_scoped3A : memref<!tpu.dma_semaphore, #tpu.memory_space<semaphore_mem>>)
      %dma_wait3A_93 = arith.constant 0 : i32
      %dma_wait3A_94 = tpu.memref_slice %arg2[%add3A_45, %dma_wait3A_93] : memref<128x10000xf32, #tpu.memory_space<hbm>> -> memref<1x10000xf32, #tpu.memory_space<hbm>>
      %dma_wait3A_95 = tpu.memref_squeeze %dma_wait3A_94 : memref<1x10000xf32, #tpu.memory_space<hbm>> -> memref<10000xf32, #tpu.memory_space<hbm>>
      %dma_wait3A_96 = arith.constant 0 : i32
      %dma_wait3A_97 = tpu.memref_slice %arg2[%add3A_45, %dma_wait3A_96] : memref<128x10000xf32, #tpu.memory_space<hbm>> -> memref<1x10000xf32, #tpu.memory_space<hbm>>
      %dma_wait3A_98 = tpu.memref_squeeze %dma_wait3A_97 : memref<1x10000xf32, #tpu.memory_space<hbm>> -> memref<10000xf32, #tpu.memory_space<hbm>>
      tpu.wait_dma2 semaphore(%run_scoped3A : memref<!tpu.dma_semaphore, #tpu.memory_space<semaphore_mem>>) src(%dma_wait3A_98 : memref<10000xf32, #tpu.memory_space<hbm>>) dst(%arg6 : memref<10000xf32, #tpu.memory_space<vmem>>)
      tpu.yield
    }) : () -> ()
    %add3A_46 = arith.constant 2 : i32
    %add3A_47 = arith.addi %mul3A_2, %add3A_46 : i32
    "tpu.region"() ({
      %run_scoped3A = tpu.sem_alloc : memref<!tpu.dma_semaphore, #tpu.memory_space<semaphore_mem>>
      %dma_start3A_87 = arith.constant 0 : i32
      %dma_start3A_88 = tpu.memref_slice %arg2[%add3A_47, %dma_start3A_87] : memref<128x10000xf32, #tpu.memory_space<hbm>> -> memref<1x10000xf32, #tpu.memory_space<hbm>>
      %dma_start3A_89 = tpu.memref_squeeze %dma_start3A_88 : memref<1x10000xf32, #tpu.memory_space<hbm>> -> memref<10000xf32, #tpu.memory_space<hbm>>
      %dma_start3A_90 = arith.constant 0 : i32
      %dma_start3A_91 = tpu.memref_slice %arg2[%add3A_47, %dma_start3A_90] : memref<128x10000xf32, #tpu.memory_space<hbm>> -> memref<1x10000xf32, #tpu.memory_space<hbm>>
      %dma_start3A_92 = tpu.memref_squeeze %dma_start3A_91 : memref<1x10000xf32, #tpu.memory_space<hbm>> -> memref<10000xf32, #tpu.memory_space<hbm>>
      tpu.enqueue_dma source(%dma_start3A_92 : memref<10000xf32, #tpu.memory_space<hbm>>) target(%arg7 : memref<10000xf32, #tpu.memory_space<vmem>>) target_semaphore(%run_scoped3A : memref<!tpu.dma_semaphore, #tpu.memory_space<semaphore_mem>>)
      %dma_wait3A_93 = arith.constant 0 : i32
      %dma_wait3A_94 = tpu.memref_slice %arg2[%add3A_47, %dma_wait3A_93] : memref<128x10000xf32, #tpu.memory_space<hbm>> -> memref<1x10000xf32, #tpu.memory_space<hbm>>
      %dma_wait3A_95 = tpu.memref_squeeze %dma_wait3A_94 : memref<1x10000xf32, #tpu.memory_space<hbm>> -> memref<10000xf32, #tpu.memory_space<hbm>>
      %dma_wait3A_96 = arith.constant 0 : i32
      %dma_wait3A_97 = tpu.memref_slice %arg2[%add3A_47, %dma_wait3A_96] : memref<128x10000xf32, #tpu.memory_space<hbm>> -> memref<1x10000xf32, #tpu.memory_space<hbm>>
      %dma_wait3A_98 = tpu.memref_squeeze %dma_wait3A_97 : memref<1x10000xf32, #tpu.memory_space<hbm>> -> memref<10000xf32, #tpu.memory_space<hbm>>
      tpu.wait_dma2 semaphore(%run_scoped3A : memref<!tpu.dma_semaphore, #tpu.memory_space<semaphore_mem>>) src(%dma_wait3A_98 : memref<10000xf32, #tpu.memory_space<hbm>>) dst(%arg7 : memref<10000xf32, #tpu.memory_space<vmem>>)
      tpu.yield
    }) : () -> ()
    %add3A_48 = arith.constant 3 : i32
    %add3A_49 = arith.addi %mul3A_2, %add3A_48 : i32
    "tpu.region"() ({
      %run_scoped3A = tpu.sem_alloc : memref<!tpu.dma_semaphore, #tpu.memory_space<semaphore_mem>>
      %dma_start3A_87 = arith.constant 0 : i32
      %dma_start3A_88 = tpu.memref_slice %arg2[%add3A_49, %dma_start3A_87] : memref<128x10000xf32, #tpu.memory_space<hbm>> -> memref<1x10000xf32, #tpu.memory_space<hbm>>
      %dma_start3A_89 = tpu.memref_squeeze %dma_start3A_88 : memref<1x10000xf32, #tpu.memory_space<hbm>> -> memref<10000xf32, #tpu.memory_space<hbm>>
      %dma_start3A_90 = arith.constant 0 : i32
      %dma_start3A_91 = tpu.memref_slice %arg2[%add3A_49, %dma_start3A_90] : memref<128x10000xf32, #tpu.memory_space<hbm>> -> memref<1x10000xf32, #tpu.memory_space<hbm>>
      %dma_start3A_92 = tpu.memref_squeeze %dma_start3A_91 : memref<1x10000xf32, #tpu.memory_space<hbm>> -> memref<10000xf32, #tpu.memory_space<hbm>>
      tpu.enqueue_dma source(%dma_start3A_92 : memref<10000xf32, #tpu.memory_space<hbm>>) target(%arg8 : memref<10000xf32, #tpu.memory_space<vmem>>) target_semaphore(%run_scoped3A : memref<!tpu.dma_semaphore, #tpu.memory_space<semaphore_mem>>)
      %dma_wait3A_93 = arith.constant 0 : i32
      %dma_wait3A_94 = tpu.memref_slice %arg2[%add3A_49, %dma_wait3A_93] : memref<128x10000xf32, #tpu.memory_space<hbm>> -> memref<1x10000xf32, #tpu.memory_space<hbm>>
      %dma_wait3A_95 = tpu.memref_squeeze %dma_wait3A_94 : memref<1x10000xf32, #tpu.memory_space<hbm>> -> memref<10000xf32, #tpu.memory_space<hbm>>
      %dma_wait3A_96 = arith.constant 0 : i32
      %dma_wait3A_97 = tpu.memref_slice %arg2[%add3A_49, %dma_wait3A_96] : memref<128x10000xf32, #tpu.memory_space<hbm>> -> memref<1x10000xf32, #tpu.memory_space<hbm>>
      %dma_wait3A_98 = tpu.memref_squeeze %dma_wait3A_97 : memref<1x10000xf32, #tpu.memory_space<hbm>> -> memref<10000xf32, #tpu.memory_space<hbm>>
      tpu.wait_dma2 semaphore(%run_scoped3A : memref<!tpu.dma_semaphore, #tpu.memory_space<semaphore_mem>>) src(%dma_wait3A_98 : memref<10000xf32, #tpu.memory_space<hbm>>) dst(%arg8 : memref<10000xf32, #tpu.memory_space<vmem>>)
      tpu.yield
    }) : () -> ()
    %dma_wait3A = arith.constant 0 : i32
    %dma_wait3A_50 = tpu.memref_slice %arg2[%add3A_11, %dma_wait3A] : memref<128x10000xf32, #tpu.memory_space<hbm>> -> memref<1x10000xf32, #tpu.memory_space<hbm>>
    %dma_wait3A_51 = tpu.memref_squeeze %dma_wait3A_50 : memref<1x10000xf32, #tpu.memory_space<hbm>> -> memref<10000xf32, #tpu.memory_space<hbm>>
    %dma_wait3A_52 = arith.constant 0 : i32
    %dma_wait3A_53 = tpu.memref_slice %arg2[%add3A_11, %dma_wait3A_52] : memref<128x10000xf32, #tpu.memory_space<hbm>> -> memref<1x10000xf32, #tpu.memory_space<hbm>>
    %dma_wait3A_54 = tpu.memref_squeeze %dma_wait3A_53 : memref<1x10000xf32, #tpu.memory_space<hbm>> -> memref<10000xf32, #tpu.memory_space<hbm>>
    tpu.wait_dma2 semaphore(%arg17 : memref<!tpu.dma_semaphore, #tpu.memory_space<semaphore_mem>>) src(%dma_wait3A_54 : memref<10000xf32, #tpu.memory_space<hbm>>) dst(%arg9 : memref<10000xf32, #tpu.memory_space<vmem>>)
    %dma_wait3A_55 = arith.constant 0 : i32
    %dma_wait3A_56 = tpu.memref_slice %arg2[%add3A_19, %dma_wait3A_55] : memref<128x10000xf32, #tpu.memory_space<hbm>> -> memref<1x10000xf32, #tpu.memory_space<hbm>>
    %dma_wait3A_57 = tpu.memref_squeeze %dma_wait3A_56 : memref<1x10000xf32, #tpu.memory_space<hbm>> -> memref<10000xf32, #tpu.memory_space<hbm>>
    %dma_wait3A_58 = arith.constant 0 : i32
    %dma_wait3A_59 = tpu.memref_slice %arg2[%add3A_19, %dma_wait3A_58] : memref<128x10000xf32, #tpu.memory_space<hbm>> -> memref<1x10000xf32, #tpu.memory_space<hbm>>
    %dma_wait3A_60 = tpu.memref_squeeze %dma_wait3A_59 : memref<1x10000xf32, #tpu.memory_space<hbm>> -> memref<10000xf32, #tpu.memory_space<hbm>>
    tpu.wait_dma2 semaphore(%arg17 : memref<!tpu.dma_semaphore, #tpu.memory_space<semaphore_mem>>) src(%dma_wait3A_60 : memref<10000xf32, #tpu.memory_space<hbm>>) dst(%arg10 : memref<10000xf32, #tpu.memory_space<vmem>>)
    %dma_wait3A_61 = arith.constant 0 : i32
    %dma_wait3A_62 = tpu.memref_slice %arg2[%add3A_27, %dma_wait3A_61] : memref<128x10000xf32, #tpu.memory_space<hbm>> -> memref<1x10000xf32, #tpu.memory_space<hbm>>
    %dma_wait3A_63 = tpu.memref_squeeze %dma_wait3A_62 : memref<1x10000xf32, #tpu.memory_space<hbm>> -> memref<10000xf32, #tpu.memory_space<hbm>>
    %dma_wait3A_64 = arith.constant 0 : i32
    %dma_wait3A_65 = tpu.memref_slice %arg2[%add3A_27, %dma_wait3A_64] : memref<128x10000xf32, #tpu.memory_space<hbm>> -> memref<1x10000xf32, #tpu.memory_space<hbm>>
    %dma_wait3A_66 = tpu.memref_squeeze %dma_wait3A_65 : memref<1x10000xf32, #tpu.memory_space<hbm>> -> memref<10000xf32, #tpu.memory_space<hbm>>
    tpu.wait_dma2 semaphore(%arg17 : memref<!tpu.dma_semaphore, #tpu.memory_space<semaphore_mem>>) src(%dma_wait3A_66 : memref<10000xf32, #tpu.memory_space<hbm>>) dst(%arg11 : memref<10000xf32, #tpu.memory_space<vmem>>)
    %dma_wait3A_67 = arith.constant 0 : i32
    %dma_wait3A_68 = tpu.memref_slice %arg2[%add3A_35, %dma_wait3A_67] : memref<128x10000xf32, #tpu.memory_space<hbm>> -> memref<1x10000xf32, #tpu.memory_space<hbm>>
    %dma_wait3A_69 = tpu.memref_squeeze %dma_wait3A_68 : memref<1x10000xf32, #tpu.memory_space<hbm>> -> memref<10000xf32, #tpu.memory_space<hbm>>
    %dma_wait3A_70 = arith.constant 0 : i32
    %dma_wait3A_71 = tpu.memref_slice %arg2[%add3A_35, %dma_wait3A_70] : memref<128x10000xf32, #tpu.memory_space<hbm>> -> memref<1x10000xf32, #tpu.memory_space<hbm>>
    %dma_wait3A_72 = tpu.memref_squeeze %dma_wait3A_71 : memref<1x10000xf32, #tpu.memory_space<hbm>> -> memref<10000xf32, #tpu.memory_space<hbm>>
    tpu.wait_dma2 semaphore(%arg17 : memref<!tpu.dma_semaphore, #tpu.memory_space<semaphore_mem>>) src(%dma_wait3A_72 : memref<10000xf32, #tpu.memory_space<hbm>>) dst(%arg12 : memref<10000xf32, #tpu.memory_space<vmem>>)
    %broadcast_in_dim3A = arith.constant 65535 : i32
    %broadcast_in_dim3A_73 = vector.broadcast %broadcast_in_dim3A : i32 to vector<16xi32>
    %scan3A = arith.constant 0 : i32
    %scan3A_74 = arith.constant 0 : i32
    %scan3A_75 = arith.constant 25 : i32
    %scan3A_76 = arith.addi %scan3A_74, %scan3A_75 : i32
    %scan3A_77 = arith.constant 1 : i32
    scf.for %scan3A_87 = %scan3A_74 to %scan3A_76 step %scan3A_77  : i32 {
      %mul3A_88 = arith.constant 2 : i32
      %mul3A_89 = arith.muli %scan3A_87, %mul3A_88 : i32
      %add3A_90 = arith.constant 0 : i32
      %add3A_91 = arith.addi %mul3A_89, %add3A_90 : i32
      %dma_wait3A_92 = arith.constant 0 : i32
      %dma_wait3A_93 = tpu.memref_slice %arg3[%dma_wait3A_92] : memref<320000xi32, #tpu.memory_space<hbm>> -> memref<6400xi32, #tpu.memory_space<hbm>>
      %dma_wait3A_94 = arith.constant 0 : i32
      %dma_wait3A_95 = tpu.memref_slice %arg3[%dma_wait3A_94] : memref<320000xi32, #tpu.memory_space<hbm>> -> memref<6400xi32, #tpu.memory_space<hbm>>
      tpu.wait_dma2 semaphore(%arg15 : memref<!tpu.dma_semaphore, #tpu.memory_space<semaphore_mem>>) src(%dma_wait3A_95 : memref<6400xi32, #tpu.memory_space<hbm>>) dst(%arg13 : memref<6400xi32, #tpu.memory_space<vmem>>)
      %scan3A_96 = arith.constant 0 : i32
      %scan3A_97 = arith.constant 0 : i32
      %scan3A_98 = arith.constant 50 : i32
      %scan3A_99 = arith.addi %scan3A_97, %scan3A_98 : i32
      %scan3A_100 = arith.constant 1 : i32
      scf.for %scan3A_127 = %scan3A_97 to %scan3A_99 step %scan3A_100  : i32 {
        %mul3A_128 = arith.constant 128 : i32
        %mul3A_129 = arith.muli %scan3A_127, %mul3A_128 : i32
        %add3A_130 = arith.constant 0 : i32
        %add3A_131 = arith.addi %mul3A_129, %add3A_130 : i32
        %get3A = arith.index_cast %add3A_131 : i32 to index
        %get3A_132 = tpu.vector_load %arg13[%get3A] {strides = array<i32>} : memref<6400xi32, #tpu.memory_space<vmem>>, vector<16xi32>,
        %and3A = arith.andi %get3A_132, %broadcast_in_dim3A_73 : vector<16xi32>
        %shift_right_logical3A = arith.constant 16 : i32
        %shift_right_logical3A_133 = vector.broadcast %shift_right_logical3A : i32 to vector<16xi32>
        %shift_right_logical3A_134 = arith.shrui %get3A_132, %shift_right_logical3A_133 : vector<16xi32>
        %gather3A = tpu.vector_load_idx %arg5[%and3A] : memref<10000xf32, #tpu.memory_space<vmem>>[vector<16xi32>], vector<16xf32>,
        %gather3A_135 = tpu.vector_load_idx %arg6[%and3A] : memref<10000xf32, #tpu.memory_space<vmem>>[vector<16xi32>], vector<16xf32>,
        %gather3A_136 = tpu.vector_load_idx %arg7[%and3A] : memref<10000xf32, #tpu.memory_space<vmem>>[vector<16xi32>], vector<16xf32>,
        %gather3A_137 = tpu.vector_load_idx %arg8[%and3A] : memref<10000xf32, #tpu.memory_space<vmem>>[vector<16xi32>], vector<16xf32>,
        %add3A_138 = arith.constant 16 : i32
        %add3A_139 = arith.addi %mul3A_129, %add3A_138 : i32
        %get3A_140 = arith.index_cast %add3A_139 : i32 to index
        %get3A_141 = tpu.vector_load %arg13[%get3A_140] {strides = array<i32>} : memref<6400xi32, #tpu.memory_space<vmem>>, vector<16xi32>,
        %and3A_142 = arith.andi %get3A_141, %broadcast_in_dim3A_73 : vector<16xi32>
        %shift_right_logical3A_143 = arith.constant 16 : i32
        %shift_right_logical3A_144 = vector.broadcast %shift_right_logical3A_143 : i32 to vector<16xi32>
        %shift_right_logical3A_145 = arith.shrui %get3A_141, %shift_right_logical3A_144 : vector<16xi32>
        %gather3A_146 = tpu.vector_load_idx %arg5[%and3A_142] : memref<10000xf32, #tpu.memory_space<vmem>>[vector<16xi32>], vector<16xf32>,
        %gather3A_147 = tpu.vector_load_idx %arg6[%and3A_142] : memref<10000xf32, #tpu.memory_space<vmem>>[vector<16xi32>], vector<16xf32>,
        %gather3A_148 = tpu.vector_load_idx %arg7[%and3A_142] : memref<10000xf32, #tpu.memory_space<vmem>>[vector<16xi32>], vector<16xf32>,
        %gather3A_149 = tpu.vector_load_idx %arg8[%and3A_142] : memref<10000xf32, #tpu.memory_space<vmem>>[vector<16xi32>], vector<16xf32>,
        %add3A_150 = arith.constant 32 : i32
        %add3A_151 = arith.addi %mul3A_129, %add3A_150 : i32
        %get3A_152 = arith.index_cast %add3A_151 : i32 to index
        %get3A_153 = tpu.vector_load %arg13[%get3A_152] {strides = array<i32>} : memref<6400xi32, #tpu.memory_space<vmem>>, vector<16xi32>,
        %and3A_154 = arith.andi %get3A_153, %broadcast_in_dim3A_73 : vector<16xi32>
        %shift_right_logical3A_155 = arith.constant 16 : i32
        %shift_right_logical3A_156 = vector.broadcast %shift_right_logical3A_155 : i32 to vector<16xi32>
        %shift_right_logical3A_157 = arith.shrui %get3A_153, %shift_right_logical3A_156 : vector<16xi32>
        %gather3A_158 = tpu.vector_load_idx %arg5[%and3A_154] : memref<10000xf32, #tpu.memory_space<vmem>>[vector<16xi32>], vector<16xf32>,
        %gather3A_159 = tpu.vector_load_idx %arg6[%and3A_154] : memref<10000xf32, #tpu.memory_space<vmem>>[vector<16xi32>], vector<16xf32>,
        %gather3A_160 = tpu.vector_load_idx %arg7[%and3A_154] : memref<10000xf32, #tpu.memory_space<vmem>>[vector<16xi32>], vector<16xf32>,
        %gather3A_161 = tpu.vector_load_idx %arg8[%and3A_154] : memref<10000xf32, #tpu.memory_space<vmem>>[vector<16xi32>], vector<16xf32>,
        %add3A_162 = arith.constant 48 : i32
        %add3A_163 = arith.addi %mul3A_129, %add3A_162 : i32
        %get3A_164 = arith.index_cast %add3A_163 : i32 to index
        %get3A_165 = tpu.vector_load %arg13[%get3A_164] {strides = array<i32>} : memref<6400xi32, #tpu.memory_space<vmem>>, vector<16xi32>,
        %and3A_166 = arith.andi %get3A_165, %broadcast_in_dim3A_73 : vector<16xi32>
        %shift_right_logical3A_167 = arith.constant 16 : i32
        %shift_right_logical3A_168 = vector.broadcast %shift_right_logical3A_167 : i32 to vector<16xi32>
        %shift_right_logical3A_169 = arith.shrui %get3A_165, %shift_right_logical3A_168 : vector<16xi32>
        %gather3A_170 = tpu.vector_load_idx %arg5[%and3A_166] : memref<10000xf32, #tpu.memory_space<vmem>>[vector<16xi32>], vector<16xf32>,
        %gather3A_171 = tpu.vector_load_idx %arg6[%and3A_166] : memref<10000xf32, #tpu.memory_space<vmem>>[vector<16xi32>], vector<16xf32>,
        %gather3A_172 = tpu.vector_load_idx %arg7[%and3A_166] : memref<10000xf32, #tpu.memory_space<vmem>>[vector<16xi32>], vector<16xf32>,
        %gather3A_173 = tpu.vector_load_idx %arg8[%and3A_166] : memref<10000xf32, #tpu.memory_space<vmem>>[vector<16xi32>], vector<16xf32>,
        %add3A_174 = arith.constant 64 : i32
        %add3A_175 = arith.addi %mul3A_129, %add3A_174 : i32
        %get3A_176 = arith.index_cast %add3A_175 : i32 to index
        %get3A_177 = tpu.vector_load %arg13[%get3A_176] {strides = array<i32>} : memref<6400xi32, #tpu.memory_space<vmem>>, vector<16xi32>,
        %and3A_178 = arith.andi %get3A_177, %broadcast_in_dim3A_73 : vector<16xi32>
        %shift_right_logical3A_179 = arith.constant 16 : i32
        %shift_right_logical3A_180 = vector.broadcast %shift_right_logical3A_179 : i32 to vector<16xi32>
        %shift_right_logical3A_181 = arith.shrui %get3A_177, %shift_right_logical3A_180 : vector<16xi32>
        %gather3A_182 = tpu.vector_load_idx %arg5[%and3A_178] : memref<10000xf32, #tpu.memory_space<vmem>>[vector<16xi32>], vector<16xf32>,
        %gather3A_183 = tpu.vector_load_idx %arg6[%and3A_178] : memref<10000xf32, #tpu.memory_space<vmem>>[vector<16xi32>], vector<16xf32>,
        %gather3A_184 = tpu.vector_load_idx %arg7[%and3A_178] : memref<10000xf32, #tpu.memory_space<vmem>>[vector<16xi32>], vector<16xf32>,
        %gather3A_185 = tpu.vector_load_idx %arg8[%and3A_178] : memref<10000xf32, #tpu.memory_space<vmem>>[vector<16xi32>], vector<16xf32>,
        %add3A_186 = arith.constant 80 : i32
        %add3A_187 = arith.addi %mul3A_129, %add3A_186 : i32
        %get3A_188 = arith.index_cast %add3A_187 : i32 to index
        %get3A_189 = tpu.vector_load %arg13[%get3A_188] {strides = array<i32>} : memref<6400xi32, #tpu.memory_space<vmem>>, vector<16xi32>,
        %and3A_190 = arith.andi %get3A_189, %broadcast_in_dim3A_73 : vector<16xi32>
        %shift_right_logical3A_191 = arith.constant 16 : i32
        %shift_right_logical3A_192 = vector.broadcast %shift_right_logical3A_191 : i32 to vector<16xi32>
        %shift_right_logical3A_193 = arith.shrui %get3A_189, %shift_right_logical3A_192 : vector<16xi32>
        %gather3A_194 = tpu.vector_load_idx %arg5[%and3A_190] : memref<10000xf32, #tpu.memory_space<vmem>>[vector<16xi32>], vector<16xf32>,
        %gather3A_195 = tpu.vector_load_idx %arg6[%and3A_190] : memref<10000xf32, #tpu.memory_space<vmem>>[vector<16xi32>], vector<16xf32>,
        %gather3A_196 = tpu.vector_load_idx %arg7[%and3A_190] : memref<10000xf32, #tpu.memory_space<vmem>>[vector<16xi32>], vector<16xf32>,
        %gather3A_197 = tpu.vector_load_idx %arg8[%and3A_190] : memref<10000xf32, #tpu.memory_space<vmem>>[vector<16xi32>], vector<16xf32>,
        %add3A_198 = arith.constant 96 : i32
        %add3A_199 = arith.addi %mul3A_129, %add3A_198 : i32
        %get3A_200 = arith.index_cast %add3A_199 : i32 to index
        %get3A_201 = tpu.vector_load %arg13[%get3A_200] {strides = array<i32>} : memref<6400xi32, #tpu.memory_space<vmem>>, vector<16xi32>,
        %and3A_202 = arith.andi %get3A_201, %broadcast_in_dim3A_73 : vector<16xi32>
        %shift_right_logical3A_203 = arith.constant 16 : i32
        %shift_right_logical3A_204 = vector.broadcast %shift_right_logical3A_203 : i32 to vector<16xi32>
        %shift_right_logical3A_205 = arith.shrui %get3A_201, %shift_right_logical3A_204 : vector<16xi32>
        %gather3A_206 = tpu.vector_load_idx %arg5[%and3A_202] : memref<10000xf32, #tpu.memory_space<vmem>>[vector<16xi32>], vector<16xf32>,
        %gather3A_207 = tpu.vector_load_idx %arg6[%and3A_202] : memref<10000xf32, #tpu.memory_space<vmem>>[vector<16xi32>], vector<16xf32>,
        %gather3A_208 = tpu.vector_load_idx %arg7[%and3A_202] : memref<10000xf32, #tpu.memory_space<vmem>>[vector<16xi32>], vector<16xf32>,
        %gather3A_209 = tpu.vector_load_idx %arg8[%and3A_202] : memref<10000xf32, #tpu.memory_space<vmem>>[vector<16xi32>], vector<16xf32>,
        %add3A_210 = arith.constant 112 : i32
        %add3A_211 = arith.addi %mul3A_129, %add3A_210 : i32
        %get3A_212 = arith.index_cast %add3A_211 : i32 to index
        %get3A_213 = tpu.vector_load %arg13[%get3A_212] {strides = array<i32>} : memref<6400xi32, #tpu.memory_space<vmem>>, vector<16xi32>,
        %and3A_214 = arith.andi %get3A_213, %broadcast_in_dim3A_73 : vector<16xi32>
        %shift_right_logical3A_215 = arith.constant 16 : i32
        %shift_right_logical3A_216 = vector.broadcast %shift_right_logical3A_215 : i32 to vector<16xi32>
        %shift_right_logical3A_217 = arith.shrui %get3A_213, %shift_right_logical3A_216 : vector<16xi32>
        %gather3A_218 = tpu.vector_load_idx %arg5[%and3A_214] : memref<10000xf32, #tpu.memory_space<vmem>>[vector<16xi32>], vector<16xf32>,
        %gather3A_219 = tpu.vector_load_idx %arg6[%and3A_214] : memref<10000xf32, #tpu.memory_space<vmem>>[vector<16xi32>], vector<16xf32>,
        %gather3A_220 = tpu.vector_load_idx %arg7[%and3A_214] : memref<10000xf32, #tpu.memory_space<vmem>>[vector<16xi32>], vector<16xf32>,
        %gather3A_221 = tpu.vector_load_idx %arg8[%and3A_214] : memref<10000xf32, #tpu.memory_space<vmem>>[vector<16xi32>], vector<16xf32>,
        tpu.vector_store_idx %arg9[%shift_right_logical3A_134], %gather3A {add = true} : memref<10000xf32, #tpu.memory_space<vmem>>[vector<16xi32>], vector<16xf32>,
        tpu.vector_store_idx %arg10[%shift_right_logical3A_134], %gather3A_135 {add = true} : memref<10000xf32, #tpu.memory_space<vmem>>[vector<16xi32>], vector<16xf32>,
        tpu.vector_store_idx %arg11[%shift_right_logical3A_134], %gather3A_136 {add = true} : memref<10000xf32, #tpu.memory_space<vmem>>[vector<16xi32>], vector<16xf32>,
        tpu.vector_store_idx %arg12[%shift_right_logical3A_134], %gather3A_137 {add = true} : memref<10000xf32, #tpu.memory_space<vmem>>[vector<16xi32>], vector<16xf32>,
        tpu.vector_store_idx %arg9[%shift_right_logical3A_145], %gather3A_146 {add = true} : memref<10000xf32, #tpu.memory_space<vmem>>[vector<16xi32>], vector<16xf32>,
        tpu.vector_store_idx %arg10[%shift_right_logical3A_145], %gather3A_147 {add = true} : memref<10000xf32, #tpu.memory_space<vmem>>[vector<16xi32>], vector<16xf32>,
        tpu.vector_store_idx %arg11[%shift_right_logical3A_145], %gather3A_148 {add = true} : memref<10000xf32, #tpu.memory_space<vmem>>[vector<16xi32>], vector<16xf32>,
        tpu.vector_store_idx %arg12[%shift_right_logical3A_145], %gather3A_149 {add = true} : memref<10000xf32, #tpu.memory_space<vmem>>[vector<16xi32>], vector<16xf32>,
        tpu.vector_store_idx %arg9[%shift_right_logical3A_157], %gather3A_158 {add = true} : memref<10000xf32, #tpu.memory_space<vmem>>[vector<16xi32>], vector<16xf32>,
        tpu.vector_store_idx %arg10[%shift_right_logical3A_157], %gather3A_159 {add = true} : memref<10000xf32, #tpu.memory_space<vmem>>[vector<16xi32>], vector<16xf32>,
        tpu.vector_store_idx %arg11[%shift_right_logical3A_157], %gather3A_160 {add = true} : memref<10000xf32, #tpu.memory_space<vmem>>[vector<16xi32>], vector<16xf32>,
        tpu.vector_store_idx %arg12[%shift_right_logical3A_157], %gather3A_161 {add = true} : memref<10000xf32, #tpu.memory_space<vmem>>[vector<16xi32>], vector<16xf32>,
        tpu.vector_store_idx %arg9[%shift_right_logical3A_169], %gather3A_170 {add = true} : memref<10000xf32, #tpu.memory_space<vmem>>[vector<16xi32>], vector<16xf32>,
        tpu.vector_store_idx %arg10[%shift_right_logical3A_169], %gather3A_171 {add = true} : memref<10000xf32, #tpu.memory_space<vmem>>[vector<16xi32>], vector<16xf32>,
        tpu.vector_store_idx %arg11[%shift_right_logical3A_169], %gather3A_172 {add = true} : memref<10000xf32, #tpu.memory_space<vmem>>[vector<16xi32>], vector<16xf32>,
        tpu.vector_store_idx %arg12[%shift_right_logical3A_169], %gather3A_173 {add = true} : memref<10000xf32, #tpu.memory_space<vmem>>[vector<16xi32>], vector<16xf32>,
        tpu.vector_store_idx %arg9[%shift_right_logical3A_181], %gather3A_182 {add = true} : memref<10000xf32, #tpu.memory_space<vmem>>[vector<16xi32>], vector<16xf32>,
        tpu.vector_store_idx %arg10[%shift_right_logical3A_181], %gather3A_183 {add = true} : memref<10000xf32, #tpu.memory_space<vmem>>[vector<16xi32>], vector<16xf32>,
        tpu.vector_store_idx %arg11[%shift_right_logical3A_181], %gather3A_184 {add = true} : memref<10000xf32, #tpu.memory_space<vmem>>[vector<16xi32>], vector<16xf32>,
        tpu.vector_store_idx %arg12[%shift_right_logical3A_181], %gather3A_185 {add = true} : memref<10000xf32, #tpu.memory_space<vmem>>[vector<16xi32>], vector<16xf32>,
        tpu.vector_store_idx %arg9[%shift_right_logical3A_193], %gather3A_194 {add = true} : memref<10000xf32, #tpu.memory_space<vmem>>[vector<16xi32>], vector<16xf32>,
        tpu.vector_store_idx %arg10[%shift_right_logical3A_193], %gather3A_195 {add = true} : memref<10000xf32, #tpu.memory_space<vmem>>[vector<16xi32>], vector<16xf32>,
        tpu.vector_store_idx %arg11[%shift_right_logical3A_193], %gather3A_196 {add = true} : memref<10000xf32, #tpu.memory_space<vmem>>[vector<16xi32>], vector<16xf32>,
        tpu.vector_store_idx %arg12[%shift_right_logical3A_193], %gather3A_197 {add = true} : memref<10000xf32, #tpu.memory_space<vmem>>[vector<16xi32>], vector<16xf32>,
        tpu.vector_store_idx %arg9[%shift_right_logical3A_205], %gather3A_206 {add = true} : memref<10000xf32, #tpu.memory_space<vmem>>[vector<16xi32>], vector<16xf32>,
        tpu.vector_store_idx %arg10[%shift_right_logical3A_205], %gather3A_207 {add = true} : memref<10000xf32, #tpu.memory_space<vmem>>[vector<16xi32>], vector<16xf32>,
        tpu.vector_store_idx %arg11[%shift_right_logical3A_205], %gather3A_208 {add = true} : memref<10000xf32, #tpu.memory_space<vmem>>[vector<16xi32>], vector<16xf32>,
        tpu.vector_store_idx %arg12[%shift_right_logical3A_205], %gather3A_209 {add = true} : memref<10000xf32, #tpu.memory_space<vmem>>[vector<16xi32>], vector<16xf32>,
        tpu.vector_store_idx %arg9[%shift_right_logical3A_217], %gather3A_218 {add = true} : memref<10000xf32, #tpu.memory_space<vmem>>[vector<16xi32>], vector<16xf32>,
        tpu.vector_store_idx %arg10[%shift_right_logical3A_217], %gather3A_219 {add = true} : memref<10000xf32, #tpu.memory_space<vmem>>[vector<16xi32>], vector<16xf32>,
        tpu.vector_store_idx %arg11[%shift_right_logical3A_217], %gather3A_220 {add = true} : memref<10000xf32, #tpu.memory_space<vmem>>[vector<16xi32>], vector<16xf32>,
        tpu.vector_store_idx %arg12[%shift_right_logical3A_217], %gather3A_221 {add = true} : memref<10000xf32, #tpu.memory_space<vmem>>[vector<16xi32>], vector<16xf32>,
      }
      %scan3A_101 = arith.constant 50 : i32
      %add3A_102 = arith.constant 2 : i32
      %add3A_103 = arith.addi %add3A_91, %add3A_102 : i32
      %lt3A = arith.constant 50 : i32
      %lt3A_104 = arith.cmpi slt, %add3A_103, %lt3A : i32
      %convert_element_type3A = arith.extui %lt3A_104 : i1 to i32
      %cond3A = arith.constant 0 : i32
      %cond3A_105 = arith.cmpi ne, %convert_element_type3A, %cond3A : i32
      scf.if %cond3A_105 {
        %add3A_127 = arith.constant 2 : i32
        %add3A_128 = arith.addi %add3A_91, %add3A_127 : i32
        %mul3A_129 = arith.constant 6400 : i32
        %mul3A_130 = arith.muli %add3A_128, %mul3A_129 : i32
        %dma_start3A_131 = tpu.memref_slice %arg3[%mul3A_130] : memref<320000xi32, #tpu.memory_space<hbm>> -> memref<6400xi32, #tpu.memory_space<hbm>>
        %dma_start3A_132 = tpu.memref_slice %arg3[%mul3A_130] : memref<320000xi32, #tpu.memory_space<hbm>> -> memref<6400xi32, #tpu.memory_space<hbm>>
        tpu.enqueue_dma source(%dma_start3A_132 : memref<6400xi32, #tpu.memory_space<hbm>>) target(%arg13 : memref<6400xi32, #tpu.memory_space<vmem>>) target_semaphore(%arg15 : memref<!tpu.dma_semaphore, #tpu.memory_space<semaphore_mem>>)
      } else {
      }
      %mul3A_106 = arith.constant 2 : i32
      %mul3A_107 = arith.muli %scan3A_87, %mul3A_106 : i32
      %add3A_108 = arith.constant 1 : i32
      %add3A_109 = arith.addi %mul3A_107, %add3A_108 : i32
      %dma_wait3A_110 = arith.constant 0 : i32
      %dma_wait3A_111 = tpu.memref_slice %arg3[%dma_wait3A_110] : memref<320000xi32, #tpu.memory_space<hbm>> -> memref<6400xi32, #tpu.memory_space<hbm>>
      %dma_wait3A_112 = arith.constant 0 : i32
      %dma_wait3A_113 = tpu.memref_slice %arg3[%dma_wait3A_112] : memref<320000xi32, #tpu.memory_space<hbm>> -> memref<6400xi32, #tpu.memory_space<hbm>>
      tpu.wait_dma2 semaphore(%arg16 : memref<!tpu.dma_semaphore, #tpu.memory_space<semaphore_mem>>) src(%dma_wait3A_113 : memref<6400xi32, #tpu.memory_space<hbm>>) dst(%arg14 : memref<6400xi32, #tpu.memory_space<vmem>>)
      %scan3A_114 = arith.constant 0 : i32
      %scan3A_115 = arith.constant 0 : i32
      %scan3A_116 = arith.constant 50 : i32
      %scan3A_117 = arith.addi %scan3A_115, %scan3A_116 : i32
      %scan3A_118 = arith.constant 1 : i32
      scf.for %scan3A_127 = %scan3A_115 to %scan3A_117 step %scan3A_118  : i32 {
        %mul3A_128 = arith.constant 128 : i32
        %mul3A_129 = arith.muli %scan3A_127, %mul3A_128 : i32
        %add3A_130 = arith.constant 0 : i32
        %add3A_131 = arith.addi %mul3A_129, %add3A_130 : i32
        %get3A = arith.index_cast %add3A_131 : i32 to index
        %get3A_132 = tpu.vector_load %arg14[%get3A] {strides = array<i32>} : memref<6400xi32, #tpu.memory_space<vmem>>, vector<16xi32>,
        %and3A = arith.andi %get3A_132, %broadcast_in_dim3A_73 : vector<16xi32>
        %shift_right_logical3A = arith.constant 16 : i32
        %shift_right_logical3A_133 = vector.broadcast %shift_right_logical3A : i32 to vector<16xi32>
        %shift_right_logical3A_134 = arith.shrui %get3A_132, %shift_right_logical3A_133 : vector<16xi32>
        %gather3A = tpu.vector_load_idx %arg5[%and3A] : memref<10000xf32, #tpu.memory_space<vmem>>[vector<16xi32>], vector<16xf32>,
        %gather3A_135 = tpu.vector_load_idx %arg6[%and3A] : memref<10000xf32, #tpu.memory_space<vmem>>[vector<16xi32>], vector<16xf32>,
        %gather3A_136 = tpu.vector_load_idx %arg7[%and3A] : memref<10000xf32, #tpu.memory_space<vmem>>[vector<16xi32>], vector<16xf32>,
        %gather3A_137 = tpu.vector_load_idx %arg8[%and3A] : memref<10000xf32, #tpu.memory_space<vmem>>[vector<16xi32>], vector<16xf32>,
        %add3A_138 = arith.constant 16 : i32
        %add3A_139 = arith.addi %mul3A_129, %add3A_138 : i32
        %get3A_140 = arith.index_cast %add3A_139 : i32 to index
        %get3A_141 = tpu.vector_load %arg14[%get3A_140] {strides = array<i32>} : memref<6400xi32, #tpu.memory_space<vmem>>, vector<16xi32>,
        %and3A_142 = arith.andi %get3A_141, %broadcast_in_dim3A_73 : vector<16xi32>
        %shift_right_logical3A_143 = arith.constant 16 : i32
        %shift_right_logical3A_144 = vector.broadcast %shift_right_logical3A_143 : i32 to vector<16xi32>
        %shift_right_logical3A_145 = arith.shrui %get3A_141, %shift_right_logical3A_144 : vector<16xi32>
        %gather3A_146 = tpu.vector_load_idx %arg5[%and3A_142] : memref<10000xf32, #tpu.memory_space<vmem>>[vector<16xi32>], vector<16xf32>,
        %gather3A_147 = tpu.vector_load_idx %arg6[%and3A_142] : memref<10000xf32, #tpu.memory_space<vmem>>[vector<16xi32>], vector<16xf32>,
        %gather3A_148 = tpu.vector_load_idx %arg7[%and3A_142] : memref<10000xf32, #tpu.memory_space<vmem>>[vector<16xi32>], vector<16xf32>,
        %gather3A_149 = tpu.vector_load_idx %arg8[%and3A_142] : memref<10000xf32, #tpu.memory_space<vmem>>[vector<16xi32>], vector<16xf32>,
        %add3A_150 = arith.constant 32 : i32
        %add3A_151 = arith.addi %mul3A_129, %add3A_150 : i32
        %get3A_152 = arith.index_cast %add3A_151 : i32 to index
        %get3A_153 = tpu.vector_load %arg14[%get3A_152] {strides = array<i32>} : memref<6400xi32, #tpu.memory_space<vmem>>, vector<16xi32>,
        %and3A_154 = arith.andi %get3A_153, %broadcast_in_dim3A_73 : vector<16xi32>
        %shift_right_logical3A_155 = arith.constant 16 : i32
        %shift_right_logical3A_156 = vector.broadcast %shift_right_logical3A_155 : i32 to vector<16xi32>
        %shift_right_logical3A_157 = arith.shrui %get3A_153, %shift_right_logical3A_156 : vector<16xi32>
        %gather3A_158 = tpu.vector_load_idx %arg5[%and3A_154] : memref<10000xf32, #tpu.memory_space<vmem>>[vector<16xi32>], vector<16xf32>,
        %gather3A_159 = tpu.vector_load_idx %arg6[%and3A_154] : memref<10000xf32, #tpu.memory_space<vmem>>[vector<16xi32>], vector<16xf32>,
        %gather3A_160 = tpu.vector_load_idx %arg7[%and3A_154] : memref<10000xf32, #tpu.memory_space<vmem>>[vector<16xi32>], vector<16xf32>,
        %gather3A_161 = tpu.vector_load_idx %arg8[%and3A_154] : memref<10000xf32, #tpu.memory_space<vmem>>[vector<16xi32>], vector<16xf32>,
        %add3A_162 = arith.constant 48 : i32
        %add3A_163 = arith.addi %mul3A_129, %add3A_162 : i32
        %get3A_164 = arith.index_cast %add3A_163 : i32 to index
        %get3A_165 = tpu.vector_load %arg14[%get3A_164] {strides = array<i32>} : memref<6400xi32, #tpu.memory_space<vmem>>, vector<16xi32>,
        %and3A_166 = arith.andi %get3A_165, %broadcast_in_dim3A_73 : vector<16xi32>
        %shift_right_logical3A_167 = arith.constant 16 : i32
        %shift_right_logical3A_168 = vector.broadcast %shift_right_logical3A_167 : i32 to vector<16xi32>
        %shift_right_logical3A_169 = arith.shrui %get3A_165, %shift_right_logical3A_168 : vector<16xi32>
        %gather3A_170 = tpu.vector_load_idx %arg5[%and3A_166] : memref<10000xf32, #tpu.memory_space<vmem>>[vector<16xi32>], vector<16xf32>,
        %gather3A_171 = tpu.vector_load_idx %arg6[%and3A_166] : memref<10000xf32, #tpu.memory_space<vmem>>[vector<16xi32>], vector<16xf32>,
        %gather3A_172 = tpu.vector_load_idx %arg7[%and3A_166] : memref<10000xf32, #tpu.memory_space<vmem>>[vector<16xi32>], vector<16xf32>,
        %gather3A_173 = tpu.vector_load_idx %arg8[%and3A_166] : memref<10000xf32, #tpu.memory_space<vmem>>[vector<16xi32>], vector<16xf32>,
        %add3A_174 = arith.constant 64 : i32
        %add3A_175 = arith.addi %mul3A_129, %add3A_174 : i32
        %get3A_176 = arith.index_cast %add3A_175 : i32 to index
        %get3A_177 = tpu.vector_load %arg14[%get3A_176] {strides = array<i32>} : memref<6400xi32, #tpu.memory_space<vmem>>, vector<16xi32>,
        %and3A_178 = arith.andi %get3A_177, %broadcast_in_dim3A_73 : vector<16xi32>
        %shift_right_logical3A_179 = arith.constant 16 : i32
        %shift_right_logical3A_180 = vector.broadcast %shift_right_logical3A_179 : i32 to vector<16xi32>
        %shift_right_logical3A_181 = arith.shrui %get3A_177, %shift_right_logical3A_180 : vector<16xi32>
        %gather3A_182 = tpu.vector_load_idx %arg5[%and3A_178] : memref<10000xf32, #tpu.memory_space<vmem>>[vector<16xi32>], vector<16xf32>,
        %gather3A_183 = tpu.vector_load_idx %arg6[%and3A_178] : memref<10000xf32, #tpu.memory_space<vmem>>[vector<16xi32>], vector<16xf32>,
        %gather3A_184 = tpu.vector_load_idx %arg7[%and3A_178] : memref<10000xf32, #tpu.memory_space<vmem>>[vector<16xi32>], vector<16xf32>,
        %gather3A_185 = tpu.vector_load_idx %arg8[%and3A_178] : memref<10000xf32, #tpu.memory_space<vmem>>[vector<16xi32>], vector<16xf32>,
        %add3A_186 = arith.constant 80 : i32
        %add3A_187 = arith.addi %mul3A_129, %add3A_186 : i32
        %get3A_188 = arith.index_cast %add3A_187 : i32 to index
        %get3A_189 = tpu.vector_load %arg14[%get3A_188] {strides = array<i32>} : memref<6400xi32, #tpu.memory_space<vmem>>, vector<16xi32>,
        %and3A_190 = arith.andi %get3A_189, %broadcast_in_dim3A_73 : vector<16xi32>
        %shift_right_logical3A_191 = arith.constant 16 : i32
        %shift_right_logical3A_192 = vector.broadcast %shift_right_logical3A_191 : i32 to vector<16xi32>
        %shift_right_logical3A_193 = arith.shrui %get3A_189, %shift_right_logical3A_192 : vector<16xi32>
        %gather3A_194 = tpu.vector_load_idx %arg5[%and3A_190] : memref<10000xf32, #tpu.memory_space<vmem>>[vector<16xi32>], vector<16xf32>,
        %gather3A_195 = tpu.vector_load_idx %arg6[%and3A_190] : memref<10000xf32, #tpu.memory_space<vmem>>[vector<16xi32>], vector<16xf32>,
        %gather3A_196 = tpu.vector_load_idx %arg7[%and3A_190] : memref<10000xf32, #tpu.memory_space<vmem>>[vector<16xi32>], vector<16xf32>,
        %gather3A_197 = tpu.vector_load_idx %arg8[%and3A_190] : memref<10000xf32, #tpu.memory_space<vmem>>[vector<16xi32>], vector<16xf32>,
        %add3A_198 = arith.constant 96 : i32
        %add3A_199 = arith.addi %mul3A_129, %add3A_198 : i32
        %get3A_200 = arith.index_cast %add3A_199 : i32 to index
        %get3A_201 = tpu.vector_load %arg14[%get3A_200] {strides = array<i32>} : memref<6400xi32, #tpu.memory_space<vmem>>, vector<16xi32>,
        %and3A_202 = arith.andi %get3A_201, %broadcast_in_dim3A_73 : vector<16xi32>
        %shift_right_logical3A_203 = arith.constant 16 : i32
        %shift_right_logical3A_204 = vector.broadcast %shift_right_logical3A_203 : i32 to vector<16xi32>
        %shift_right_logical3A_205 = arith.shrui %get3A_201, %shift_right_logical3A_204 : vector<16xi32>
        %gather3A_206 = tpu.vector_load_idx %arg5[%and3A_202] : memref<10000xf32, #tpu.memory_space<vmem>>[vector<16xi32>], vector<16xf32>,
        %gather3A_207 = tpu.vector_load_idx %arg6[%and3A_202] : memref<10000xf32, #tpu.memory_space<vmem>>[vector<16xi32>], vector<16xf32>,
        %gather3A_208 = tpu.vector_load_idx %arg7[%and3A_202] : memref<10000xf32, #tpu.memory_space<vmem>>[vector<16xi32>], vector<16xf32>,
        %gather3A_209 = tpu.vector_load_idx %arg8[%and3A_202] : memref<10000xf32, #tpu.memory_space<vmem>>[vector<16xi32>], vector<16xf32>,
        %add3A_210 = arith.constant 112 : i32
        %add3A_211 = arith.addi %mul3A_129, %add3A_210 : i32
        %get3A_212 = arith.index_cast %add3A_211 : i32 to index
        %get3A_213 = tpu.vector_load %arg14[%get3A_212] {strides = array<i32>} : memref<6400xi32, #tpu.memory_space<vmem>>, vector<16xi32>,
        %and3A_214 = arith.andi %get3A_213, %broadcast_in_dim3A_73 : vector<16xi32>
        %shift_right_logical3A_215 = arith.constant 16 : i32
        %shift_right_logical3A_216 = vector.broadcast %shift_right_logical3A_215 : i32 to vector<16xi32>
        %shift_right_logical3A_217 = arith.shrui %get3A_213, %shift_right_logical3A_216 : vector<16xi32>
        %gather3A_218 = tpu.vector_load_idx %arg5[%and3A_214] : memref<10000xf32, #tpu.memory_space<vmem>>[vector<16xi32>], vector<16xf32>,
        %gather3A_219 = tpu.vector_load_idx %arg6[%and3A_214] : memref<10000xf32, #tpu.memory_space<vmem>>[vector<16xi32>], vector<16xf32>,
        %gather3A_220 = tpu.vector_load_idx %arg7[%and3A_214] : memref<10000xf32, #tpu.memory_space<vmem>>[vector<16xi32>], vector<16xf32>,
        %gather3A_221 = tpu.vector_load_idx %arg8[%and3A_214] : memref<10000xf32, #tpu.memory_space<vmem>>[vector<16xi32>], vector<16xf32>,
        tpu.vector_store_idx %arg9[%shift_right_logical3A_134], %gather3A {add = true} : memref<10000xf32, #tpu.memory_space<vmem>>[vector<16xi32>], vector<16xf32>,
        tpu.vector_store_idx %arg10[%shift_right_logical3A_134], %gather3A_135 {add = true} : memref<10000xf32, #tpu.memory_space<vmem>>[vector<16xi32>], vector<16xf32>,
        tpu.vector_store_idx %arg11[%shift_right_logical3A_134], %gather3A_136 {add = true} : memref<10000xf32, #tpu.memory_space<vmem>>[vector<16xi32>], vector<16xf32>,
        tpu.vector_store_idx %arg12[%shift_right_logical3A_134], %gather3A_137 {add = true} : memref<10000xf32, #tpu.memory_space<vmem>>[vector<16xi32>], vector<16xf32>,
        tpu.vector_store_idx %arg9[%shift_right_logical3A_145], %gather3A_146 {add = true} : memref<10000xf32, #tpu.memory_space<vmem>>[vector<16xi32>], vector<16xf32>,
        tpu.vector_store_idx %arg10[%shift_right_logical3A_145], %gather3A_147 {add = true} : memref<10000xf32, #tpu.memory_space<vmem>>[vector<16xi32>], vector<16xf32>,
        tpu.vector_store_idx %arg11[%shift_right_logical3A_145], %gather3A_148 {add = true} : memref<10000xf32, #tpu.memory_space<vmem>>[vector<16xi32>], vector<16xf32>,
        tpu.vector_store_idx %arg12[%shift_right_logical3A_145], %gather3A_149 {add = true} : memref<10000xf32, #tpu.memory_space<vmem>>[vector<16xi32>], vector<16xf32>,
        tpu.vector_store_idx %arg9[%shift_right_logical3A_157], %gather3A_158 {add = true} : memref<10000xf32, #tpu.memory_space<vmem>>[vector<16xi32>], vector<16xf32>,
        tpu.vector_store_idx %arg10[%shift_right_logical3A_157], %gather3A_159 {add = true} : memref<10000xf32, #tpu.memory_space<vmem>>[vector<16xi32>], vector<16xf32>,
        tpu.vector_store_idx %arg11[%shift_right_logical3A_157], %gather3A_160 {add = true} : memref<10000xf32, #tpu.memory_space<vmem>>[vector<16xi32>], vector<16xf32>,
        tpu.vector_store_idx %arg12[%shift_right_logical3A_157], %gather3A_161 {add = true} : memref<10000xf32, #tpu.memory_space<vmem>>[vector<16xi32>], vector<16xf32>,
        tpu.vector_store_idx %arg9[%shift_right_logical3A_169], %gather3A_170 {add = true} : memref<10000xf32, #tpu.memory_space<vmem>>[vector<16xi32>], vector<16xf32>,
        tpu.vector_store_idx %arg10[%shift_right_logical3A_169], %gather3A_171 {add = true} : memref<10000xf32, #tpu.memory_space<vmem>>[vector<16xi32>], vector<16xf32>,
        tpu.vector_store_idx %arg11[%shift_right_logical3A_169], %gather3A_172 {add = true} : memref<10000xf32, #tpu.memory_space<vmem>>[vector<16xi32>], vector<16xf32>,
        tpu.vector_store_idx %arg12[%shift_right_logical3A_169], %gather3A_173 {add = true} : memref<10000xf32, #tpu.memory_space<vmem>>[vector<16xi32>], vector<16xf32>,
        tpu.vector_store_idx %arg9[%shift_right_logical3A_181], %gather3A_182 {add = true} : memref<10000xf32, #tpu.memory_space<vmem>>[vector<16xi32>], vector<16xf32>,
        tpu.vector_store_idx %arg10[%shift_right_logical3A_181], %gather3A_183 {add = true} : memref<10000xf32, #tpu.memory_space<vmem>>[vector<16xi32>], vector<16xf32>,
        tpu.vector_store_idx %arg11[%shift_right_logical3A_181], %gather3A_184 {add = true} : memref<10000xf32, #tpu.memory_space<vmem>>[vector<16xi32>], vector<16xf32>,
        tpu.vector_store_idx %arg12[%shift_right_logical3A_181], %gather3A_185 {add = true} : memref<10000xf32, #tpu.memory_space<vmem>>[vector<16xi32>], vector<16xf32>,
        tpu.vector_store_idx %arg9[%shift_right_logical3A_193], %gather3A_194 {add = true} : memref<10000xf32, #tpu.memory_space<vmem>>[vector<16xi32>], vector<16xf32>,
        tpu.vector_store_idx %arg10[%shift_right_logical3A_193], %gather3A_195 {add = true} : memref<10000xf32, #tpu.memory_space<vmem>>[vector<16xi32>], vector<16xf32>,
        tpu.vector_store_idx %arg11[%shift_right_logical3A_193], %gather3A_196 {add = true} : memref<10000xf32, #tpu.memory_space<vmem>>[vector<16xi32>], vector<16xf32>,
        tpu.vector_store_idx %arg12[%shift_right_logical3A_193], %gather3A_197 {add = true} : memref<10000xf32, #tpu.memory_space<vmem>>[vector<16xi32>], vector<16xf32>,
        tpu.vector_store_idx %arg9[%shift_right_logical3A_205], %gather3A_206 {add = true} : memref<10000xf32, #tpu.memory_space<vmem>>[vector<16xi32>], vector<16xf32>,
        tpu.vector_store_idx %arg10[%shift_right_logical3A_205], %gather3A_207 {add = true} : memref<10000xf32, #tpu.memory_space<vmem>>[vector<16xi32>], vector<16xf32>,
        tpu.vector_store_idx %arg11[%shift_right_logical3A_205], %gather3A_208 {add = true} : memref<10000xf32, #tpu.memory_space<vmem>>[vector<16xi32>], vector<16xf32>,
        tpu.vector_store_idx %arg12[%shift_right_logical3A_205], %gather3A_209 {add = true} : memref<10000xf32, #tpu.memory_space<vmem>>[vector<16xi32>], vector<16xf32>,
        tpu.vector_store_idx %arg9[%shift_right_logical3A_217], %gather3A_218 {add = true} : memref<10000xf32, #tpu.memory_space<vmem>>[vector<16xi32>], vector<16xf32>,
        tpu.vector_store_idx %arg10[%shift_right_logical3A_217], %gather3A_219 {add = true} : memref<10000xf32, #tpu.memory_space<vmem>>[vector<16xi32>], vector<16xf32>,
        tpu.vector_store_idx %arg11[%shift_right_logical3A_217], %gather3A_220 {add = true} : memref<10000xf32, #tpu.memory_space<vmem>>[vector<16xi32>], vector<16xf32>,
        tpu.vector_store_idx %arg12[%shift_right_logical3A_217], %gather3A_221 {add = true} : memref<10000xf32, #tpu.memory_space<vmem>>[vector<16xi32>], vector<16xf32>,
      }
      %scan3A_119 = arith.constant 50 : i32
      %add3A_120 = arith.constant 2 : i32
      %add3A_121 = arith.addi %add3A_109, %add3A_120 : i32
      %lt3A_122 = arith.constant 50 : i32
      %lt3A_123 = arith.cmpi slt, %add3A_121, %lt3A_122 : i32
      %convert_element_type3A_124 = arith.extui %lt3A_123 : i1 to i32
      %cond3A_125 = arith.constant 0 : i32
      %cond3A_126 = arith.cmpi ne, %convert_element_type3A_124, %cond3A_125 : i32
      scf.if %cond3A_126 {
        %add3A_127 = arith.constant 2 : i32
        %add3A_128 = arith.addi %add3A_109, %add3A_127 : i32
        %mul3A_129 = arith.constant 6400 : i32
        %mul3A_130 = arith.muli %add3A_128, %mul3A_129 : i32
        %dma_start3A_131 = tpu.memref_slice %arg3[%mul3A_130] : memref<320000xi32, #tpu.memory_space<hbm>> -> memref<6400xi32, #tpu.memory_space<hbm>>
        %dma_start3A_132 = tpu.memref_slice %arg3[%mul3A_130] : memref<320000xi32, #tpu.memory_space<hbm>> -> memref<6400xi32, #tpu.memory_space<hbm>>
        tpu.enqueue_dma source(%dma_start3A_132 : memref<6400xi32, #tpu.memory_space<hbm>>) target(%arg14 : memref<6400xi32, #tpu.memory_space<vmem>>) target_semaphore(%arg16 : memref<!tpu.dma_semaphore, #tpu.memory_space<semaphore_mem>>)
      } else {
      }
    }
    %scan3A_78 = arith.constant 25 : i32
    %add3A_79 = arith.constant 0 : i32
    %add3A_80 = arith.addi %mul3A_2, %add3A_79 : i32
    "tpu.region"() ({
      %run_scoped3A = tpu.sem_alloc : memref<!tpu.dma_semaphore, #tpu.memory_space<semaphore_mem>>
      %dma_start3A_87 = arith.constant 0 : i32
      %dma_start3A_88 = tpu.memref_slice %arg4[%add3A_80, %dma_start3A_87] : memref<128x10000xf32, #tpu.memory_space<hbm>> -> memref<1x10000xf32, #tpu.memory_space<hbm>>
      %dma_start3A_89 = tpu.memref_squeeze %dma_start3A_88 : memref<1x10000xf32, #tpu.memory_space<hbm>> -> memref<10000xf32, #tpu.memory_space<hbm>>
      %dma_start3A_90 = arith.constant 0 : i32
      %dma_start3A_91 = tpu.memref_slice %arg4[%add3A_80, %dma_start3A_90] : memref<128x10000xf32, #tpu.memory_space<hbm>> -> memref<1x10000xf32, #tpu.memory_space<hbm>>
      %dma_start3A_92 = tpu.memref_squeeze %dma_start3A_91 : memref<1x10000xf32, #tpu.memory_space<hbm>> -> memref<10000xf32, #tpu.memory_space<hbm>>
      tpu.enqueue_dma source(%arg9 : memref<10000xf32, #tpu.memory_space<vmem>>) target(%dma_start3A_92 : memref<10000xf32, #tpu.memory_space<hbm>>) target_semaphore(%run_scoped3A : memref<!tpu.dma_semaphore, #tpu.memory_space<semaphore_mem>>)
      %dma_wait3A_93 = arith.constant 0 : i32
      %dma_wait3A_94 = tpu.memref_slice %arg4[%add3A_80, %dma_wait3A_93] : memref<128x10000xf32, #tpu.memory_space<hbm>> -> memref<1x10000xf32, #tpu.memory_space<hbm>>
      %dma_wait3A_95 = tpu.memref_squeeze %dma_wait3A_94 : memref<1x10000xf32, #tpu.memory_space<hbm>> -> memref<10000xf32, #tpu.memory_space<hbm>>
      %dma_wait3A_96 = arith.constant 0 : i32
      %dma_wait3A_97 = tpu.memref_slice %arg4[%add3A_80, %dma_wait3A_96] : memref<128x10000xf32, #tpu.memory_space<hbm>> -> memref<1x10000xf32, #tpu.memory_space<hbm>>
      %dma_wait3A_98 = tpu.memref_squeeze %dma_wait3A_97 : memref<1x10000xf32, #tpu.memory_space<hbm>> -> memref<10000xf32, #tpu.memory_space<hbm>>
      tpu.wait_dma2 semaphore(%run_scoped3A : memref<!tpu.dma_semaphore, #tpu.memory_space<semaphore_mem>>) src(%arg9 : memref<10000xf32, #tpu.memory_space<vmem>>) dst(%dma_wait3A_98 : memref<10000xf32, #tpu.memory_space<hbm>>)
      tpu.yield
    }) : () -> ()
    %add3A_81 = arith.constant 1 : i32
    %add3A_82 = arith.addi %mul3A_2, %add3A_81 : i32
    "tpu.region"() ({
      %run_scoped3A = tpu.sem_alloc : memref<!tpu.dma_semaphore, #tpu.memory_space<semaphore_mem>>
      %dma_start3A_87 = arith.constant 0 : i32
      %dma_start3A_88 = tpu.memref_slice %arg4[%add3A_82, %dma_start3A_87] : memref<128x10000xf32, #tpu.memory_space<hbm>> -> memref<1x10000xf32, #tpu.memory_space<hbm>>
      %dma_start3A_89 = tpu.memref_squeeze %dma_start3A_88 : memref<1x10000xf32, #tpu.memory_space<hbm>> -> memref<10000xf32, #tpu.memory_space<hbm>>
      %dma_start3A_90 = arith.constant 0 : i32
      %dma_start3A_91 = tpu.memref_slice %arg4[%add3A_82, %dma_start3A_90] : memref<128x10000xf32, #tpu.memory_space<hbm>> -> memref<1x10000xf32, #tpu.memory_space<hbm>>
      %dma_start3A_92 = tpu.memref_squeeze %dma_start3A_91 : memref<1x10000xf32, #tpu.memory_space<hbm>> -> memref<10000xf32, #tpu.memory_space<hbm>>
      tpu.enqueue_dma source(%arg10 : memref<10000xf32, #tpu.memory_space<vmem>>) target(%dma_start3A_92 : memref<10000xf32, #tpu.memory_space<hbm>>) target_semaphore(%run_scoped3A : memref<!tpu.dma_semaphore, #tpu.memory_space<semaphore_mem>>)
      %dma_wait3A_93 = arith.constant 0 : i32
      %dma_wait3A_94 = tpu.memref_slice %arg4[%add3A_82, %dma_wait3A_93] : memref<128x10000xf32, #tpu.memory_space<hbm>> -> memref<1x10000xf32, #tpu.memory_space<hbm>>
      %dma_wait3A_95 = tpu.memref_squeeze %dma_wait3A_94 : memref<1x10000xf32, #tpu.memory_space<hbm>> -> memref<10000xf32, #tpu.memory_space<hbm>>
      %dma_wait3A_96 = arith.constant 0 : i32
      %dma_wait3A_97 = tpu.memref_slice %arg4[%add3A_82, %dma_wait3A_96] : memref<128x10000xf32, #tpu.memory_space<hbm>> -> memref<1x10000xf32, #tpu.memory_space<hbm>>
      %dma_wait3A_98 = tpu.memref_squeeze %dma_wait3A_97 : memref<1x10000xf32, #tpu.memory_space<hbm>> -> memref<10000xf32, #tpu.memory_space<hbm>>
      tpu.wait_dma2 semaphore(%run_scoped3A : memref<!tpu.dma_semaphore, #tpu.memory_space<semaphore_mem>>) src(%arg10 : memref<10000xf32, #tpu.memory_space<vmem>>) dst(%dma_wait3A_98 : memref<10000xf32, #tpu.memory_space<hbm>>)
      tpu.yield
    }) : () -> ()
    %add3A_83 = arith.constant 2 : i32
    %add3A_84 = arith.addi %mul3A_2, %add3A_83 : i32
    "tpu.region"() ({
      %run_scoped3A = tpu.sem_alloc : memref<!tpu.dma_semaphore, #tpu.memory_space<semaphore_mem>>
      %dma_start3A_87 = arith.constant 0 : i32
      %dma_start3A_88 = tpu.memref_slice %arg4[%add3A_84, %dma_start3A_87] : memref<128x10000xf32, #tpu.memory_space<hbm>> -> memref<1x10000xf32, #tpu.memory_space<hbm>>
      %dma_start3A_89 = tpu.memref_squeeze %dma_start3A_88 : memref<1x10000xf32, #tpu.memory_space<hbm>> -> memref<10000xf32, #tpu.memory_space<hbm>>
      %dma_start3A_90 = arith.constant 0 : i32
      %dma_start3A_91 = tpu.memref_slice %arg4[%add3A_84, %dma_start3A_90] : memref<128x10000xf32, #tpu.memory_space<hbm>> -> memref<1x10000xf32, #tpu.memory_space<hbm>>
      %dma_start3A_92 = tpu.memref_squeeze %dma_start3A_91 : memref<1x10000xf32, #tpu.memory_space<hbm>> -> memref<10000xf32, #tpu.memory_space<hbm>>
      tpu.enqueue_dma source(%arg11 : memref<10000xf32, #tpu.memory_space<vmem>>) target(%dma_start3A_92 : memref<10000xf32, #tpu.memory_space<hbm>>) target_semaphore(%run_scoped3A : memref<!tpu.dma_semaphore, #tpu.memory_space<semaphore_mem>>)
      %dma_wait3A_93 = arith.constant 0 : i32
      %dma_wait3A_94 = tpu.memref_slice %arg4[%add3A_84, %dma_wait3A_93] : memref<128x10000xf32, #tpu.memory_space<hbm>> -> memref<1x10000xf32, #tpu.memory_space<hbm>>
      %dma_wait3A_95 = tpu.memref_squeeze %dma_wait3A_94 : memref<1x10000xf32, #tpu.memory_space<hbm>> -> memref<10000xf32, #tpu.memory_space<hbm>>
      %dma_wait3A_96 = arith.constant 0 : i32
      %dma_wait3A_97 = tpu.memref_slice %arg4[%add3A_84, %dma_wait3A_96] : memref<128x10000xf32, #tpu.memory_space<hbm>> -> memref<1x10000xf32, #tpu.memory_space<hbm>>
      %dma_wait3A_98 = tpu.memref_squeeze %dma_wait3A_97 : memref<1x10000xf32, #tpu.memory_space<hbm>> -> memref<10000xf32, #tpu.memory_space<hbm>>
      tpu.wait_dma2 semaphore(%run_scoped3A : memref<!tpu.dma_semaphore, #tpu.memory_space<semaphore_mem>>) src(%arg11 : memref<10000xf32, #tpu.memory_space<vmem>>) dst(%dma_wait3A_98 : memref<10000xf32, #tpu.memory_space<hbm>>)
      tpu.yield
    }) : () -> ()
    %add3A_85 = arith.constant 3 : i32
    %add3A_86 = arith.addi %mul3A_2, %add3A_85 : i32
    "tpu.region"() ({
      %run_scoped3A = tpu.sem_alloc : memref<!tpu.dma_semaphore, #tpu.memory_space<semaphore_mem>>
      %dma_start3A_87 = arith.constant 0 : i32
      %dma_start3A_88 = tpu.memref_slice %arg4[%add3A_86, %dma_start3A_87] : memref<128x10000xf32, #tpu.memory_space<hbm>> -> memref<1x10000xf32, #tpu.memory_space<hbm>>
      %dma_start3A_89 = tpu.memref_squeeze %dma_start3A_88 : memref<1x10000xf32, #tpu.memory_space<hbm>> -> memref<10000xf32, #tpu.memory_space<hbm>>
      %dma_start3A_90 = arith.constant 0 : i32
      %dma_start3A_91 = tpu.memref_slice %arg4[%add3A_86, %dma_start3A_90] : memref<128x10000xf32, #tpu.memory_space<hbm>> -> memref<1x10000xf32, #tpu.memory_space<hbm>>
      %dma_start3A_92 = tpu.memref_squeeze %dma_start3A_91 : memref<1x10000xf32, #tpu.memory_space<hbm>> -> memref<10000xf32, #tpu.memory_space<hbm>>
      tpu.enqueue_dma source(%arg12 : memref<10000xf32, #tpu.memory_space<vmem>>) target(%dma_start3A_92 : memref<10000xf32, #tpu.memory_space<hbm>>) target_semaphore(%run_scoped3A : memref<!tpu.dma_semaphore, #tpu.memory_space<semaphore_mem>>)
      %dma_wait3A_93 = arith.constant 0 : i32
      %dma_wait3A_94 = tpu.memref_slice %arg4[%add3A_86, %dma_wait3A_93] : memref<128x10000xf32, #tpu.memory_space<hbm>> -> memref<1x10000xf32, #tpu.memory_space<hbm>>
      %dma_wait3A_95 = tpu.memref_squeeze %dma_wait3A_94 : memref<1x10000xf32, #tpu.memory_space<hbm>> -> memref<10000xf32, #tpu.memory_space<hbm>>
      %dma_wait3A_96 = arith.constant 0 : i32
      %dma_wait3A_97 = tpu.memref_slice %arg4[%add3A_86, %dma_wait3A_96] : memref<128x10000xf32, #tpu.memory_space<hbm>> -> memref<1x10000xf32, #tpu.memory_space<hbm>>
      %dma_wait3A_98 = tpu.memref_squeeze %dma_wait3A_97 : memref<1x10000xf32, #tpu.memory_space<hbm>> -> memref<10000xf32, #tpu.memory_space<hbm>>
      tpu.wait_dma2 semaphore(%run_scoped3A : memref<!tpu.dma_semaphore, #tpu.memory_space<semaphore_mem>>) src(%arg12 : memref<10000xf32, #tpu.memory_space<vmem>>) dst(%dma_wait3A_98 : memref<10000xf32, #tpu.memory_space<hbm>>)
      tpu.yield
    }) : () -> ()
    return
  }
}

#map = affine_map<(d0, d1) -> (0)>
#map1 = affine_map<(d0, d1) -> (0, 0)>
module attributes {stable_mosaic.version = 14 : i64} {
  func.func @count(%arg0: i32, %arg1: i32, %arg2: memref<320000xi32, #tpu.memory_space<hbm>>, %arg3: memref<32x10000xf32, #tpu.memory_space<hbm>>, %arg4: memref<10000xi32, #tpu.memory_space<vmem>>, %arg5: memref<10000xf32, #tpu.memory_space<vmem>>, %arg6: memref<!tpu.dma_semaphore, #tpu.memory_space<semaphore_mem>>) attributes {dimension_semantics = [#tpu.dimension_semantics<core_parallel>, #tpu.dimension_semantics<subcore_parallel>], iteration_bounds = array<i64: 2, 16>, scalar_prefetch = 0 : i64, scratch_operands = 3 : i64, tpu.core_type = #tpu.core_type<sc_vector_subcore>, window_params = [{transform_indices = #map}, {transform_indices = #map1}]} {
    %mul3A = arith.constant 2 : i32
    %mul3A_0 = arith.muli %arg1, %mul3A : i32
    %add3A = arith.addi %mul3A_0, %arg0 : i32
    %mul3A_1 = arith.constant 10000 : i32
    %mul3A_2 = arith.muli %add3A, %mul3A_1 : i32
    %dma_start3A = tpu.memref_slice %arg2[%mul3A_2] : memref<320000xi32, #tpu.memory_space<hbm>> -> memref<10000xi32, #tpu.memory_space<hbm>>
    %dma_start3A_3 = tpu.memref_slice %arg2[%mul3A_2] : memref<320000xi32, #tpu.memory_space<hbm>> -> memref<10000xi32, #tpu.memory_space<hbm>>
    tpu.enqueue_dma source(%dma_start3A_3 : memref<10000xi32, #tpu.memory_space<hbm>>) target(%arg4 : memref<10000xi32, #tpu.memory_space<vmem>>) target_semaphore(%arg6 : memref<!tpu.dma_semaphore, #tpu.memory_space<semaphore_mem>>)
    %broadcast_in_dim3A = arith.constant 0.000000e+00 : f32
    %broadcast_in_dim3A_4 = vector.broadcast %broadcast_in_dim3A : f32 to vector<16xf32>
    %scan3A = arith.constant 0 : i32
    %scan3A_5 = arith.constant 0 : i32
    %scan3A_6 = arith.constant 625 : i32
    %scan3A_7 = arith.addi %scan3A_5, %scan3A_6 : i32
    %scan3A_8 = arith.constant 1 : i32
    scf.for %scan3A_19 = %scan3A_5 to %scan3A_7 step %scan3A_8  : i32 {
      %mul3A_20 = arith.constant 16 : i32
      %mul3A_21 = arith.muli %scan3A_19, %mul3A_20 : i32
      %swap3A = arith.index_cast %mul3A_21 : i32 to index
      %swap3A_22 = tpu.vector_load %arg5[%swap3A] {strides = array<i32>} : memref<10000xf32, #tpu.memory_space<vmem>>, vector<16xf32>,
      tpu.vector_store %arg5[%swap3A], %broadcast_in_dim3A_4 {strides = array<i32>} : memref<10000xf32, #tpu.memory_space<vmem>>, vector<16xf32>,
    }
    %scan3A_9 = arith.constant 625 : i32
    %dma_wait3A = tpu.memref_slice %arg2[%mul3A_2] : memref<320000xi32, #tpu.memory_space<hbm>> -> memref<10000xi32, #tpu.memory_space<hbm>>
    %dma_wait3A_10 = tpu.memref_slice %arg2[%mul3A_2] : memref<320000xi32, #tpu.memory_space<hbm>> -> memref<10000xi32, #tpu.memory_space<hbm>>
    tpu.wait_dma2 semaphore(%arg6 : memref<!tpu.dma_semaphore, #tpu.memory_space<semaphore_mem>>) src(%dma_wait3A_10 : memref<10000xi32, #tpu.memory_space<hbm>>) dst(%arg4 : memref<10000xi32, #tpu.memory_space<vmem>>)
    %broadcast_in_dim3A_11 = arith.constant 1.000000e+00 : f32
    %broadcast_in_dim3A_12 = vector.broadcast %broadcast_in_dim3A_11 : f32 to vector<16xf32>
    %scan3A_13 = arith.constant 0 : i32
    %scan3A_14 = arith.constant 0 : i32
    %scan3A_15 = arith.constant 125 : i32
    %scan3A_16 = arith.addi %scan3A_14, %scan3A_15 : i32
    %scan3A_17 = arith.constant 1 : i32
    scf.for %scan3A_19 = %scan3A_14 to %scan3A_16 step %scan3A_17  : i32 {
      %mul3A_20 = arith.constant 80 : i32
      %mul3A_21 = arith.muli %scan3A_19, %mul3A_20 : i32
      %add3A_22 = arith.constant 0 : i32
      %add3A_23 = arith.addi %mul3A_21, %add3A_22 : i32
      %get3A = arith.index_cast %add3A_23 : i32 to index
      %get3A_24 = tpu.vector_load %arg4[%get3A] {strides = array<i32>} : memref<10000xi32, #tpu.memory_space<vmem>>, vector<16xi32>,
      tpu.vector_store_idx %arg5[%get3A_24], %broadcast_in_dim3A_12 {add = true} : memref<10000xf32, #tpu.memory_space<vmem>>[vector<16xi32>], vector<16xf32>,
      %add3A_25 = arith.constant 16 : i32
      %add3A_26 = arith.addi %mul3A_21, %add3A_25 : i32
      %get3A_27 = arith.index_cast %add3A_26 : i32 to index
      %get3A_28 = tpu.vector_load %arg4[%get3A_27] {strides = array<i32>} : memref<10000xi32, #tpu.memory_space<vmem>>, vector<16xi32>,
      tpu.vector_store_idx %arg5[%get3A_28], %broadcast_in_dim3A_12 {add = true} : memref<10000xf32, #tpu.memory_space<vmem>>[vector<16xi32>], vector<16xf32>,
      %add3A_29 = arith.constant 32 : i32
      %add3A_30 = arith.addi %mul3A_21, %add3A_29 : i32
      %get3A_31 = arith.index_cast %add3A_30 : i32 to index
      %get3A_32 = tpu.vector_load %arg4[%get3A_31] {strides = array<i32>} : memref<10000xi32, #tpu.memory_space<vmem>>, vector<16xi32>,
      tpu.vector_store_idx %arg5[%get3A_32], %broadcast_in_dim3A_12 {add = true} : memref<10000xf32, #tpu.memory_space<vmem>>[vector<16xi32>], vector<16xf32>,
      %add3A_33 = arith.constant 48 : i32
      %add3A_34 = arith.addi %mul3A_21, %add3A_33 : i32
      %get3A_35 = arith.index_cast %add3A_34 : i32 to index
      %get3A_36 = tpu.vector_load %arg4[%get3A_35] {strides = array<i32>} : memref<10000xi32, #tpu.memory_space<vmem>>, vector<16xi32>,
      tpu.vector_store_idx %arg5[%get3A_36], %broadcast_in_dim3A_12 {add = true} : memref<10000xf32, #tpu.memory_space<vmem>>[vector<16xi32>], vector<16xf32>,
      %add3A_37 = arith.constant 64 : i32
      %add3A_38 = arith.addi %mul3A_21, %add3A_37 : i32
      %get3A_39 = arith.index_cast %add3A_38 : i32 to index
      %get3A_40 = tpu.vector_load %arg4[%get3A_39] {strides = array<i32>} : memref<10000xi32, #tpu.memory_space<vmem>>, vector<16xi32>,
      tpu.vector_store_idx %arg5[%get3A_40], %broadcast_in_dim3A_12 {add = true} : memref<10000xf32, #tpu.memory_space<vmem>>[vector<16xi32>], vector<16xf32>,
    }
    %scan3A_18 = arith.constant 125 : i32
    "tpu.region"() ({
      %run_scoped3A = tpu.sem_alloc : memref<!tpu.dma_semaphore, #tpu.memory_space<semaphore_mem>>
      %dma_start3A_19 = arith.constant 0 : i32
      %dma_start3A_20 = tpu.memref_slice %arg3[%add3A, %dma_start3A_19] : memref<32x10000xf32, #tpu.memory_space<hbm>> -> memref<1x10000xf32, #tpu.memory_space<hbm>>
      %dma_start3A_21 = tpu.memref_squeeze %dma_start3A_20 : memref<1x10000xf32, #tpu.memory_space<hbm>> -> memref<10000xf32, #tpu.memory_space<hbm>>
      %dma_start3A_22 = arith.constant 0 : i32
      %dma_start3A_23 = tpu.memref_slice %arg3[%add3A, %dma_start3A_22] : memref<32x10000xf32, #tpu.memory_space<hbm>> -> memref<1x10000xf32, #tpu.memory_space<hbm>>
      %dma_start3A_24 = tpu.memref_squeeze %dma_start3A_23 : memref<1x10000xf32, #tpu.memory_space<hbm>> -> memref<10000xf32, #tpu.memory_space<hbm>>
      tpu.enqueue_dma source(%arg5 : memref<10000xf32, #tpu.memory_space<vmem>>) target(%dma_start3A_24 : memref<10000xf32, #tpu.memory_space<hbm>>) target_semaphore(%run_scoped3A : memref<!tpu.dma_semaphore, #tpu.memory_space<semaphore_mem>>)
      %dma_wait3A_25 = arith.constant 0 : i32
      %dma_wait3A_26 = tpu.memref_slice %arg3[%add3A, %dma_wait3A_25] : memref<32x10000xf32, #tpu.memory_space<hbm>> -> memref<1x10000xf32, #tpu.memory_space<hbm>>
      %dma_wait3A_27 = tpu.memref_squeeze %dma_wait3A_26 : memref<1x10000xf32, #tpu.memory_space<hbm>> -> memref<10000xf32, #tpu.memory_space<hbm>>
      %dma_wait3A_28 = arith.constant 0 : i32
      %dma_wait3A_29 = tpu.memref_slice %arg3[%add3A, %dma_wait3A_28] : memref<32x10000xf32, #tpu.memory_space<hbm>> -> memref<1x10000xf32, #tpu.memory_space<hbm>>
      %dma_wait3A_30 = tpu.memref_squeeze %dma_wait3A_29 : memref<1x10000xf32, #tpu.memory_space<hbm>> -> memref<10000xf32, #tpu.memory_space<hbm>>
      tpu.wait_dma2 semaphore(%run_scoped3A : memref<!tpu.dma_semaphore, #tpu.memory_space<semaphore_mem>>) src(%arg5 : memref<10000xf32, #tpu.memory_space<vmem>>) dst(%dma_wait3A_30 : memref<10000xf32, #tpu.memory_space<hbm>>)
      tpu.yield
    }) : () -> ()
    return
  }
}

#map = affine_map<(d0, d1) -> (0, 0)>
#map1 = affine_map<(d0, d1) -> (0)>
module attributes {stable_mosaic.version = 14 : i64} {
  func.func @prop1(%arg0: i32, %arg1: i32, %arg2: memref<1x10000xf32, #tpu.memory_space<hbm>>, %arg3: memref<320000xi32, #tpu.memory_space<hbm>>, %arg4: memref<32x10000xf32, #tpu.memory_space<hbm>>, %arg5: memref<10000xf32, #tpu.memory_space<vmem>>, %arg6: memref<10000xi32, #tpu.memory_space<vmem>>, %arg7: memref<10000xf32, #tpu.memory_space<vmem>>, %arg8: memref<!tpu.dma_semaphore, #tpu.memory_space<semaphore_mem>>, %arg9: memref<!tpu.dma_semaphore, #tpu.memory_space<semaphore_mem>>) attributes {dimension_semantics = [#tpu.dimension_semantics<core_parallel>, #tpu.dimension_semantics<subcore_parallel>], iteration_bounds = array<i64: 2, 16>, scalar_prefetch = 0 : i64, scratch_operands = 5 : i64, tpu.core_type = #tpu.core_type<sc_vector_subcore>, window_params = [{transform_indices = #map}, {transform_indices = #map1}, {transform_indices = #map}]} {
    %mul3A = arith.constant 2 : i32
    %mul3A_0 = arith.muli %arg1, %mul3A : i32
    %add3A = arith.addi %mul3A_0, %arg0 : i32
    %dma_start3A = arith.constant 0 : i32
    %dma_start3A_1 = arith.constant 0 : i32
    %dma_start3A_2 = tpu.memref_slice %arg2[%dma_start3A, %dma_start3A_1] : memref<1x10000xf32, #tpu.memory_space<hbm>> -> memref<1x10000xf32, #tpu.memory_space<hbm>>
    %dma_start3A_3 = tpu.memref_squeeze %dma_start3A_2 : memref<1x10000xf32, #tpu.memory_space<hbm>> -> memref<10000xf32, #tpu.memory_space<hbm>>
    %dma_start3A_4 = arith.constant 0 : i32
    %dma_start3A_5 = tpu.memref_slice %arg2[%dma_start3A, %dma_start3A_4] : memref<1x10000xf32, #tpu.memory_space<hbm>> -> memref<1x10000xf32, #tpu.memory_space<hbm>>
    %dma_start3A_6 = tpu.memref_squeeze %dma_start3A_5 : memref<1x10000xf32, #tpu.memory_space<hbm>> -> memref<10000xf32, #tpu.memory_space<hbm>>
    tpu.enqueue_dma source(%dma_start3A_6 : memref<10000xf32, #tpu.memory_space<hbm>>) target(%arg5 : memref<10000xf32, #tpu.memory_space<vmem>>) target_semaphore(%arg8 : memref<!tpu.dma_semaphore, #tpu.memory_space<semaphore_mem>>)
    %mul3A_7 = arith.constant 10000 : i32
    %mul3A_8 = arith.muli %add3A, %mul3A_7 : i32
    %dma_start3A_9 = tpu.memref_slice %arg3[%mul3A_8] : memref<320000xi32, #tpu.memory_space<hbm>> -> memref<10000xi32, #tpu.memory_space<hbm>>
    %dma_start3A_10 = tpu.memref_slice %arg3[%mul3A_8] : memref<320000xi32, #tpu.memory_space<hbm>> -> memref<10000xi32, #tpu.memory_space<hbm>>
    tpu.enqueue_dma source(%dma_start3A_10 : memref<10000xi32, #tpu.memory_space<hbm>>) target(%arg6 : memref<10000xi32, #tpu.memory_space<vmem>>) target_semaphore(%arg9 : memref<!tpu.dma_semaphore, #tpu.memory_space<semaphore_mem>>)
    %broadcast_in_dim3A = arith.constant 0.000000e+00 : f32
    %broadcast_in_dim3A_11 = vector.broadcast %broadcast_in_dim3A : f32 to vector<16xf32>
    %scan3A = arith.constant 0 : i32
    %scan3A_12 = arith.constant 0 : i32
    %scan3A_13 = arith.constant 625 : i32
    %scan3A_14 = arith.addi %scan3A_12, %scan3A_13 : i32
    %scan3A_15 = arith.constant 1 : i32
    scf.for %scan3A_33 = %scan3A_12 to %scan3A_14 step %scan3A_15  : i32 {
      %mul3A_34 = arith.constant 16 : i32
      %mul3A_35 = arith.muli %scan3A_33, %mul3A_34 : i32
      %swap3A = arith.index_cast %mul3A_35 : i32 to index
      %swap3A_36 = tpu.vector_load %arg7[%swap3A] {strides = array<i32>} : memref<10000xf32, #tpu.memory_space<vmem>>, vector<16xf32>,
      tpu.vector_store %arg7[%swap3A], %broadcast_in_dim3A_11 {strides = array<i32>} : memref<10000xf32, #tpu.memory_space<vmem>>, vector<16xf32>,
    }
    %scan3A_16 = arith.constant 625 : i32
    %dma_wait3A = arith.constant 0 : i32
    %dma_wait3A_17 = arith.constant 0 : i32
    %dma_wait3A_18 = tpu.memref_slice %arg2[%dma_wait3A, %dma_wait3A_17] : memref<1x10000xf32, #tpu.memory_space<hbm>> -> memref<1x10000xf32, #tpu.memory_space<hbm>>
    %dma_wait3A_19 = tpu.memref_squeeze %dma_wait3A_18 : memref<1x10000xf32, #tpu.memory_space<hbm>> -> memref<10000xf32, #tpu.memory_space<hbm>>
    %dma_wait3A_20 = arith.constant 0 : i32
    %dma_wait3A_21 = tpu.memref_slice %arg2[%dma_wait3A, %dma_wait3A_20] : memref<1x10000xf32, #tpu.memory_space<hbm>> -> memref<1x10000xf32, #tpu.memory_space<hbm>>
    %dma_wait3A_22 = tpu.memref_squeeze %dma_wait3A_21 : memref<1x10000xf32, #tpu.memory_space<hbm>> -> memref<10000xf32, #tpu.memory_space<hbm>>
    tpu.wait_dma2 semaphore(%arg8 : memref<!tpu.dma_semaphore, #tpu.memory_space<semaphore_mem>>) src(%dma_wait3A_22 : memref<10000xf32, #tpu.memory_space<hbm>>) dst(%arg5 : memref<10000xf32, #tpu.memory_space<vmem>>)
    %dma_wait3A_23 = tpu.memref_slice %arg3[%mul3A_8] : memref<320000xi32, #tpu.memory_space<hbm>> -> memref<10000xi32, #tpu.memory_space<hbm>>
    %dma_wait3A_24 = tpu.memref_slice %arg3[%mul3A_8] : memref<320000xi32, #tpu.memory_space<hbm>> -> memref<10000xi32, #tpu.memory_space<hbm>>
    tpu.wait_dma2 semaphore(%arg9 : memref<!tpu.dma_semaphore, #tpu.memory_space<semaphore_mem>>) src(%dma_wait3A_24 : memref<10000xi32, #tpu.memory_space<hbm>>) dst(%arg6 : memref<10000xi32, #tpu.memory_space<vmem>>)
    %broadcast_in_dim3A_25 = arith.constant 65535 : i32
    %broadcast_in_dim3A_26 = vector.broadcast %broadcast_in_dim3A_25 : i32 to vector<16xi32>
    %scan3A_27 = arith.constant 0 : i32
    %scan3A_28 = arith.constant 0 : i32
    %scan3A_29 = arith.constant 125 : i32
    %scan3A_30 = arith.addi %scan3A_28, %scan3A_29 : i32
    %scan3A_31 = arith.constant 1 : i32
    scf.for %scan3A_33 = %scan3A_28 to %scan3A_30 step %scan3A_31  : i32 {
      %mul3A_34 = arith.constant 80 : i32
      %mul3A_35 = arith.muli %scan3A_33, %mul3A_34 : i32
      %add3A_36 = arith.constant 0 : i32
      %add3A_37 = arith.addi %mul3A_35, %add3A_36 : i32
      %get3A = arith.index_cast %add3A_37 : i32 to index
      %get3A_38 = tpu.vector_load %arg6[%get3A] {strides = array<i32>} : memref<10000xi32, #tpu.memory_space<vmem>>, vector<16xi32>,
      %and3A = arith.andi %get3A_38, %broadcast_in_dim3A_26 : vector<16xi32>
      %shift_right_logical3A = arith.constant 16 : i32
      %shift_right_logical3A_39 = vector.broadcast %shift_right_logical3A : i32 to vector<16xi32>
      %shift_right_logical3A_40 = arith.shrui %get3A_38, %shift_right_logical3A_39 : vector<16xi32>
      %gather3A = tpu.vector_load_idx %arg5[%and3A] : memref<10000xf32, #tpu.memory_space<vmem>>[vector<16xi32>], vector<16xf32>,
      %add3A_41 = arith.constant 16 : i32
      %add3A_42 = arith.addi %mul3A_35, %add3A_41 : i32
      %get3A_43 = arith.index_cast %add3A_42 : i32 to index
      %get3A_44 = tpu.vector_load %arg6[%get3A_43] {strides = array<i32>} : memref<10000xi32, #tpu.memory_space<vmem>>, vector<16xi32>,
      %and3A_45 = arith.andi %get3A_44, %broadcast_in_dim3A_26 : vector<16xi32>
      %shift_right_logical3A_46 = arith.constant 16 : i32
      %shift_right_logical3A_47 = vector.broadcast %shift_right_logical3A_46 : i32 to vector<16xi32>
      %shift_right_logical3A_48 = arith.shrui %get3A_44, %shift_right_logical3A_47 : vector<16xi32>
      %gather3A_49 = tpu.vector_load_idx %arg5[%and3A_45] : memref<10000xf32, #tpu.memory_space<vmem>>[vector<16xi32>], vector<16xf32>,
      %add3A_50 = arith.constant 32 : i32
      %add3A_51 = arith.addi %mul3A_35, %add3A_50 : i32
      %get3A_52 = arith.index_cast %add3A_51 : i32 to index
      %get3A_53 = tpu.vector_load %arg6[%get3A_52] {strides = array<i32>} : memref<10000xi32, #tpu.memory_space<vmem>>, vector<16xi32>,
      %and3A_54 = arith.andi %get3A_53, %broadcast_in_dim3A_26 : vector<16xi32>
      %shift_right_logical3A_55 = arith.constant 16 : i32
      %shift_right_logical3A_56 = vector.broadcast %shift_right_logical3A_55 : i32 to vector<16xi32>
      %shift_right_logical3A_57 = arith.shrui %get3A_53, %shift_right_logical3A_56 : vector<16xi32>
      %gather3A_58 = tpu.vector_load_idx %arg5[%and3A_54] : memref<10000xf32, #tpu.memory_space<vmem>>[vector<16xi32>], vector<16xf32>,
      %add3A_59 = arith.constant 48 : i32
      %add3A_60 = arith.addi %mul3A_35, %add3A_59 : i32
      %get3A_61 = arith.index_cast %add3A_60 : i32 to index
      %get3A_62 = tpu.vector_load %arg6[%get3A_61] {strides = array<i32>} : memref<10000xi32, #tpu.memory_space<vmem>>, vector<16xi32>,
      %and3A_63 = arith.andi %get3A_62, %broadcast_in_dim3A_26 : vector<16xi32>
      %shift_right_logical3A_64 = arith.constant 16 : i32
      %shift_right_logical3A_65 = vector.broadcast %shift_right_logical3A_64 : i32 to vector<16xi32>
      %shift_right_logical3A_66 = arith.shrui %get3A_62, %shift_right_logical3A_65 : vector<16xi32>
      %gather3A_67 = tpu.vector_load_idx %arg5[%and3A_63] : memref<10000xf32, #tpu.memory_space<vmem>>[vector<16xi32>], vector<16xf32>,
      %add3A_68 = arith.constant 64 : i32
      %add3A_69 = arith.addi %mul3A_35, %add3A_68 : i32
      %get3A_70 = arith.index_cast %add3A_69 : i32 to index
      %get3A_71 = tpu.vector_load %arg6[%get3A_70] {strides = array<i32>} : memref<10000xi32, #tpu.memory_space<vmem>>, vector<16xi32>,
      %and3A_72 = arith.andi %get3A_71, %broadcast_in_dim3A_26 : vector<16xi32>
      %shift_right_logical3A_73 = arith.constant 16 : i32
      %shift_right_logical3A_74 = vector.broadcast %shift_right_logical3A_73 : i32 to vector<16xi32>
      %shift_right_logical3A_75 = arith.shrui %get3A_71, %shift_right_logical3A_74 : vector<16xi32>
      %gather3A_76 = tpu.vector_load_idx %arg5[%and3A_72] : memref<10000xf32, #tpu.memory_space<vmem>>[vector<16xi32>], vector<16xf32>,
      tpu.vector_store_idx %arg7[%shift_right_logical3A_40], %gather3A {add = true} : memref<10000xf32, #tpu.memory_space<vmem>>[vector<16xi32>], vector<16xf32>,
      tpu.vector_store_idx %arg7[%shift_right_logical3A_48], %gather3A_49 {add = true} : memref<10000xf32, #tpu.memory_space<vmem>>[vector<16xi32>], vector<16xf32>,
      tpu.vector_store_idx %arg7[%shift_right_logical3A_57], %gather3A_58 {add = true} : memref<10000xf32, #tpu.memory_space<vmem>>[vector<16xi32>], vector<16xf32>,
      tpu.vector_store_idx %arg7[%shift_right_logical3A_66], %gather3A_67 {add = true} : memref<10000xf32, #tpu.memory_space<vmem>>[vector<16xi32>], vector<16xf32>,
      tpu.vector_store_idx %arg7[%shift_right_logical3A_75], %gather3A_76 {add = true} : memref<10000xf32, #tpu.memory_space<vmem>>[vector<16xi32>], vector<16xf32>,
    }
    %scan3A_32 = arith.constant 125 : i32
    "tpu.region"() ({
      %run_scoped3A = tpu.sem_alloc : memref<!tpu.dma_semaphore, #tpu.memory_space<semaphore_mem>>
      %dma_start3A_33 = arith.constant 0 : i32
      %dma_start3A_34 = tpu.memref_slice %arg4[%add3A, %dma_start3A_33] : memref<32x10000xf32, #tpu.memory_space<hbm>> -> memref<1x10000xf32, #tpu.memory_space<hbm>>
      %dma_start3A_35 = tpu.memref_squeeze %dma_start3A_34 : memref<1x10000xf32, #tpu.memory_space<hbm>> -> memref<10000xf32, #tpu.memory_space<hbm>>
      %dma_start3A_36 = arith.constant 0 : i32
      %dma_start3A_37 = tpu.memref_slice %arg4[%add3A, %dma_start3A_36] : memref<32x10000xf32, #tpu.memory_space<hbm>> -> memref<1x10000xf32, #tpu.memory_space<hbm>>
      %dma_start3A_38 = tpu.memref_squeeze %dma_start3A_37 : memref<1x10000xf32, #tpu.memory_space<hbm>> -> memref<10000xf32, #tpu.memory_space<hbm>>
      tpu.enqueue_dma source(%arg7 : memref<10000xf32, #tpu.memory_space<vmem>>) target(%dma_start3A_38 : memref<10000xf32, #tpu.memory_space<hbm>>) target_semaphore(%run_scoped3A : memref<!tpu.dma_semaphore, #tpu.memory_space<semaphore_mem>>)
      %dma_wait3A_39 = arith.constant 0 : i32
      %dma_wait3A_40 = tpu.memref_slice %arg4[%add3A, %dma_wait3A_39] : memref<32x10000xf32, #tpu.memory_space<hbm>> -> memref<1x10000xf32, #tpu.memory_space<hbm>>
      %dma_wait3A_41 = tpu.memref_squeeze %dma_wait3A_40 : memref<1x10000xf32, #tpu.memory_space<hbm>> -> memref<10000xf32, #tpu.memory_space<hbm>>
      %dma_wait3A_42 = arith.constant 0 : i32
      %dma_wait3A_43 = tpu.memref_slice %arg4[%add3A, %dma_wait3A_42] : memref<32x10000xf32, #tpu.memory_space<hbm>> -> memref<1x10000xf32, #tpu.memory_space<hbm>>
      %dma_wait3A_44 = tpu.memref_squeeze %dma_wait3A_43 : memref<1x10000xf32, #tpu.memory_space<hbm>> -> memref<10000xf32, #tpu.memory_space<hbm>>
      tpu.wait_dma2 semaphore(%run_scoped3A : memref<!tpu.dma_semaphore, #tpu.memory_space<semaphore_mem>>) src(%arg7 : memref<10000xf32, #tpu.memory_space<vmem>>) dst(%dma_wait3A_44 : memref<10000xf32, #tpu.memory_space<hbm>>)
      tpu.yield
    }) : () -> ()
    return
  }
}

#map = affine_map<(d0, d1) -> (0, 0)>
#map1 = affine_map<(d0, d1) -> (0)>
module attributes {stable_mosaic.version = 14 : i64} {
  func.func @prop(%arg0: i32, %arg1: i32, %arg2: memref<64x10000xf32, #tpu.memory_space<hbm>>, %arg3: memref<320000xi32, #tpu.memory_space<hbm>>, %arg4: memref<64x10000xf32, #tpu.memory_space<hbm>>, %arg5: memref<10000xf32, #tpu.memory_space<vmem>>, %arg6: memref<10000xf32, #tpu.memory_space<vmem>>, %arg7: memref<10000xf32, #tpu.memory_space<vmem>>, %arg8: memref<10000xf32, #tpu.memory_space<vmem>>, %arg9: memref<6400xi32, #tpu.memory_space<vmem>>, %arg10: memref<6400xi32, #tpu.memory_space<vmem>>, %arg11: memref<!tpu.dma_semaphore, #tpu.memory_space<semaphore_mem>>, %arg12: memref<!tpu.dma_semaphore, #tpu.memory_space<semaphore_mem>>, %arg13: memref<!tpu.dma_semaphore, #tpu.memory_space<semaphore_mem>>) attributes {dimension_semantics = [#tpu.dimension_semantics<core_parallel>, #tpu.dimension_semantics<subcore_parallel>], iteration_bounds = array<i64: 2, 16>, scalar_prefetch = 0 : i64, scratch_operands = 9 : i64, tpu.core_type = #tpu.core_type<sc_vector_subcore>, window_params = [{transform_indices = #map}, {transform_indices = #map1}, {transform_indices = #map}]} {
    %mul3A = arith.constant 2 : i32
    %mul3A_0 = arith.muli %arg1, %mul3A : i32
    %add3A = arith.addi %mul3A_0, %arg0 : i32
    %mul3A_1 = arith.constant 2 : i32
    %mul3A_2 = arith.muli %add3A, %mul3A_1 : i32
    %dma_start3A = arith.constant 0 : i32
    %dma_start3A_3 = tpu.memref_slice %arg3[%dma_start3A] : memref<320000xi32, #tpu.memory_space<hbm>> -> memref<6400xi32, #tpu.memory_space<hbm>>
    %dma_start3A_4 = arith.constant 0 : i32
    %dma_start3A_5 = tpu.memref_slice %arg3[%dma_start3A_4] : memref<320000xi32, #tpu.memory_space<hbm>> -> memref<6400xi32, #tpu.memory_space<hbm>>
    tpu.enqueue_dma source(%dma_start3A_5 : memref<6400xi32, #tpu.memory_space<hbm>>) target(%arg9 : memref<6400xi32, #tpu.memory_space<vmem>>) target_semaphore(%arg11 : memref<!tpu.dma_semaphore, #tpu.memory_space<semaphore_mem>>)
    %dma_start3A_6 = arith.constant 6400 : i32
    %dma_start3A_7 = tpu.memref_slice %arg3[%dma_start3A_6] : memref<320000xi32, #tpu.memory_space<hbm>> -> memref<6400xi32, #tpu.memory_space<hbm>>
    %dma_start3A_8 = arith.constant 6400 : i32
    %dma_start3A_9 = tpu.memref_slice %arg3[%dma_start3A_8] : memref<320000xi32, #tpu.memory_space<hbm>> -> memref<6400xi32, #tpu.memory_space<hbm>>
    tpu.enqueue_dma source(%dma_start3A_9 : memref<6400xi32, #tpu.memory_space<hbm>>) target(%arg10 : memref<6400xi32, #tpu.memory_space<vmem>>) target_semaphore(%arg12 : memref<!tpu.dma_semaphore, #tpu.memory_space<semaphore_mem>>)
    %add3A_10 = arith.constant 0 : i32
    %add3A_11 = arith.addi %mul3A_2, %add3A_10 : i32
    %dma_start3A_12 = arith.constant 0 : i32
    %dma_start3A_13 = tpu.memref_slice %arg2[%add3A_11, %dma_start3A_12] : memref<64x10000xf32, #tpu.memory_space<hbm>> -> memref<1x10000xf32, #tpu.memory_space<hbm>>
    %dma_start3A_14 = tpu.memref_squeeze %dma_start3A_13 : memref<1x10000xf32, #tpu.memory_space<hbm>> -> memref<10000xf32, #tpu.memory_space<hbm>>
    %dma_start3A_15 = arith.constant 0 : i32
    %dma_start3A_16 = tpu.memref_slice %arg2[%add3A_11, %dma_start3A_15] : memref<64x10000xf32, #tpu.memory_space<hbm>> -> memref<1x10000xf32, #tpu.memory_space<hbm>>
    %dma_start3A_17 = tpu.memref_squeeze %dma_start3A_16 : memref<1x10000xf32, #tpu.memory_space<hbm>> -> memref<10000xf32, #tpu.memory_space<hbm>>
    tpu.enqueue_dma source(%dma_start3A_17 : memref<10000xf32, #tpu.memory_space<hbm>>) target(%arg7 : memref<10000xf32, #tpu.memory_space<vmem>>) target_semaphore(%arg13 : memref<!tpu.dma_semaphore, #tpu.memory_space<semaphore_mem>>)
    %add3A_18 = arith.constant 1 : i32
    %add3A_19 = arith.addi %mul3A_2, %add3A_18 : i32
    %dma_start3A_20 = arith.constant 0 : i32
    %dma_start3A_21 = tpu.memref_slice %arg2[%add3A_19, %dma_start3A_20] : memref<64x10000xf32, #tpu.memory_space<hbm>> -> memref<1x10000xf32, #tpu.memory_space<hbm>>
    %dma_start3A_22 = tpu.memref_squeeze %dma_start3A_21 : memref<1x10000xf32, #tpu.memory_space<hbm>> -> memref<10000xf32, #tpu.memory_space<hbm>>
    %dma_start3A_23 = arith.constant 0 : i32
    %dma_start3A_24 = tpu.memref_slice %arg2[%add3A_19, %dma_start3A_23] : memref<64x10000xf32, #tpu.memory_space<hbm>> -> memref<1x10000xf32, #tpu.memory_space<hbm>>
    %dma_start3A_25 = tpu.memref_squeeze %dma_start3A_24 : memref<1x10000xf32, #tpu.memory_space<hbm>> -> memref<10000xf32, #tpu.memory_space<hbm>>
    tpu.enqueue_dma source(%dma_start3A_25 : memref<10000xf32, #tpu.memory_space<hbm>>) target(%arg8 : memref<10000xf32, #tpu.memory_space<vmem>>) target_semaphore(%arg13 : memref<!tpu.dma_semaphore, #tpu.memory_space<semaphore_mem>>)
    %add3A_26 = arith.constant 0 : i32
    %add3A_27 = arith.addi %mul3A_2, %add3A_26 : i32
    "tpu.region"() ({
      %run_scoped3A = tpu.sem_alloc : memref<!tpu.dma_semaphore, #tpu.memory_space<semaphore_mem>>
      %dma_start3A_51 = arith.constant 0 : i32
      %dma_start3A_52 = tpu.memref_slice %arg2[%add3A_27, %dma_start3A_51] : memref<64x10000xf32, #tpu.memory_space<hbm>> -> memref<1x10000xf32, #tpu.memory_space<hbm>>
      %dma_start3A_53 = tpu.memref_squeeze %dma_start3A_52 : memref<1x10000xf32, #tpu.memory_space<hbm>> -> memref<10000xf32, #tpu.memory_space<hbm>>
      %dma_start3A_54 = arith.constant 0 : i32
      %dma_start3A_55 = tpu.memref_slice %arg2[%add3A_27, %dma_start3A_54] : memref<64x10000xf32, #tpu.memory_space<hbm>> -> memref<1x10000xf32, #tpu.memory_space<hbm>>
      %dma_start3A_56 = tpu.memref_squeeze %dma_start3A_55 : memref<1x10000xf32, #tpu.memory_space<hbm>> -> memref<10000xf32, #tpu.memory_space<hbm>>
      tpu.enqueue_dma source(%dma_start3A_56 : memref<10000xf32, #tpu.memory_space<hbm>>) target(%arg5 : memref<10000xf32, #tpu.memory_space<vmem>>) target_semaphore(%run_scoped3A : memref<!tpu.dma_semaphore, #tpu.memory_space<semaphore_mem>>)
      %dma_wait3A_57 = arith.constant 0 : i32
      %dma_wait3A_58 = tpu.memref_slice %arg2[%add3A_27, %dma_wait3A_57] : memref<64x10000xf32, #tpu.memory_space<hbm>> -> memref<1x10000xf32, #tpu.memory_space<hbm>>
      %dma_wait3A_59 = tpu.memref_squeeze %dma_wait3A_58 : memref<1x10000xf32, #tpu.memory_space<hbm>> -> memref<10000xf32, #tpu.memory_space<hbm>>
      %dma_wait3A_60 = arith.constant 0 : i32
      %dma_wait3A_61 = tpu.memref_slice %arg2[%add3A_27, %dma_wait3A_60] : memref<64x10000xf32, #tpu.memory_space<hbm>> -> memref<1x10000xf32, #tpu.memory_space<hbm>>
      %dma_wait3A_62 = tpu.memref_squeeze %dma_wait3A_61 : memref<1x10000xf32, #tpu.memory_space<hbm>> -> memref<10000xf32, #tpu.memory_space<hbm>>
      tpu.wait_dma2 semaphore(%run_scoped3A : memref<!tpu.dma_semaphore, #tpu.memory_space<semaphore_mem>>) src(%dma_wait3A_62 : memref<10000xf32, #tpu.memory_space<hbm>>) dst(%arg5 : memref<10000xf32, #tpu.memory_space<vmem>>)
      tpu.yield
    }) : () -> ()
    %add3A_28 = arith.constant 1 : i32
    %add3A_29 = arith.addi %mul3A_2, %add3A_28 : i32
    "tpu.region"() ({
      %run_scoped3A = tpu.sem_alloc : memref<!tpu.dma_semaphore, #tpu.memory_space<semaphore_mem>>
      %dma_start3A_51 = arith.constant 0 : i32
      %dma_start3A_52 = tpu.memref_slice %arg2[%add3A_29, %dma_start3A_51] : memref<64x10000xf32, #tpu.memory_space<hbm>> -> memref<1x10000xf32, #tpu.memory_space<hbm>>
      %dma_start3A_53 = tpu.memref_squeeze %dma_start3A_52 : memref<1x10000xf32, #tpu.memory_space<hbm>> -> memref<10000xf32, #tpu.memory_space<hbm>>
      %dma_start3A_54 = arith.constant 0 : i32
      %dma_start3A_55 = tpu.memref_slice %arg2[%add3A_29, %dma_start3A_54] : memref<64x10000xf32, #tpu.memory_space<hbm>> -> memref<1x10000xf32, #tpu.memory_space<hbm>>
      %dma_start3A_56 = tpu.memref_squeeze %dma_start3A_55 : memref<1x10000xf32, #tpu.memory_space<hbm>> -> memref<10000xf32, #tpu.memory_space<hbm>>
      tpu.enqueue_dma source(%dma_start3A_56 : memref<10000xf32, #tpu.memory_space<hbm>>) target(%arg6 : memref<10000xf32, #tpu.memory_space<vmem>>) target_semaphore(%run_scoped3A : memref<!tpu.dma_semaphore, #tpu.memory_space<semaphore_mem>>)
      %dma_wait3A_57 = arith.constant 0 : i32
      %dma_wait3A_58 = tpu.memref_slice %arg2[%add3A_29, %dma_wait3A_57] : memref<64x10000xf32, #tpu.memory_space<hbm>> -> memref<1x10000xf32, #tpu.memory_space<hbm>>
      %dma_wait3A_59 = tpu.memref_squeeze %dma_wait3A_58 : memref<1x10000xf32, #tpu.memory_space<hbm>> -> memref<10000xf32, #tpu.memory_space<hbm>>
      %dma_wait3A_60 = arith.constant 0 : i32
      %dma_wait3A_61 = tpu.memref_slice %arg2[%add3A_29, %dma_wait3A_60] : memref<64x10000xf32, #tpu.memory_space<hbm>> -> memref<1x10000xf32, #tpu.memory_space<hbm>>
      %dma_wait3A_62 = tpu.memref_squeeze %dma_wait3A_61 : memref<1x10000xf32, #tpu.memory_space<hbm>> -> memref<10000xf32, #tpu.memory_space<hbm>>
      tpu.wait_dma2 semaphore(%run_scoped3A : memref<!tpu.dma_semaphore, #tpu.memory_space<semaphore_mem>>) src(%dma_wait3A_62 : memref<10000xf32, #tpu.memory_space<hbm>>) dst(%arg6 : memref<10000xf32, #tpu.memory_space<vmem>>)
      tpu.yield
    }) : () -> ()
    %dma_wait3A = arith.constant 0 : i32
    %dma_wait3A_30 = tpu.memref_slice %arg2[%add3A_11, %dma_wait3A] : memref<64x10000xf32, #tpu.memory_space<hbm>> -> memref<1x10000xf32, #tpu.memory_space<hbm>>
    %dma_wait3A_31 = tpu.memref_squeeze %dma_wait3A_30 : memref<1x10000xf32, #tpu.memory_space<hbm>> -> memref<10000xf32, #tpu.memory_space<hbm>>
    %dma_wait3A_32 = arith.constant 0 : i32
    %dma_wait3A_33 = tpu.memref_slice %arg2[%add3A_11, %dma_wait3A_32] : memref<64x10000xf32, #tpu.memory_space<hbm>> -> memref<1x10000xf32, #tpu.memory_space<hbm>>
    %dma_wait3A_34 = tpu.memref_squeeze %dma_wait3A_33 : memref<1x10000xf32, #tpu.memory_space<hbm>> -> memref<10000xf32, #tpu.memory_space<hbm>>
    tpu.wait_dma2 semaphore(%arg13 : memref<!tpu.dma_semaphore, #tpu.memory_space<semaphore_mem>>) src(%dma_wait3A_34 : memref<10000xf32, #tpu.memory_space<hbm>>) dst(%arg7 : memref<10000xf32, #tpu.memory_space<vmem>>)
    %dma_wait3A_35 = arith.constant 0 : i32
    %dma_wait3A_36 = tpu.memref_slice %arg2[%add3A_19, %dma_wait3A_35] : memref<64x10000xf32, #tpu.memory_space<hbm>> -> memref<1x10000xf32, #tpu.memory_space<hbm>>
    %dma_wait3A_37 = tpu.memref_squeeze %dma_wait3A_36 : memref<1x10000xf32, #tpu.memory_space<hbm>> -> memref<10000xf32, #tpu.memory_space<hbm>>
    %dma_wait3A_38 = arith.constant 0 : i32
    %dma_wait3A_39 = tpu.memref_slice %arg2[%add3A_19, %dma_wait3A_38] : memref<64x10000xf32, #tpu.memory_space<hbm>> -> memref<1x10000xf32, #tpu.memory_space<hbm>>
    %dma_wait3A_40 = tpu.memref_squeeze %dma_wait3A_39 : memref<1x10000xf32, #tpu.memory_space<hbm>> -> memref<10000xf32, #tpu.memory_space<hbm>>
    tpu.wait_dma2 semaphore(%arg13 : memref<!tpu.dma_semaphore, #tpu.memory_space<semaphore_mem>>) src(%dma_wait3A_40 : memref<10000xf32, #tpu.memory_space<hbm>>) dst(%arg8 : memref<10000xf32, #tpu.memory_space<vmem>>)
    %broadcast_in_dim3A = arith.constant 65535 : i32
    %broadcast_in_dim3A_41 = vector.broadcast %broadcast_in_dim3A : i32 to vector<16xi32>
    %scan3A = arith.constant 0 : i32
    %scan3A_42 = arith.constant 0 : i32
    %scan3A_43 = arith.constant 25 : i32
    %scan3A_44 = arith.addi %scan3A_42, %scan3A_43 : i32
    %scan3A_45 = arith.constant 1 : i32
    scf.for %scan3A_51 = %scan3A_42 to %scan3A_44 step %scan3A_45  : i32 {
      %mul3A_52 = arith.constant 2 : i32
      %mul3A_53 = arith.muli %scan3A_51, %mul3A_52 : i32
      %add3A_54 = arith.constant 0 : i32
      %add3A_55 = arith.addi %mul3A_53, %add3A_54 : i32
      %dma_wait3A_56 = arith.constant 0 : i32
      %dma_wait3A_57 = tpu.memref_slice %arg3[%dma_wait3A_56] : memref<320000xi32, #tpu.memory_space<hbm>> -> memref<6400xi32, #tpu.memory_space<hbm>>
      %dma_wait3A_58 = arith.constant 0 : i32
      %dma_wait3A_59 = tpu.memref_slice %arg3[%dma_wait3A_58] : memref<320000xi32, #tpu.memory_space<hbm>> -> memref<6400xi32, #tpu.memory_space<hbm>>
      tpu.wait_dma2 semaphore(%arg11 : memref<!tpu.dma_semaphore, #tpu.memory_space<semaphore_mem>>) src(%dma_wait3A_59 : memref<6400xi32, #tpu.memory_space<hbm>>) dst(%arg9 : memref<6400xi32, #tpu.memory_space<vmem>>)
      %scan3A_60 = arith.constant 0 : i32
      %scan3A_61 = arith.constant 0 : i32
      %scan3A_62 = arith.constant 25 : i32
      %scan3A_63 = arith.addi %scan3A_61, %scan3A_62 : i32
      %scan3A_64 = arith.constant 1 : i32
      scf.for %scan3A_91 = %scan3A_61 to %scan3A_63 step %scan3A_64  : i32 {
        %mul3A_92 = arith.constant 256 : i32
        %mul3A_93 = arith.muli %scan3A_91, %mul3A_92 : i32
        %add3A_94 = arith.constant 0 : i32
        %add3A_95 = arith.addi %mul3A_93, %add3A_94 : i32
        %get3A = arith.index_cast %add3A_95 : i32 to index
        %get3A_96 = tpu.vector_load %arg9[%get3A] {strides = array<i32>} : memref<6400xi32, #tpu.memory_space<vmem>>, vector<16xi32>,
        %and3A = arith.andi %get3A_96, %broadcast_in_dim3A_41 : vector<16xi32>
        %shift_right_logical3A = arith.constant 16 : i32
        %shift_right_logical3A_97 = vector.broadcast %shift_right_logical3A : i32 to vector<16xi32>
        %shift_right_logical3A_98 = arith.shrui %get3A_96, %shift_right_logical3A_97 : vector<16xi32>
        %gather3A = tpu.vector_load_idx %arg5[%and3A] : memref<10000xf32, #tpu.memory_space<vmem>>[vector<16xi32>], vector<16xf32>,
        %gather3A_99 = tpu.vector_load_idx %arg6[%and3A] : memref<10000xf32, #tpu.memory_space<vmem>>[vector<16xi32>], vector<16xf32>,
        %add3A_100 = arith.constant 16 : i32
        %add3A_101 = arith.addi %mul3A_93, %add3A_100 : i32
        %get3A_102 = arith.index_cast %add3A_101 : i32 to index
        %get3A_103 = tpu.vector_load %arg9[%get3A_102] {strides = array<i32>} : memref<6400xi32, #tpu.memory_space<vmem>>, vector<16xi32>,
        %and3A_104 = arith.andi %get3A_103, %broadcast_in_dim3A_41 : vector<16xi32>
        %shift_right_logical3A_105 = arith.constant 16 : i32
        %shift_right_logical3A_106 = vector.broadcast %shift_right_logical3A_105 : i32 to vector<16xi32>
        %shift_right_logical3A_107 = arith.shrui %get3A_103, %shift_right_logical3A_106 : vector<16xi32>
        %gather3A_108 = tpu.vector_load_idx %arg5[%and3A_104] : memref<10000xf32, #tpu.memory_space<vmem>>[vector<16xi32>], vector<16xf32>,
        %gather3A_109 = tpu.vector_load_idx %arg6[%and3A_104] : memref<10000xf32, #tpu.memory_space<vmem>>[vector<16xi32>], vector<16xf32>,
        %add3A_110 = arith.constant 32 : i32
        %add3A_111 = arith.addi %mul3A_93, %add3A_110 : i32
        %get3A_112 = arith.index_cast %add3A_111 : i32 to index
        %get3A_113 = tpu.vector_load %arg9[%get3A_112] {strides = array<i32>} : memref<6400xi32, #tpu.memory_space<vmem>>, vector<16xi32>,
        %and3A_114 = arith.andi %get3A_113, %broadcast_in_dim3A_41 : vector<16xi32>
        %shift_right_logical3A_115 = arith.constant 16 : i32
        %shift_right_logical3A_116 = vector.broadcast %shift_right_logical3A_115 : i32 to vector<16xi32>
        %shift_right_logical3A_117 = arith.shrui %get3A_113, %shift_right_logical3A_116 : vector<16xi32>
        %gather3A_118 = tpu.vector_load_idx %arg5[%and3A_114] : memref<10000xf32, #tpu.memory_space<vmem>>[vector<16xi32>], vector<16xf32>,
        %gather3A_119 = tpu.vector_load_idx %arg6[%and3A_114] : memref<10000xf32, #tpu.memory_space<vmem>>[vector<16xi32>], vector<16xf32>,
        %add3A_120 = arith.constant 48 : i32
        %add3A_121 = arith.addi %mul3A_93, %add3A_120 : i32
        %get3A_122 = arith.index_cast %add3A_121 : i32 to index
        %get3A_123 = tpu.vector_load %arg9[%get3A_122] {strides = array<i32>} : memref<6400xi32, #tpu.memory_space<vmem>>, vector<16xi32>,
        %and3A_124 = arith.andi %get3A_123, %broadcast_in_dim3A_41 : vector<16xi32>
        %shift_right_logical3A_125 = arith.constant 16 : i32
        %shift_right_logical3A_126 = vector.broadcast %shift_right_logical3A_125 : i32 to vector<16xi32>
        %shift_right_logical3A_127 = arith.shrui %get3A_123, %shift_right_logical3A_126 : vector<16xi32>
        %gather3A_128 = tpu.vector_load_idx %arg5[%and3A_124] : memref<10000xf32, #tpu.memory_space<vmem>>[vector<16xi32>], vector<16xf32>,
        %gather3A_129 = tpu.vector_load_idx %arg6[%and3A_124] : memref<10000xf32, #tpu.memory_space<vmem>>[vector<16xi32>], vector<16xf32>,
        %add3A_130 = arith.constant 64 : i32
        %add3A_131 = arith.addi %mul3A_93, %add3A_130 : i32
        %get3A_132 = arith.index_cast %add3A_131 : i32 to index
        %get3A_133 = tpu.vector_load %arg9[%get3A_132] {strides = array<i32>} : memref<6400xi32, #tpu.memory_space<vmem>>, vector<16xi32>,
        %and3A_134 = arith.andi %get3A_133, %broadcast_in_dim3A_41 : vector<16xi32>
        %shift_right_logical3A_135 = arith.constant 16 : i32
        %shift_right_logical3A_136 = vector.broadcast %shift_right_logical3A_135 : i32 to vector<16xi32>
        %shift_right_logical3A_137 = arith.shrui %get3A_133, %shift_right_logical3A_136 : vector<16xi32>
        %gather3A_138 = tpu.vector_load_idx %arg5[%and3A_134] : memref<10000xf32, #tpu.memory_space<vmem>>[vector<16xi32>], vector<16xf32>,
        %gather3A_139 = tpu.vector_load_idx %arg6[%and3A_134] : memref<10000xf32, #tpu.memory_space<vmem>>[vector<16xi32>], vector<16xf32>,
        %add3A_140 = arith.constant 80 : i32
        %add3A_141 = arith.addi %mul3A_93, %add3A_140 : i32
        %get3A_142 = arith.index_cast %add3A_141 : i32 to index
        %get3A_143 = tpu.vector_load %arg9[%get3A_142] {strides = array<i32>} : memref<6400xi32, #tpu.memory_space<vmem>>, vector<16xi32>,
        %and3A_144 = arith.andi %get3A_143, %broadcast_in_dim3A_41 : vector<16xi32>
        %shift_right_logical3A_145 = arith.constant 16 : i32
        %shift_right_logical3A_146 = vector.broadcast %shift_right_logical3A_145 : i32 to vector<16xi32>
        %shift_right_logical3A_147 = arith.shrui %get3A_143, %shift_right_logical3A_146 : vector<16xi32>
        %gather3A_148 = tpu.vector_load_idx %arg5[%and3A_144] : memref<10000xf32, #tpu.memory_space<vmem>>[vector<16xi32>], vector<16xf32>,
        %gather3A_149 = tpu.vector_load_idx %arg6[%and3A_144] : memref<10000xf32, #tpu.memory_space<vmem>>[vector<16xi32>], vector<16xf32>,
        %add3A_150 = arith.constant 96 : i32
        %add3A_151 = arith.addi %mul3A_93, %add3A_150 : i32
        %get3A_152 = arith.index_cast %add3A_151 : i32 to index
        %get3A_153 = tpu.vector_load %arg9[%get3A_152] {strides = array<i32>} : memref<6400xi32, #tpu.memory_space<vmem>>, vector<16xi32>,
        %and3A_154 = arith.andi %get3A_153, %broadcast_in_dim3A_41 : vector<16xi32>
        %shift_right_logical3A_155 = arith.constant 16 : i32
        %shift_right_logical3A_156 = vector.broadcast %shift_right_logical3A_155 : i32 to vector<16xi32>
        %shift_right_logical3A_157 = arith.shrui %get3A_153, %shift_right_logical3A_156 : vector<16xi32>
        %gather3A_158 = tpu.vector_load_idx %arg5[%and3A_154] : memref<10000xf32, #tpu.memory_space<vmem>>[vector<16xi32>], vector<16xf32>,
        %gather3A_159 = tpu.vector_load_idx %arg6[%and3A_154] : memref<10000xf32, #tpu.memory_space<vmem>>[vector<16xi32>], vector<16xf32>,
        %add3A_160 = arith.constant 112 : i32
        %add3A_161 = arith.addi %mul3A_93, %add3A_160 : i32
        %get3A_162 = arith.index_cast %add3A_161 : i32 to index
        %get3A_163 = tpu.vector_load %arg9[%get3A_162] {strides = array<i32>} : memref<6400xi32, #tpu.memory_space<vmem>>, vector<16xi32>,
        %and3A_164 = arith.andi %get3A_163, %broadcast_in_dim3A_41 : vector<16xi32>
        %shift_right_logical3A_165 = arith.constant 16 : i32
        %shift_right_logical3A_166 = vector.broadcast %shift_right_logical3A_165 : i32 to vector<16xi32>
        %shift_right_logical3A_167 = arith.shrui %get3A_163, %shift_right_logical3A_166 : vector<16xi32>
        %gather3A_168 = tpu.vector_load_idx %arg5[%and3A_164] : memref<10000xf32, #tpu.memory_space<vmem>>[vector<16xi32>], vector<16xf32>,
        %gather3A_169 = tpu.vector_load_idx %arg6[%and3A_164] : memref<10000xf32, #tpu.memory_space<vmem>>[vector<16xi32>], vector<16xf32>,
        %add3A_170 = arith.constant 128 : i32
        %add3A_171 = arith.addi %mul3A_93, %add3A_170 : i32
        %get3A_172 = arith.index_cast %add3A_171 : i32 to index
        %get3A_173 = tpu.vector_load %arg9[%get3A_172] {strides = array<i32>} : memref<6400xi32, #tpu.memory_space<vmem>>, vector<16xi32>,
        %and3A_174 = arith.andi %get3A_173, %broadcast_in_dim3A_41 : vector<16xi32>
        %shift_right_logical3A_175 = arith.constant 16 : i32
        %shift_right_logical3A_176 = vector.broadcast %shift_right_logical3A_175 : i32 to vector<16xi32>
        %shift_right_logical3A_177 = arith.shrui %get3A_173, %shift_right_logical3A_176 : vector<16xi32>
        %gather3A_178 = tpu.vector_load_idx %arg5[%and3A_174] : memref<10000xf32, #tpu.memory_space<vmem>>[vector<16xi32>], vector<16xf32>,
        %gather3A_179 = tpu.vector_load_idx %arg6[%and3A_174] : memref<10000xf32, #tpu.memory_space<vmem>>[vector<16xi32>], vector<16xf32>,
        %add3A_180 = arith.constant 144 : i32
        %add3A_181 = arith.addi %mul3A_93, %add3A_180 : i32
        %get3A_182 = arith.index_cast %add3A_181 : i32 to index
        %get3A_183 = tpu.vector_load %arg9[%get3A_182] {strides = array<i32>} : memref<6400xi32, #tpu.memory_space<vmem>>, vector<16xi32>,
        %and3A_184 = arith.andi %get3A_183, %broadcast_in_dim3A_41 : vector<16xi32>
        %shift_right_logical3A_185 = arith.constant 16 : i32
        %shift_right_logical3A_186 = vector.broadcast %shift_right_logical3A_185 : i32 to vector<16xi32>
        %shift_right_logical3A_187 = arith.shrui %get3A_183, %shift_right_logical3A_186 : vector<16xi32>
        %gather3A_188 = tpu.vector_load_idx %arg5[%and3A_184] : memref<10000xf32, #tpu.memory_space<vmem>>[vector<16xi32>], vector<16xf32>,
        %gather3A_189 = tpu.vector_load_idx %arg6[%and3A_184] : memref<10000xf32, #tpu.memory_space<vmem>>[vector<16xi32>], vector<16xf32>,
        %add3A_190 = arith.constant 160 : i32
        %add3A_191 = arith.addi %mul3A_93, %add3A_190 : i32
        %get3A_192 = arith.index_cast %add3A_191 : i32 to index
        %get3A_193 = tpu.vector_load %arg9[%get3A_192] {strides = array<i32>} : memref<6400xi32, #tpu.memory_space<vmem>>, vector<16xi32>,
        %and3A_194 = arith.andi %get3A_193, %broadcast_in_dim3A_41 : vector<16xi32>
        %shift_right_logical3A_195 = arith.constant 16 : i32
        %shift_right_logical3A_196 = vector.broadcast %shift_right_logical3A_195 : i32 to vector<16xi32>
        %shift_right_logical3A_197 = arith.shrui %get3A_193, %shift_right_logical3A_196 : vector<16xi32>
        %gather3A_198 = tpu.vector_load_idx %arg5[%and3A_194] : memref<10000xf32, #tpu.memory_space<vmem>>[vector<16xi32>], vector<16xf32>,
        %gather3A_199 = tpu.vector_load_idx %arg6[%and3A_194] : memref<10000xf32, #tpu.memory_space<vmem>>[vector<16xi32>], vector<16xf32>,
        %add3A_200 = arith.constant 176 : i32
        %add3A_201 = arith.addi %mul3A_93, %add3A_200 : i32
        %get3A_202 = arith.index_cast %add3A_201 : i32 to index
        %get3A_203 = tpu.vector_load %arg9[%get3A_202] {strides = array<i32>} : memref<6400xi32, #tpu.memory_space<vmem>>, vector<16xi32>,
        %and3A_204 = arith.andi %get3A_203, %broadcast_in_dim3A_41 : vector<16xi32>
        %shift_right_logical3A_205 = arith.constant 16 : i32
        %shift_right_logical3A_206 = vector.broadcast %shift_right_logical3A_205 : i32 to vector<16xi32>
        %shift_right_logical3A_207 = arith.shrui %get3A_203, %shift_right_logical3A_206 : vector<16xi32>
        %gather3A_208 = tpu.vector_load_idx %arg5[%and3A_204] : memref<10000xf32, #tpu.memory_space<vmem>>[vector<16xi32>], vector<16xf32>,
        %gather3A_209 = tpu.vector_load_idx %arg6[%and3A_204] : memref<10000xf32, #tpu.memory_space<vmem>>[vector<16xi32>], vector<16xf32>,
        %add3A_210 = arith.constant 192 : i32
        %add3A_211 = arith.addi %mul3A_93, %add3A_210 : i32
        %get3A_212 = arith.index_cast %add3A_211 : i32 to index
        %get3A_213 = tpu.vector_load %arg9[%get3A_212] {strides = array<i32>} : memref<6400xi32, #tpu.memory_space<vmem>>, vector<16xi32>,
        %and3A_214 = arith.andi %get3A_213, %broadcast_in_dim3A_41 : vector<16xi32>
        %shift_right_logical3A_215 = arith.constant 16 : i32
        %shift_right_logical3A_216 = vector.broadcast %shift_right_logical3A_215 : i32 to vector<16xi32>
        %shift_right_logical3A_217 = arith.shrui %get3A_213, %shift_right_logical3A_216 : vector<16xi32>
        %gather3A_218 = tpu.vector_load_idx %arg5[%and3A_214] : memref<10000xf32, #tpu.memory_space<vmem>>[vector<16xi32>], vector<16xf32>,
        %gather3A_219 = tpu.vector_load_idx %arg6[%and3A_214] : memref<10000xf32, #tpu.memory_space<vmem>>[vector<16xi32>], vector<16xf32>,
        %add3A_220 = arith.constant 208 : i32
        %add3A_221 = arith.addi %mul3A_93, %add3A_220 : i32
        %get3A_222 = arith.index_cast %add3A_221 : i32 to index
        %get3A_223 = tpu.vector_load %arg9[%get3A_222] {strides = array<i32>} : memref<6400xi32, #tpu.memory_space<vmem>>, vector<16xi32>,
        %and3A_224 = arith.andi %get3A_223, %broadcast_in_dim3A_41 : vector<16xi32>
        %shift_right_logical3A_225 = arith.constant 16 : i32
        %shift_right_logical3A_226 = vector.broadcast %shift_right_logical3A_225 : i32 to vector<16xi32>
        %shift_right_logical3A_227 = arith.shrui %get3A_223, %shift_right_logical3A_226 : vector<16xi32>
        %gather3A_228 = tpu.vector_load_idx %arg5[%and3A_224] : memref<10000xf32, #tpu.memory_space<vmem>>[vector<16xi32>], vector<16xf32>,
        %gather3A_229 = tpu.vector_load_idx %arg6[%and3A_224] : memref<10000xf32, #tpu.memory_space<vmem>>[vector<16xi32>], vector<16xf32>,
        %add3A_230 = arith.constant 224 : i32
        %add3A_231 = arith.addi %mul3A_93, %add3A_230 : i32
        %get3A_232 = arith.index_cast %add3A_231 : i32 to index
        %get3A_233 = tpu.vector_load %arg9[%get3A_232] {strides = array<i32>} : memref<6400xi32, #tpu.memory_space<vmem>>, vector<16xi32>,
        %and3A_234 = arith.andi %get3A_233, %broadcast_in_dim3A_41 : vector<16xi32>
        %shift_right_logical3A_235 = arith.constant 16 : i32
        %shift_right_logical3A_236 = vector.broadcast %shift_right_logical3A_235 : i32 to vector<16xi32>
        %shift_right_logical3A_237 = arith.shrui %get3A_233, %shift_right_logical3A_236 : vector<16xi32>
        %gather3A_238 = tpu.vector_load_idx %arg5[%and3A_234] : memref<10000xf32, #tpu.memory_space<vmem>>[vector<16xi32>], vector<16xf32>,
        %gather3A_239 = tpu.vector_load_idx %arg6[%and3A_234] : memref<10000xf32, #tpu.memory_space<vmem>>[vector<16xi32>], vector<16xf32>,
        %add3A_240 = arith.constant 240 : i32
        %add3A_241 = arith.addi %mul3A_93, %add3A_240 : i32
        %get3A_242 = arith.index_cast %add3A_241 : i32 to index
        %get3A_243 = tpu.vector_load %arg9[%get3A_242] {strides = array<i32>} : memref<6400xi32, #tpu.memory_space<vmem>>, vector<16xi32>,
        %and3A_244 = arith.andi %get3A_243, %broadcast_in_dim3A_41 : vector<16xi32>
        %shift_right_logical3A_245 = arith.constant 16 : i32
        %shift_right_logical3A_246 = vector.broadcast %shift_right_logical3A_245 : i32 to vector<16xi32>
        %shift_right_logical3A_247 = arith.shrui %get3A_243, %shift_right_logical3A_246 : vector<16xi32>
        %gather3A_248 = tpu.vector_load_idx %arg5[%and3A_244] : memref<10000xf32, #tpu.memory_space<vmem>>[vector<16xi32>], vector<16xf32>,
        %gather3A_249 = tpu.vector_load_idx %arg6[%and3A_244] : memref<10000xf32, #tpu.memory_space<vmem>>[vector<16xi32>], vector<16xf32>,
        tpu.vector_store_idx %arg7[%shift_right_logical3A_98], %gather3A {add = true} : memref<10000xf32, #tpu.memory_space<vmem>>[vector<16xi32>], vector<16xf32>,
        tpu.vector_store_idx %arg8[%shift_right_logical3A_98], %gather3A_99 {add = true} : memref<10000xf32, #tpu.memory_space<vmem>>[vector<16xi32>], vector<16xf32>,
        tpu.vector_store_idx %arg7[%shift_right_logical3A_107], %gather3A_108 {add = true} : memref<10000xf32, #tpu.memory_space<vmem>>[vector<16xi32>], vector<16xf32>,
        tpu.vector_store_idx %arg8[%shift_right_logical3A_107], %gather3A_109 {add = true} : memref<10000xf32, #tpu.memory_space<vmem>>[vector<16xi32>], vector<16xf32>,
        tpu.vector_store_idx %arg7[%shift_right_logical3A_117], %gather3A_118 {add = true} : memref<10000xf32, #tpu.memory_space<vmem>>[vector<16xi32>], vector<16xf32>,
        tpu.vector_store_idx %arg8[%shift_right_logical3A_117], %gather3A_119 {add = true} : memref<10000xf32, #tpu.memory_space<vmem>>[vector<16xi32>], vector<16xf32>,
        tpu.vector_store_idx %arg7[%shift_right_logical3A_127], %gather3A_128 {add = true} : memref<10000xf32, #tpu.memory_space<vmem>>[vector<16xi32>], vector<16xf32>,
        tpu.vector_store_idx %arg8[%shift_right_logical3A_127], %gather3A_129 {add = true} : memref<10000xf32, #tpu.memory_space<vmem>>[vector<16xi32>], vector<16xf32>,
        tpu.vector_store_idx %arg7[%shift_right_logical3A_137], %gather3A_138 {add = true} : memref<10000xf32, #tpu.memory_space<vmem>>[vector<16xi32>], vector<16xf32>,
        tpu.vector_store_idx %arg8[%shift_right_logical3A_137], %gather3A_139 {add = true} : memref<10000xf32, #tpu.memory_space<vmem>>[vector<16xi32>], vector<16xf32>,
        tpu.vector_store_idx %arg7[%shift_right_logical3A_147], %gather3A_148 {add = true} : memref<10000xf32, #tpu.memory_space<vmem>>[vector<16xi32>], vector<16xf32>,
        tpu.vector_store_idx %arg8[%shift_right_logical3A_147], %gather3A_149 {add = true} : memref<10000xf32, #tpu.memory_space<vmem>>[vector<16xi32>], vector<16xf32>,
        tpu.vector_store_idx %arg7[%shift_right_logical3A_157], %gather3A_158 {add = true} : memref<10000xf32, #tpu.memory_space<vmem>>[vector<16xi32>], vector<16xf32>,
        tpu.vector_store_idx %arg8[%shift_right_logical3A_157], %gather3A_159 {add = true} : memref<10000xf32, #tpu.memory_space<vmem>>[vector<16xi32>], vector<16xf32>,
        tpu.vector_store_idx %arg7[%shift_right_logical3A_167], %gather3A_168 {add = true} : memref<10000xf32, #tpu.memory_space<vmem>>[vector<16xi32>], vector<16xf32>,
        tpu.vector_store_idx %arg8[%shift_right_logical3A_167], %gather3A_169 {add = true} : memref<10000xf32, #tpu.memory_space<vmem>>[vector<16xi32>], vector<16xf32>,
        tpu.vector_store_idx %arg7[%shift_right_logical3A_177], %gather3A_178 {add = true} : memref<10000xf32, #tpu.memory_space<vmem>>[vector<16xi32>], vector<16xf32>,
        tpu.vector_store_idx %arg8[%shift_right_logical3A_177], %gather3A_179 {add = true} : memref<10000xf32, #tpu.memory_space<vmem>>[vector<16xi32>], vector<16xf32>,
        tpu.vector_store_idx %arg7[%shift_right_logical3A_187], %gather3A_188 {add = true} : memref<10000xf32, #tpu.memory_space<vmem>>[vector<16xi32>], vector<16xf32>,
        tpu.vector_store_idx %arg8[%shift_right_logical3A_187], %gather3A_189 {add = true} : memref<10000xf32, #tpu.memory_space<vmem>>[vector<16xi32>], vector<16xf32>,
        tpu.vector_store_idx %arg7[%shift_right_logical3A_197], %gather3A_198 {add = true} : memref<10000xf32, #tpu.memory_space<vmem>>[vector<16xi32>], vector<16xf32>,
        tpu.vector_store_idx %arg8[%shift_right_logical3A_197], %gather3A_199 {add = true} : memref<10000xf32, #tpu.memory_space<vmem>>[vector<16xi32>], vector<16xf32>,
        tpu.vector_store_idx %arg7[%shift_right_logical3A_207], %gather3A_208 {add = true} : memref<10000xf32, #tpu.memory_space<vmem>>[vector<16xi32>], vector<16xf32>,
        tpu.vector_store_idx %arg8[%shift_right_logical3A_207], %gather3A_209 {add = true} : memref<10000xf32, #tpu.memory_space<vmem>>[vector<16xi32>], vector<16xf32>,
        tpu.vector_store_idx %arg7[%shift_right_logical3A_217], %gather3A_218 {add = true} : memref<10000xf32, #tpu.memory_space<vmem>>[vector<16xi32>], vector<16xf32>,
        tpu.vector_store_idx %arg8[%shift_right_logical3A_217], %gather3A_219 {add = true} : memref<10000xf32, #tpu.memory_space<vmem>>[vector<16xi32>], vector<16xf32>,
        tpu.vector_store_idx %arg7[%shift_right_logical3A_227], %gather3A_228 {add = true} : memref<10000xf32, #tpu.memory_space<vmem>>[vector<16xi32>], vector<16xf32>,
        tpu.vector_store_idx %arg8[%shift_right_logical3A_227], %gather3A_229 {add = true} : memref<10000xf32, #tpu.memory_space<vmem>>[vector<16xi32>], vector<16xf32>,
        tpu.vector_store_idx %arg7[%shift_right_logical3A_237], %gather3A_238 {add = true} : memref<10000xf32, #tpu.memory_space<vmem>>[vector<16xi32>], vector<16xf32>,
        tpu.vector_store_idx %arg8[%shift_right_logical3A_237], %gather3A_239 {add = true} : memref<10000xf32, #tpu.memory_space<vmem>>[vector<16xi32>], vector<16xf32>,
        tpu.vector_store_idx %arg7[%shift_right_logical3A_247], %gather3A_248 {add = true} : memref<10000xf32, #tpu.memory_space<vmem>>[vector<16xi32>], vector<16xf32>,
        tpu.vector_store_idx %arg8[%shift_right_logical3A_247], %gather3A_249 {add = true} : memref<10000xf32, #tpu.memory_space<vmem>>[vector<16xi32>], vector<16xf32>,
      }
      %scan3A_65 = arith.constant 25 : i32
      %add3A_66 = arith.constant 2 : i32
      %add3A_67 = arith.addi %add3A_55, %add3A_66 : i32
      %lt3A = arith.constant 50 : i32
      %lt3A_68 = arith.cmpi slt, %add3A_67, %lt3A : i32
      %convert_element_type3A = arith.extui %lt3A_68 : i1 to i32
      %cond3A = arith.constant 0 : i32
      %cond3A_69 = arith.cmpi ne, %convert_element_type3A, %cond3A : i32
      scf.if %cond3A_69 {
        %add3A_91 = arith.constant 2 : i32
        %add3A_92 = arith.addi %add3A_55, %add3A_91 : i32
        %mul3A_93 = arith.constant 6400 : i32
        %mul3A_94 = arith.muli %add3A_92, %mul3A_93 : i32
        %dma_start3A_95 = tpu.memref_slice %arg3[%mul3A_94] : memref<320000xi32, #tpu.memory_space<hbm>> -> memref<6400xi32, #tpu.memory_space<hbm>>
        %dma_start3A_96 = tpu.memref_slice %arg3[%mul3A_94] : memref<320000xi32, #tpu.memory_space<hbm>> -> memref<6400xi32, #tpu.memory_space<hbm>>
        tpu.enqueue_dma source(%dma_start3A_96 : memref<6400xi32, #tpu.memory_space<hbm>>) target(%arg9 : memref<6400xi32, #tpu.memory_space<vmem>>) target_semaphore(%arg11 : memref<!tpu.dma_semaphore, #tpu.memory_space<semaphore_mem>>)
      } else {
      }
      %mul3A_70 = arith.constant 2 : i32
      %mul3A_71 = arith.muli %scan3A_51, %mul3A_70 : i32
      %add3A_72 = arith.constant 1 : i32
      %add3A_73 = arith.addi %mul3A_71, %add3A_72 : i32
      %dma_wait3A_74 = arith.constant 0 : i32
      %dma_wait3A_75 = tpu.memref_slice %arg3[%dma_wait3A_74] : memref<320000xi32, #tpu.memory_space<hbm>> -> memref<6400xi32, #tpu.memory_space<hbm>>
      %dma_wait3A_76 = arith.constant 0 : i32
      %dma_wait3A_77 = tpu.memref_slice %arg3[%dma_wait3A_76] : memref<320000xi32, #tpu.memory_space<hbm>> -> memref<6400xi32, #tpu.memory_space<hbm>>
      tpu.wait_dma2 semaphore(%arg12 : memref<!tpu.dma_semaphore, #tpu.memory_space<semaphore_mem>>) src(%dma_wait3A_77 : memref<6400xi32, #tpu.memory_space<hbm>>) dst(%arg10 : memref<6400xi32, #tpu.memory_space<vmem>>)
      %scan3A_78 = arith.constant 0 : i32
      %scan3A_79 = arith.constant 0 : i32
      %scan3A_80 = arith.constant 25 : i32
      %scan3A_81 = arith.addi %scan3A_79, %scan3A_80 : i32
      %scan3A_82 = arith.constant 1 : i32
      scf.for %scan3A_91 = %scan3A_79 to %scan3A_81 step %scan3A_82  : i32 {
        %mul3A_92 = arith.constant 256 : i32
        %mul3A_93 = arith.muli %scan3A_91, %mul3A_92 : i32
        %add3A_94 = arith.constant 0 : i32
        %add3A_95 = arith.addi %mul3A_93, %add3A_94 : i32
        %get3A = arith.index_cast %add3A_95 : i32 to index
        %get3A_96 = tpu.vector_load %arg10[%get3A] {strides = array<i32>} : memref<6400xi32, #tpu.memory_space<vmem>>, vector<16xi32>,
        %and3A = arith.andi %get3A_96, %broadcast_in_dim3A_41 : vector<16xi32>
        %shift_right_logical3A = arith.constant 16 : i32
        %shift_right_logical3A_97 = vector.broadcast %shift_right_logical3A : i32 to vector<16xi32>
        %shift_right_logical3A_98 = arith.shrui %get3A_96, %shift_right_logical3A_97 : vector<16xi32>
        %gather3A = tpu.vector_load_idx %arg5[%and3A] : memref<10000xf32, #tpu.memory_space<vmem>>[vector<16xi32>], vector<16xf32>,
        %gather3A_99 = tpu.vector_load_idx %arg6[%and3A] : memref<10000xf32, #tpu.memory_space<vmem>>[vector<16xi32>], vector<16xf32>,
        %add3A_100 = arith.constant 16 : i32
        %add3A_101 = arith.addi %mul3A_93, %add3A_100 : i32
        %get3A_102 = arith.index_cast %add3A_101 : i32 to index
        %get3A_103 = tpu.vector_load %arg10[%get3A_102] {strides = array<i32>} : memref<6400xi32, #tpu.memory_space<vmem>>, vector<16xi32>,
        %and3A_104 = arith.andi %get3A_103, %broadcast_in_dim3A_41 : vector<16xi32>
        %shift_right_logical3A_105 = arith.constant 16 : i32
        %shift_right_logical3A_106 = vector.broadcast %shift_right_logical3A_105 : i32 to vector<16xi32>
        %shift_right_logical3A_107 = arith.shrui %get3A_103, %shift_right_logical3A_106 : vector<16xi32>
        %gather3A_108 = tpu.vector_load_idx %arg5[%and3A_104] : memref<10000xf32, #tpu.memory_space<vmem>>[vector<16xi32>], vector<16xf32>,
        %gather3A_109 = tpu.vector_load_idx %arg6[%and3A_104] : memref<10000xf32, #tpu.memory_space<vmem>>[vector<16xi32>], vector<16xf32>,
        %add3A_110 = arith.constant 32 : i32
        %add3A_111 = arith.addi %mul3A_93, %add3A_110 : i32
        %get3A_112 = arith.index_cast %add3A_111 : i32 to index
        %get3A_113 = tpu.vector_load %arg10[%get3A_112] {strides = array<i32>} : memref<6400xi32, #tpu.memory_space<vmem>>, vector<16xi32>,
        %and3A_114 = arith.andi %get3A_113, %broadcast_in_dim3A_41 : vector<16xi32>
        %shift_right_logical3A_115 = arith.constant 16 : i32
        %shift_right_logical3A_116 = vector.broadcast %shift_right_logical3A_115 : i32 to vector<16xi32>
        %shift_right_logical3A_117 = arith.shrui %get3A_113, %shift_right_logical3A_116 : vector<16xi32>
        %gather3A_118 = tpu.vector_load_idx %arg5[%and3A_114] : memref<10000xf32, #tpu.memory_space<vmem>>[vector<16xi32>], vector<16xf32>,
        %gather3A_119 = tpu.vector_load_idx %arg6[%and3A_114] : memref<10000xf32, #tpu.memory_space<vmem>>[vector<16xi32>], vector<16xf32>,
        %add3A_120 = arith.constant 48 : i32
        %add3A_121 = arith.addi %mul3A_93, %add3A_120 : i32
        %get3A_122 = arith.index_cast %add3A_121 : i32 to index
        %get3A_123 = tpu.vector_load %arg10[%get3A_122] {strides = array<i32>} : memref<6400xi32, #tpu.memory_space<vmem>>, vector<16xi32>,
        %and3A_124 = arith.andi %get3A_123, %broadcast_in_dim3A_41 : vector<16xi32>
        %shift_right_logical3A_125 = arith.constant 16 : i32
        %shift_right_logical3A_126 = vector.broadcast %shift_right_logical3A_125 : i32 to vector<16xi32>
        %shift_right_logical3A_127 = arith.shrui %get3A_123, %shift_right_logical3A_126 : vector<16xi32>
        %gather3A_128 = tpu.vector_load_idx %arg5[%and3A_124] : memref<10000xf32, #tpu.memory_space<vmem>>[vector<16xi32>], vector<16xf32>,
        %gather3A_129 = tpu.vector_load_idx %arg6[%and3A_124] : memref<10000xf32, #tpu.memory_space<vmem>>[vector<16xi32>], vector<16xf32>,
        %add3A_130 = arith.constant 64 : i32
        %add3A_131 = arith.addi %mul3A_93, %add3A_130 : i32
        %get3A_132 = arith.index_cast %add3A_131 : i32 to index
        %get3A_133 = tpu.vector_load %arg10[%get3A_132] {strides = array<i32>} : memref<6400xi32, #tpu.memory_space<vmem>>, vector<16xi32>,
        %and3A_134 = arith.andi %get3A_133, %broadcast_in_dim3A_41 : vector<16xi32>
        %shift_right_logical3A_135 = arith.constant 16 : i32
        %shift_right_logical3A_136 = vector.broadcast %shift_right_logical3A_135 : i32 to vector<16xi32>
        %shift_right_logical3A_137 = arith.shrui %get3A_133, %shift_right_logical3A_136 : vector<16xi32>
        %gather3A_138 = tpu.vector_load_idx %arg5[%and3A_134] : memref<10000xf32, #tpu.memory_space<vmem>>[vector<16xi32>], vector<16xf32>,
        %gather3A_139 = tpu.vector_load_idx %arg6[%and3A_134] : memref<10000xf32, #tpu.memory_space<vmem>>[vector<16xi32>], vector<16xf32>,
        %add3A_140 = arith.constant 80 : i32
        %add3A_141 = arith.addi %mul3A_93, %add3A_140 : i32
        %get3A_142 = arith.index_cast %add3A_141 : i32 to index
        %get3A_143 = tpu.vector_load %arg10[%get3A_142] {strides = array<i32>} : memref<6400xi32, #tpu.memory_space<vmem>>, vector<16xi32>,
        %and3A_144 = arith.andi %get3A_143, %broadcast_in_dim3A_41 : vector<16xi32>
        %shift_right_logical3A_145 = arith.constant 16 : i32
        %shift_right_logical3A_146 = vector.broadcast %shift_right_logical3A_145 : i32 to vector<16xi32>
        %shift_right_logical3A_147 = arith.shrui %get3A_143, %shift_right_logical3A_146 : vector<16xi32>
        %gather3A_148 = tpu.vector_load_idx %arg5[%and3A_144] : memref<10000xf32, #tpu.memory_space<vmem>>[vector<16xi32>], vector<16xf32>,
        %gather3A_149 = tpu.vector_load_idx %arg6[%and3A_144] : memref<10000xf32, #tpu.memory_space<vmem>>[vector<16xi32>], vector<16xf32>,
        %add3A_150 = arith.constant 96 : i32
        %add3A_151 = arith.addi %mul3A_93, %add3A_150 : i32
        %get3A_152 = arith.index_cast %add3A_151 : i32 to index
        %get3A_153 = tpu.vector_load %arg10[%get3A_152] {strides = array<i32>} : memref<6400xi32, #tpu.memory_space<vmem>>, vector<16xi32>,
        %and3A_154 = arith.andi %get3A_153, %broadcast_in_dim3A_41 : vector<16xi32>
        %shift_right_logical3A_155 = arith.constant 16 : i32
        %shift_right_logical3A_156 = vector.broadcast %shift_right_logical3A_155 : i32 to vector<16xi32>
        %shift_right_logical3A_157 = arith.shrui %get3A_153, %shift_right_logical3A_156 : vector<16xi32>
        %gather3A_158 = tpu.vector_load_idx %arg5[%and3A_154] : memref<10000xf32, #tpu.memory_space<vmem>>[vector<16xi32>], vector<16xf32>,
        %gather3A_159 = tpu.vector_load_idx %arg6[%and3A_154] : memref<10000xf32, #tpu.memory_space<vmem>>[vector<16xi32>], vector<16xf32>,
        %add3A_160 = arith.constant 112 : i32
        %add3A_161 = arith.addi %mul3A_93, %add3A_160 : i32
        %get3A_162 = arith.index_cast %add3A_161 : i32 to index
        %get3A_163 = tpu.vector_load %arg10[%get3A_162] {strides = array<i32>} : memref<6400xi32, #tpu.memory_space<vmem>>, vector<16xi32>,
        %and3A_164 = arith.andi %get3A_163, %broadcast_in_dim3A_41 : vector<16xi32>
        %shift_right_logical3A_165 = arith.constant 16 : i32
        %shift_right_logical3A_166 = vector.broadcast %shift_right_logical3A_165 : i32 to vector<16xi32>
        %shift_right_logical3A_167 = arith.shrui %get3A_163, %shift_right_logical3A_166 : vector<16xi32>
        %gather3A_168 = tpu.vector_load_idx %arg5[%and3A_164] : memref<10000xf32, #tpu.memory_space<vmem>>[vector<16xi32>], vector<16xf32>,
        %gather3A_169 = tpu.vector_load_idx %arg6[%and3A_164] : memref<10000xf32, #tpu.memory_space<vmem>>[vector<16xi32>], vector<16xf32>,
        %add3A_170 = arith.constant 128 : i32
        %add3A_171 = arith.addi %mul3A_93, %add3A_170 : i32
        %get3A_172 = arith.index_cast %add3A_171 : i32 to index
        %get3A_173 = tpu.vector_load %arg10[%get3A_172] {strides = array<i32>} : memref<6400xi32, #tpu.memory_space<vmem>>, vector<16xi32>,
        %and3A_174 = arith.andi %get3A_173, %broadcast_in_dim3A_41 : vector<16xi32>
        %shift_right_logical3A_175 = arith.constant 16 : i32
        %shift_right_logical3A_176 = vector.broadcast %shift_right_logical3A_175 : i32 to vector<16xi32>
        %shift_right_logical3A_177 = arith.shrui %get3A_173, %shift_right_logical3A_176 : vector<16xi32>
        %gather3A_178 = tpu.vector_load_idx %arg5[%and3A_174] : memref<10000xf32, #tpu.memory_space<vmem>>[vector<16xi32>], vector<16xf32>,
        %gather3A_179 = tpu.vector_load_idx %arg6[%and3A_174] : memref<10000xf32, #tpu.memory_space<vmem>>[vector<16xi32>], vector<16xf32>,
        %add3A_180 = arith.constant 144 : i32
        %add3A_181 = arith.addi %mul3A_93, %add3A_180 : i32
        %get3A_182 = arith.index_cast %add3A_181 : i32 to index
        %get3A_183 = tpu.vector_load %arg10[%get3A_182] {strides = array<i32>} : memref<6400xi32, #tpu.memory_space<vmem>>, vector<16xi32>,
        %and3A_184 = arith.andi %get3A_183, %broadcast_in_dim3A_41 : vector<16xi32>
        %shift_right_logical3A_185 = arith.constant 16 : i32
        %shift_right_logical3A_186 = vector.broadcast %shift_right_logical3A_185 : i32 to vector<16xi32>
        %shift_right_logical3A_187 = arith.shrui %get3A_183, %shift_right_logical3A_186 : vector<16xi32>
        %gather3A_188 = tpu.vector_load_idx %arg5[%and3A_184] : memref<10000xf32, #tpu.memory_space<vmem>>[vector<16xi32>], vector<16xf32>,
        %gather3A_189 = tpu.vector_load_idx %arg6[%and3A_184] : memref<10000xf32, #tpu.memory_space<vmem>>[vector<16xi32>], vector<16xf32>,
        %add3A_190 = arith.constant 160 : i32
        %add3A_191 = arith.addi %mul3A_93, %add3A_190 : i32
        %get3A_192 = arith.index_cast %add3A_191 : i32 to index
        %get3A_193 = tpu.vector_load %arg10[%get3A_192] {strides = array<i32>} : memref<6400xi32, #tpu.memory_space<vmem>>, vector<16xi32>,
        %and3A_194 = arith.andi %get3A_193, %broadcast_in_dim3A_41 : vector<16xi32>
        %shift_right_logical3A_195 = arith.constant 16 : i32
        %shift_right_logical3A_196 = vector.broadcast %shift_right_logical3A_195 : i32 to vector<16xi32>
        %shift_right_logical3A_197 = arith.shrui %get3A_193, %shift_right_logical3A_196 : vector<16xi32>
        %gather3A_198 = tpu.vector_load_idx %arg5[%and3A_194] : memref<10000xf32, #tpu.memory_space<vmem>>[vector<16xi32>], vector<16xf32>,
        %gather3A_199 = tpu.vector_load_idx %arg6[%and3A_194] : memref<10000xf32, #tpu.memory_space<vmem>>[vector<16xi32>], vector<16xf32>,
        %add3A_200 = arith.constant 176 : i32
        %add3A_201 = arith.addi %mul3A_93, %add3A_200 : i32
        %get3A_202 = arith.index_cast %add3A_201 : i32 to index
        %get3A_203 = tpu.vector_load %arg10[%get3A_202] {strides = array<i32>} : memref<6400xi32, #tpu.memory_space<vmem>>, vector<16xi32>,
        %and3A_204 = arith.andi %get3A_203, %broadcast_in_dim3A_41 : vector<16xi32>
        %shift_right_logical3A_205 = arith.constant 16 : i32
        %shift_right_logical3A_206 = vector.broadcast %shift_right_logical3A_205 : i32 to vector<16xi32>
        %shift_right_logical3A_207 = arith.shrui %get3A_203, %shift_right_logical3A_206 : vector<16xi32>
        %gather3A_208 = tpu.vector_load_idx %arg5[%and3A_204] : memref<10000xf32, #tpu.memory_space<vmem>>[vector<16xi32>], vector<16xf32>,
        %gather3A_209 = tpu.vector_load_idx %arg6[%and3A_204] : memref<10000xf32, #tpu.memory_space<vmem>>[vector<16xi32>], vector<16xf32>,
        %add3A_210 = arith.constant 192 : i32
        %add3A_211 = arith.addi %mul3A_93, %add3A_210 : i32
        %get3A_212 = arith.index_cast %add3A_211 : i32 to index
        %get3A_213 = tpu.vector_load %arg10[%get3A_212] {strides = array<i32>} : memref<6400xi32, #tpu.memory_space<vmem>>, vector<16xi32>,
        %and3A_214 = arith.andi %get3A_213, %broadcast_in_dim3A_41 : vector<16xi32>
        %shift_right_logical3A_215 = arith.constant 16 : i32
        %shift_right_logical3A_216 = vector.broadcast %shift_right_logical3A_215 : i32 to vector<16xi32>
        %shift_right_logical3A_217 = arith.shrui %get3A_213, %shift_right_logical3A_216 : vector<16xi32>
        %gather3A_218 = tpu.vector_load_idx %arg5[%and3A_214] : memref<10000xf32, #tpu.memory_space<vmem>>[vector<16xi32>], vector<16xf32>,
        %gather3A_219 = tpu.vector_load_idx %arg6[%and3A_214] : memref<10000xf32, #tpu.memory_space<vmem>>[vector<16xi32>], vector<16xf32>,
        %add3A_220 = arith.constant 208 : i32
        %add3A_221 = arith.addi %mul3A_93, %add3A_220 : i32
        %get3A_222 = arith.index_cast %add3A_221 : i32 to index
        %get3A_223 = tpu.vector_load %arg10[%get3A_222] {strides = array<i32>} : memref<6400xi32, #tpu.memory_space<vmem>>, vector<16xi32>,
        %and3A_224 = arith.andi %get3A_223, %broadcast_in_dim3A_41 : vector<16xi32>
        %shift_right_logical3A_225 = arith.constant 16 : i32
        %shift_right_logical3A_226 = vector.broadcast %shift_right_logical3A_225 : i32 to vector<16xi32>
        %shift_right_logical3A_227 = arith.shrui %get3A_223, %shift_right_logical3A_226 : vector<16xi32>
        %gather3A_228 = tpu.vector_load_idx %arg5[%and3A_224] : memref<10000xf32, #tpu.memory_space<vmem>>[vector<16xi32>], vector<16xf32>,
        %gather3A_229 = tpu.vector_load_idx %arg6[%and3A_224] : memref<10000xf32, #tpu.memory_space<vmem>>[vector<16xi32>], vector<16xf32>,
        %add3A_230 = arith.constant 224 : i32
        %add3A_231 = arith.addi %mul3A_93, %add3A_230 : i32
        %get3A_232 = arith.index_cast %add3A_231 : i32 to index
        %get3A_233 = tpu.vector_load %arg10[%get3A_232] {strides = array<i32>} : memref<6400xi32, #tpu.memory_space<vmem>>, vector<16xi32>,
        %and3A_234 = arith.andi %get3A_233, %broadcast_in_dim3A_41 : vector<16xi32>
        %shift_right_logical3A_235 = arith.constant 16 : i32
        %shift_right_logical3A_236 = vector.broadcast %shift_right_logical3A_235 : i32 to vector<16xi32>
        %shift_right_logical3A_237 = arith.shrui %get3A_233, %shift_right_logical3A_236 : vector<16xi32>
        %gather3A_238 = tpu.vector_load_idx %arg5[%and3A_234] : memref<10000xf32, #tpu.memory_space<vmem>>[vector<16xi32>], vector<16xf32>,
        %gather3A_239 = tpu.vector_load_idx %arg6[%and3A_234] : memref<10000xf32, #tpu.memory_space<vmem>>[vector<16xi32>], vector<16xf32>,
        %add3A_240 = arith.constant 240 : i32
        %add3A_241 = arith.addi %mul3A_93, %add3A_240 : i32
        %get3A_242 = arith.index_cast %add3A_241 : i32 to index
        %get3A_243 = tpu.vector_load %arg10[%get3A_242] {strides = array<i32>} : memref<6400xi32, #tpu.memory_space<vmem>>, vector<16xi32>,
        %and3A_244 = arith.andi %get3A_243, %broadcast_in_dim3A_41 : vector<16xi32>
        %shift_right_logical3A_245 = arith.constant 16 : i32
        %shift_right_logical3A_246 = vector.broadcast %shift_right_logical3A_245 : i32 to vector<16xi32>
        %shift_right_logical3A_247 = arith.shrui %get3A_243, %shift_right_logical3A_246 : vector<16xi32>
        %gather3A_248 = tpu.vector_load_idx %arg5[%and3A_244] : memref<10000xf32, #tpu.memory_space<vmem>>[vector<16xi32>], vector<16xf32>,
        %gather3A_249 = tpu.vector_load_idx %arg6[%and3A_244] : memref<10000xf32, #tpu.memory_space<vmem>>[vector<16xi32>], vector<16xf32>,
        tpu.vector_store_idx %arg7[%shift_right_logical3A_98], %gather3A {add = true} : memref<10000xf32, #tpu.memory_space<vmem>>[vector<16xi32>], vector<16xf32>,
        tpu.vector_store_idx %arg8[%shift_right_logical3A_98], %gather3A_99 {add = true} : memref<10000xf32, #tpu.memory_space<vmem>>[vector<16xi32>], vector<16xf32>,
        tpu.vector_store_idx %arg7[%shift_right_logical3A_107], %gather3A_108 {add = true} : memref<10000xf32, #tpu.memory_space<vmem>>[vector<16xi32>], vector<16xf32>,
        tpu.vector_store_idx %arg8[%shift_right_logical3A_107], %gather3A_109 {add = true} : memref<10000xf32, #tpu.memory_space<vmem>>[vector<16xi32>], vector<16xf32>,
        tpu.vector_store_idx %arg7[%shift_right_logical3A_117], %gather3A_118 {add = true} : memref<10000xf32, #tpu.memory_space<vmem>>[vector<16xi32>], vector<16xf32>,
        tpu.vector_store_idx %arg8[%shift_right_logical3A_117], %gather3A_119 {add = true} : memref<10000xf32, #tpu.memory_space<vmem>>[vector<16xi32>], vector<16xf32>,
        tpu.vector_store_idx %arg7[%shift_right_logical3A_127], %gather3A_128 {add = true} : memref<10000xf32, #tpu.memory_space<vmem>>[vector<16xi32>], vector<16xf32>,
        tpu.vector_store_idx %arg8[%shift_right_logical3A_127], %gather3A_129 {add = true} : memref<10000xf32, #tpu.memory_space<vmem>>[vector<16xi32>], vector<16xf32>,
        tpu.vector_store_idx %arg7[%shift_right_logical3A_137], %gather3A_138 {add = true} : memref<10000xf32, #tpu.memory_space<vmem>>[vector<16xi32>], vector<16xf32>,
        tpu.vector_store_idx %arg8[%shift_right_logical3A_137], %gather3A_139 {add = true} : memref<10000xf32, #tpu.memory_space<vmem>>[vector<16xi32>], vector<16xf32>,
        tpu.vector_store_idx %arg7[%shift_right_logical3A_147], %gather3A_148 {add = true} : memref<10000xf32, #tpu.memory_space<vmem>>[vector<16xi32>], vector<16xf32>,
        tpu.vector_store_idx %arg8[%shift_right_logical3A_147], %gather3A_149 {add = true} : memref<10000xf32, #tpu.memory_space<vmem>>[vector<16xi32>], vector<16xf32>,
        tpu.vector_store_idx %arg7[%shift_right_logical3A_157], %gather3A_158 {add = true} : memref<10000xf32, #tpu.memory_space<vmem>>[vector<16xi32>], vector<16xf32>,
        tpu.vector_store_idx %arg8[%shift_right_logical3A_157], %gather3A_159 {add = true} : memref<10000xf32, #tpu.memory_space<vmem>>[vector<16xi32>], vector<16xf32>,
        tpu.vector_store_idx %arg7[%shift_right_logical3A_167], %gather3A_168 {add = true} : memref<10000xf32, #tpu.memory_space<vmem>>[vector<16xi32>], vector<16xf32>,
        tpu.vector_store_idx %arg8[%shift_right_logical3A_167], %gather3A_169 {add = true} : memref<10000xf32, #tpu.memory_space<vmem>>[vector<16xi32>], vector<16xf32>,
        tpu.vector_store_idx %arg7[%shift_right_logical3A_177], %gather3A_178 {add = true} : memref<10000xf32, #tpu.memory_space<vmem>>[vector<16xi32>], vector<16xf32>,
        tpu.vector_store_idx %arg8[%shift_right_logical3A_177], %gather3A_179 {add = true} : memref<10000xf32, #tpu.memory_space<vmem>>[vector<16xi32>], vector<16xf32>,
        tpu.vector_store_idx %arg7[%shift_right_logical3A_187], %gather3A_188 {add = true} : memref<10000xf32, #tpu.memory_space<vmem>>[vector<16xi32>], vector<16xf32>,
        tpu.vector_store_idx %arg8[%shift_right_logical3A_187], %gather3A_189 {add = true} : memref<10000xf32, #tpu.memory_space<vmem>>[vector<16xi32>], vector<16xf32>,
        tpu.vector_store_idx %arg7[%shift_right_logical3A_197], %gather3A_198 {add = true} : memref<10000xf32, #tpu.memory_space<vmem>>[vector<16xi32>], vector<16xf32>,
        tpu.vector_store_idx %arg8[%shift_right_logical3A_197], %gather3A_199 {add = true} : memref<10000xf32, #tpu.memory_space<vmem>>[vector<16xi32>], vector<16xf32>,
        tpu.vector_store_idx %arg7[%shift_right_logical3A_207], %gather3A_208 {add = true} : memref<10000xf32, #tpu.memory_space<vmem>>[vector<16xi32>], vector<16xf32>,
        tpu.vector_store_idx %arg8[%shift_right_logical3A_207], %gather3A_209 {add = true} : memref<10000xf32, #tpu.memory_space<vmem>>[vector<16xi32>], vector<16xf32>,
        tpu.vector_store_idx %arg7[%shift_right_logical3A_217], %gather3A_218 {add = true} : memref<10000xf32, #tpu.memory_space<vmem>>[vector<16xi32>], vector<16xf32>,
        tpu.vector_store_idx %arg8[%shift_right_logical3A_217], %gather3A_219 {add = true} : memref<10000xf32, #tpu.memory_space<vmem>>[vector<16xi32>], vector<16xf32>,
        tpu.vector_store_idx %arg7[%shift_right_logical3A_227], %gather3A_228 {add = true} : memref<10000xf32, #tpu.memory_space<vmem>>[vector<16xi32>], vector<16xf32>,
        tpu.vector_store_idx %arg8[%shift_right_logical3A_227], %gather3A_229 {add = true} : memref<10000xf32, #tpu.memory_space<vmem>>[vector<16xi32>], vector<16xf32>,
        tpu.vector_store_idx %arg7[%shift_right_logical3A_237], %gather3A_238 {add = true} : memref<10000xf32, #tpu.memory_space<vmem>>[vector<16xi32>], vector<16xf32>,
        tpu.vector_store_idx %arg8[%shift_right_logical3A_237], %gather3A_239 {add = true} : memref<10000xf32, #tpu.memory_space<vmem>>[vector<16xi32>], vector<16xf32>,
        tpu.vector_store_idx %arg7[%shift_right_logical3A_247], %gather3A_248 {add = true} : memref<10000xf32, #tpu.memory_space<vmem>>[vector<16xi32>], vector<16xf32>,
        tpu.vector_store_idx %arg8[%shift_right_logical3A_247], %gather3A_249 {add = true} : memref<10000xf32, #tpu.memory_space<vmem>>[vector<16xi32>], vector<16xf32>,
      }
      %scan3A_83 = arith.constant 25 : i32
      %add3A_84 = arith.constant 2 : i32
      %add3A_85 = arith.addi %add3A_73, %add3A_84 : i32
      %lt3A_86 = arith.constant 50 : i32
      %lt3A_87 = arith.cmpi slt, %add3A_85, %lt3A_86 : i32
      %convert_element_type3A_88 = arith.extui %lt3A_87 : i1 to i32
      %cond3A_89 = arith.constant 0 : i32
      %cond3A_90 = arith.cmpi ne, %convert_element_type3A_88, %cond3A_89 : i32
      scf.if %cond3A_90 {
        %add3A_91 = arith.constant 2 : i32
        %add3A_92 = arith.addi %add3A_73, %add3A_91 : i32
        %mul3A_93 = arith.constant 6400 : i32
        %mul3A_94 = arith.muli %add3A_92, %mul3A_93 : i32
        %dma_start3A_95 = tpu.memref_slice %arg3[%mul3A_94] : memref<320000xi32, #tpu.memory_space<hbm>> -> memref<6400xi32, #tpu.memory_space<hbm>>
        %dma_start3A_96 = tpu.memref_slice %arg3[%mul3A_94] : memref<320000xi32, #tpu.memory_space<hbm>> -> memref<6400xi32, #tpu.memory_space<hbm>>
        tpu.enqueue_dma source(%dma_start3A_96 : memref<6400xi32, #tpu.memory_space<hbm>>) target(%arg10 : memref<6400xi32, #tpu.memory_space<vmem>>) target_semaphore(%arg12 : memref<!tpu.dma_semaphore, #tpu.memory_space<semaphore_mem>>)
      } else {
      }
    }
    %scan3A_46 = arith.constant 25 : i32
    %add3A_47 = arith.constant 0 : i32
    %add3A_48 = arith.addi %mul3A_2, %add3A_47 : i32
    "tpu.region"() ({
      %run_scoped3A = tpu.sem_alloc : memref<!tpu.dma_semaphore, #tpu.memory_space<semaphore_mem>>
      %dma_start3A_51 = arith.constant 0 : i32
      %dma_start3A_52 = tpu.memref_slice %arg4[%add3A_48, %dma_start3A_51] : memref<64x10000xf32, #tpu.memory_space<hbm>> -> memref<1x10000xf32, #tpu.memory_space<hbm>>
      %dma_start3A_53 = tpu.memref_squeeze %dma_start3A_52 : memref<1x10000xf32, #tpu.memory_space<hbm>> -> memref<10000xf32, #tpu.memory_space<hbm>>
      %dma_start3A_54 = arith.constant 0 : i32
      %dma_start3A_55 = tpu.memref_slice %arg4[%add3A_48, %dma_start3A_54] : memref<64x10000xf32, #tpu.memory_space<hbm>> -> memref<1x10000xf32, #tpu.memory_space<hbm>>
      %dma_start3A_56 = tpu.memref_squeeze %dma_start3A_55 : memref<1x10000xf32, #tpu.memory_space<hbm>> -> memref<10000xf32, #tpu.memory_space<hbm>>
      tpu.enqueue_dma source(%arg7 : memref<10000xf32, #tpu.memory_space<vmem>>) target(%dma_start3A_56 : memref<10000xf32, #tpu.memory_space<hbm>>) target_semaphore(%run_scoped3A : memref<!tpu.dma_semaphore, #tpu.memory_space<semaphore_mem>>)
      %dma_wait3A_57 = arith.constant 0 : i32
      %dma_wait3A_58 = tpu.memref_slice %arg4[%add3A_48, %dma_wait3A_57] : memref<64x10000xf32, #tpu.memory_space<hbm>> -> memref<1x10000xf32, #tpu.memory_space<hbm>>
      %dma_wait3A_59 = tpu.memref_squeeze %dma_wait3A_58 : memref<1x10000xf32, #tpu.memory_space<hbm>> -> memref<10000xf32, #tpu.memory_space<hbm>>
      %dma_wait3A_60 = arith.constant 0 : i32
      %dma_wait3A_61 = tpu.memref_slice %arg4[%add3A_48, %dma_wait3A_60] : memref<64x10000xf32, #tpu.memory_space<hbm>> -> memref<1x10000xf32, #tpu.memory_space<hbm>>
      %dma_wait3A_62 = tpu.memref_squeeze %dma_wait3A_61 : memref<1x10000xf32, #tpu.memory_space<hbm>> -> memref<10000xf32, #tpu.memory_space<hbm>>
      tpu.wait_dma2 semaphore(%run_scoped3A : memref<!tpu.dma_semaphore, #tpu.memory_space<semaphore_mem>>) src(%arg7 : memref<10000xf32, #tpu.memory_space<vmem>>) dst(%dma_wait3A_62 : memref<10000xf32, #tpu.memory_space<hbm>>)
      tpu.yield
    }) : () -> ()
    %add3A_49 = arith.constant 1 : i32
    %add3A_50 = arith.addi %mul3A_2, %add3A_49 : i32
    "tpu.region"() ({
      %run_scoped3A = tpu.sem_alloc : memref<!tpu.dma_semaphore, #tpu.memory_space<semaphore_mem>>
      %dma_start3A_51 = arith.constant 0 : i32
      %dma_start3A_52 = tpu.memref_slice %arg4[%add3A_50, %dma_start3A_51] : memref<64x10000xf32, #tpu.memory_space<hbm>> -> memref<1x10000xf32, #tpu.memory_space<hbm>>
      %dma_start3A_53 = tpu.memref_squeeze %dma_start3A_52 : memref<1x10000xf32, #tpu.memory_space<hbm>> -> memref<10000xf32, #tpu.memory_space<hbm>>
      %dma_start3A_54 = arith.constant 0 : i32
      %dma_start3A_55 = tpu.memref_slice %arg4[%add3A_50, %dma_start3A_54] : memref<64x10000xf32, #tpu.memory_space<hbm>> -> memref<1x10000xf32, #tpu.memory_space<hbm>>
      %dma_start3A_56 = tpu.memref_squeeze %dma_start3A_55 : memref<1x10000xf32, #tpu.memory_space<hbm>> -> memref<10000xf32, #tpu.memory_space<hbm>>
      tpu.enqueue_dma source(%arg8 : memref<10000xf32, #tpu.memory_space<vmem>>) target(%dma_start3A_56 : memref<10000xf32, #tpu.memory_space<hbm>>) target_semaphore(%run_scoped3A : memref<!tpu.dma_semaphore, #tpu.memory_space<semaphore_mem>>)
      %dma_wait3A_57 = arith.constant 0 : i32
      %dma_wait3A_58 = tpu.memref_slice %arg4[%add3A_50, %dma_wait3A_57] : memref<64x10000xf32, #tpu.memory_space<hbm>> -> memref<1x10000xf32, #tpu.memory_space<hbm>>
      %dma_wait3A_59 = tpu.memref_squeeze %dma_wait3A_58 : memref<1x10000xf32, #tpu.memory_space<hbm>> -> memref<10000xf32, #tpu.memory_space<hbm>>
      %dma_wait3A_60 = arith.constant 0 : i32
      %dma_wait3A_61 = tpu.memref_slice %arg4[%add3A_50, %dma_wait3A_60] : memref<64x10000xf32, #tpu.memory_space<hbm>> -> memref<1x10000xf32, #tpu.memory_space<hbm>>
      %dma_wait3A_62 = tpu.memref_squeeze %dma_wait3A_61 : memref<1x10000xf32, #tpu.memory_space<hbm>> -> memref<10000xf32, #tpu.memory_space<hbm>>
      tpu.wait_dma2 semaphore(%run_scoped3A : memref<!tpu.dma_semaphore, #tpu.memory_space<semaphore_mem>>) src(%arg8 : memref<10000xf32, #tpu.memory_space<vmem>>) dst(%dma_wait3A_62 : memref<10000xf32, #tpu.memory_space<hbm>>)
      tpu.yield
    }) : () -> ()
    return
  }
}

module attributes {stable_mosaic.version = 14 : i64} {
  func.func @_stage1_body(%arg0: memref<128x128xf32, #tpu.memory_space<vmem>>, %arg1: memref<10000x128xf32, #tpu.memory_space<vmem>>, %arg2: memref<32x10000xf32, #tpu.memory_space<vmem>>, %arg3: memref<2x2500x128xi32, #tpu.memory_space<vmem>>, %arg4: memref<128x10000xf32, #tpu.memory_space<vmem>>, %arg5: memref<1x10000xf32, #tpu.memory_space<vmem>>, %arg6: memref<2500x128xi32, #tpu.memory_space<vmem>>) attributes {dimension_semantics = [], scalar_prefetch = 0 : i64, scratch_operands = 0 : i64, tpu.core_type = #tpu.core_type<tc>} {
    %get3A = arith.constant 0 : index
    %get3A_0 = arith.constant 0 : index
    %get3A_1 = vector.load %arg2[%get3A, %get3A_0] : memref<32x10000xf32, #tpu.memory_space<vmem>>, vector<32x10000xf32>
    %reduce_sum3A = arith.constant dense<0.000000e+00> : vector<10000xf32>
    %reduce_sum3A_2 = vector.multi_reduction <add>, %get3A_1, %reduce_sum3A [0] : vector<32x10000xf32> to vector<10000xf32>
    %broadcast_in_dim3A = vector.shape_cast %reduce_sum3A_2 : vector<10000xf32> to vector<1x10000xf32>
    %add3A = arith.constant 1.000000e+00 : f32
    %add3A_3 = vector.broadcast %add3A : f32 to vector<1x10000xf32>
    %add3A_4 = arith.addf %add3A_3, %broadcast_in_dim3A : vector<1x10000xf32>
    %sqrt3A = math.sqrt %add3A_4 : vector<1x10000xf32>
    %div3A = arith.constant 1.000000e+00 : f32
    %div3A_5 = vector.broadcast %div3A : f32 to vector<1x10000xf32>
    %div3A_6 = arith.divf %div3A_5, %sqrt3A : vector<1x10000xf32>
    %swap3A = arith.constant 0 : index
    %swap3A_7 = arith.constant 0 : index
    %swap3A_8 = vector.load %arg5[%swap3A, %swap3A_7] : memref<1x10000xf32, #tpu.memory_space<vmem>>, vector<1x10000xf32>
    tpu.vector_store %arg5[%swap3A, %swap3A_7], %div3A_6 {strides = array<i32>} : memref<1x10000xf32, #tpu.memory_space<vmem>>, vector<1x10000xf32>,
    %get3A_9 = arith.constant 0 : index
    %get3A_10 = arith.constant 0 : index
    %get3A_11 = arith.constant 0 : index
    %get3A_12 = vector.load %arg3[%get3A_9, %get3A_10, %get3A_11] : memref<2x2500x128xi32, #tpu.memory_space<vmem>>, vector<1x2500x128xi32>
    %get3A_13 = vector.shape_cast %get3A_12 : vector<1x2500x128xi32> to vector<2500x128xi32>
    %get3A_14 = arith.constant 1 : index
    %get3A_15 = arith.constant 0 : index
    %get3A_16 = arith.constant 0 : index
    %get3A_17 = vector.load %arg3[%get3A_14, %get3A_15, %get3A_16] : memref<2x2500x128xi32, #tpu.memory_space<vmem>>, vector<1x2500x128xi32>
    %get3A_18 = vector.shape_cast %get3A_17 : vector<1x2500x128xi32> to vector<2500x128xi32>
    %shift_left3A = arith.constant 16 : i32
    %shift_left3A_19 = vector.broadcast %shift_left3A : i32 to vector<2500x128xi32>
    %shift_left3A_20 = arith.shli %get3A_18, %shift_left3A_19 : vector<2500x128xi32>
    %or3A = arith.ori %get3A_13, %shift_left3A_20 : vector<2500x128xi32>
    %swap3A_21 = arith.constant 0 : index
    %swap3A_22 = arith.constant 0 : index
    %swap3A_23 = vector.load %arg6[%swap3A_21, %swap3A_22] : memref<2500x128xi32, #tpu.memory_space<vmem>>, vector<2500x128xi32>
    tpu.vector_store %arg6[%swap3A_21, %swap3A_22], %or3A {strides = array<i32>} : memref<2500x128xi32, #tpu.memory_space<vmem>>, vector<2500x128xi32>,
    %get3A_24 = arith.constant 0 : index
    %get3A_25 = arith.constant 0 : index
    %get3A_26 = vector.load %arg0[%get3A_24, %get3A_25] : memref<128x128xf32, #tpu.memory_space<vmem>>, vector<128x128xf32>
    %convert_element_type3A = arith.truncf %get3A_26 : vector<128x128xf32> to vector<128x128xbf16>
    %get3A_27 = arith.constant 0 : index
    %get3A_28 = arith.constant 0 : index
    %get3A_29 = vector.load %arg1[%get3A_27, %get3A_28] : memref<10000x128xf32, #tpu.memory_space<vmem>>, vector<10000x128xf32>
    %convert_element_type3A_30 = arith.truncf %get3A_29 : vector<10000x128xf32> to vector<10000x128xbf16>
    %dot_general3A = arith.constant dense<0.000000e+00> : vector<128x10000xf32>
    %dot_general3A_31 = tpu.matmul %convert_element_type3A, %convert_element_type3A_30, %dot_general3A {dimension_numbers = #tpu.dot_dimension_numbers<[0], [1], [1], [0], [0, 1, 1, 0], [], []>, transpose_lhs_hint = false} : vector<128x128xbf16>, vector<10000x128xbf16>, vector<128x10000xf32> -> vector<128x10000xf32>
    %mul3A = vector.broadcast %div3A_6 : vector<1x10000xf32> to vector<128x10000xf32>
    %mul3A_32 = arith.mulf %mul3A, %dot_general3A_31 : vector<128x10000xf32>
    %swap3A_33 = arith.constant 0 : index
    %swap3A_34 = arith.constant 0 : index
    %swap3A_35 = vector.load %arg4[%swap3A_33, %swap3A_34] : memref<128x10000xf32, #tpu.memory_space<vmem>>, vector<128x10000xf32>
    tpu.vector_store %arg4[%swap3A_33, %swap3A_34], %mul3A_32 {strides = array<i32>} : memref<128x10000xf32, #tpu.memory_space<vmem>>, vector<128x10000xf32>,
    return
  }
}

module attributes {stable_mosaic.version = 14 : i64} {
  func.func @_mid_body(%arg0: memref<128x10000xf32, #tpu.memory_space<vmem>>, %arg1: memref<1x10000xf32, #tpu.memory_space<vmem>>, %arg2: memref<128x1xf32, #tpu.memory_space<vmem>>, %arg3: memref<128x64xf32, #tpu.memory_space<vmem>>, %arg4: memref<64x10000xf32, #tpu.memory_space<vmem>>) attributes {dimension_semantics = [], scalar_prefetch = 0 : i64, scratch_operands = 0 : i64, tpu.core_type = #tpu.core_type<tc>} {
    %get3A = arith.constant 0 : index
    %get3A_0 = arith.constant 0 : index
    %get3A_1 = vector.load %arg1[%get3A, %get3A_0] : memref<1x10000xf32, #tpu.memory_space<vmem>>, vector<1x10000xf32>
    %get3A_2 = arith.constant 0 : index
    %get3A_3 = arith.constant 0 : index
    %get3A_4 = vector.load %arg0[%get3A_2, %get3A_3] : memref<128x10000xf32, #tpu.memory_space<vmem>>, vector<128x10000xf32>
    %mul3A = vector.broadcast %get3A_1 : vector<1x10000xf32> to vector<128x10000xf32>
    %mul3A_5 = arith.mulf %mul3A, %get3A_4 : vector<128x10000xf32>
    %get3A_6 = arith.constant 0 : index
    %get3A_7 = arith.constant 0 : index
    %get3A_8 = vector.load %arg2[%get3A_6, %get3A_7] : memref<128x1xf32, #tpu.memory_space<vmem>>, vector<128x1xf32>
    %add3A = vector.broadcast %get3A_8 : vector<128x1xf32> to vector<128x10000xf32>
    %add3A_9 = arith.addf %mul3A_5, %add3A : vector<128x10000xf32>
    %tanh3A = math.tanh %add3A_9 : vector<128x10000xf32>
    %get3A_10 = arith.constant 0 : index
    %get3A_11 = arith.constant 0 : index
    %get3A_12 = vector.load %arg3[%get3A_10, %get3A_11] : memref<128x64xf32, #tpu.memory_space<vmem>>, vector<128x64xf32>
    %convert_element_type3A = arith.truncf %get3A_12 : vector<128x64xf32> to vector<128x64xbf16>
    %convert_element_type3A_13 = arith.truncf %tanh3A : vector<128x10000xf32> to vector<128x10000xbf16>
    %dot_general3A = arith.constant dense<0.000000e+00> : vector<64x10000xf32>
    %dot_general3A_14 = tpu.matmul %convert_element_type3A, %convert_element_type3A_13, %dot_general3A {dimension_numbers = #tpu.dot_dimension_numbers<[0], [0], [1], [1], [0, 1, 1, 1], [], []>, transpose_lhs_hint = false} : vector<128x64xbf16>, vector<128x10000xbf16>, vector<64x10000xf32> -> vector<64x10000xf32>
    %mul3A_15 = vector.broadcast %get3A_1 : vector<1x10000xf32> to vector<64x10000xf32>
    %mul3A_16 = arith.mulf %mul3A_15, %dot_general3A_14 : vector<64x10000xf32>
    %swap3A = arith.constant 0 : index
    %swap3A_17 = arith.constant 0 : index
    %swap3A_18 = vector.load %arg4[%swap3A, %swap3A_17] : memref<64x10000xf32, #tpu.memory_space<vmem>>, vector<64x10000xf32>
    tpu.vector_store %arg4[%swap3A, %swap3A_17], %mul3A_16 {strides = array<i32>} : memref<64x10000xf32, #tpu.memory_space<vmem>>, vector<64x10000xf32>,
    return
  }
}

module attributes {stable_mosaic.version = 14 : i64} {
  func.func @_stage3_body(%arg0: memref<64x10000xf32, #tpu.memory_space<vmem>>, %arg1: memref<1x10000xf32, #tpu.memory_space<vmem>>, %arg2: memref<64x1xf32, #tpu.memory_space<vmem>>, %arg3: memref<64x1xf32, #tpu.memory_space<vmem>>, %arg4: memref<1x10000xf32, #tpu.memory_space<vmem>>) attributes {dimension_semantics = [], scalar_prefetch = 0 : i64, scratch_operands = 0 : i64, tpu.core_type = #tpu.core_type<tc>} {
    %get3A = arith.constant 0 : index
    %get3A_0 = arith.constant 0 : index
    %get3A_1 = vector.load %arg1[%get3A, %get3A_0] : memref<1x10000xf32, #tpu.memory_space<vmem>>, vector<1x10000xf32>
    %get3A_2 = arith.constant 0 : index
    %get3A_3 = arith.constant 0 : index
    %get3A_4 = vector.load %arg0[%get3A_2, %get3A_3] : memref<64x10000xf32, #tpu.memory_space<vmem>>, vector<64x10000xf32>
    %mul3A = vector.broadcast %get3A_1 : vector<1x10000xf32> to vector<64x10000xf32>
    %mul3A_5 = arith.mulf %mul3A, %get3A_4 : vector<64x10000xf32>
    %get3A_6 = arith.constant 0 : index
    %get3A_7 = arith.constant 0 : index
    %get3A_8 = vector.load %arg2[%get3A_6, %get3A_7] : memref<64x1xf32, #tpu.memory_space<vmem>>, vector<64x1xf32>
    %add3A = vector.broadcast %get3A_8 : vector<64x1xf32> to vector<64x10000xf32>
    %add3A_9 = arith.addf %mul3A_5, %add3A : vector<64x10000xf32>
    %tanh3A = math.tanh %add3A_9 : vector<64x10000xf32>
    %convert_element_type3A = arith.truncf %tanh3A : vector<64x10000xf32> to vector<64x10000xbf16>
    %convert_element_type3A_10 = arith.extf %convert_element_type3A : vector<64x10000xbf16> to vector<64x10000xf32>
    %get3A_11 = arith.constant 0 : index
    %get3A_12 = arith.constant 0 : index
    %get3A_13 = vector.load %arg3[%get3A_11, %get3A_12] : memref<64x1xf32, #tpu.memory_space<vmem>>, vector<64x1xf32>
    %convert_element_type3A_14 = arith.truncf %get3A_13 : vector<64x1xf32> to vector<64x1xbf16>
    %convert_element_type3A_15 = arith.extf %convert_element_type3A_14 : vector<64x1xbf16> to vector<64x1xf32>
    %mul3A_16 = vector.broadcast %convert_element_type3A_15 : vector<64x1xf32> to vector<64x10000xf32>
    %mul3A_17 = arith.mulf %convert_element_type3A_10, %mul3A_16 : vector<64x10000xf32>
    %reduce_sum3A = arith.constant dense<0.000000e+00> : vector<10000xf32>
    %reduce_sum3A_18 = vector.multi_reduction <add>, %mul3A_17, %reduce_sum3A [0] : vector<64x10000xf32> to vector<10000xf32>
    %broadcast_in_dim3A = vector.shape_cast %reduce_sum3A_18 : vector<10000xf32> to vector<1x10000xf32>
    %mul3A_19 = arith.mulf %get3A_1, %broadcast_in_dim3A : vector<1x10000xf32>
    %swap3A = arith.constant 0 : index
    %swap3A_20 = arith.constant 0 : index
    %swap3A_21 = vector.load %arg4[%swap3A, %swap3A_20] : memref<1x10000xf32, #tpu.memory_space<vmem>>, vector<1x10000xf32>
    tpu.vector_store %arg4[%swap3A, %swap3A_20], %mul3A_19 {strides = array<i32>} : memref<1x10000xf32, #tpu.memory_space<vmem>>, vector<1x10000xf32>,
    return
  }
}

module attributes {stable_mosaic.version = 14 : i64} {
  func.func @_stage4_body(%arg0: memref<32x10000xf32, #tpu.memory_space<vmem>>, %arg1: memref<1x10000xf32, #tpu.memory_space<vmem>>, %arg2: memref<1x10000xf32, #tpu.memory_space<vmem>>, %arg3: memref<1x1xf32, #tpu.memory_space<vmem>>, %arg4: memref<1x10000xf32, #tpu.memory_space<vmem>>, %arg5: memref<1x1xf32, #tpu.memory_space<vmem>>, %arg6: memref<1x1xf32, #tpu.memory_space<vmem>>) attributes {dimension_semantics = [], scalar_prefetch = 0 : i64, scratch_operands = 0 : i64, tpu.core_type = #tpu.core_type<tc>} {
    %get3A = arith.constant 0 : index
    %get3A_0 = arith.constant 0 : index
    %get3A_1 = vector.load %arg0[%get3A, %get3A_0] : memref<32x10000xf32, #tpu.memory_space<vmem>>, vector<32x10000xf32>
    %reduce_sum3A = arith.constant dense<0.000000e+00> : vector<10000xf32>
    %reduce_sum3A_2 = vector.multi_reduction <add>, %get3A_1, %reduce_sum3A [0] : vector<32x10000xf32> to vector<10000xf32>
    %broadcast_in_dim3A = vector.shape_cast %reduce_sum3A_2 : vector<10000xf32> to vector<1x10000xf32>
    %get3A_3 = arith.constant 0 : index
    %get3A_4 = arith.constant 0 : index
    %get3A_5 = vector.load %arg2[%get3A_3, %get3A_4] : memref<1x10000xf32, #tpu.memory_space<vmem>>, vector<1x10000xf32>
    %get3A_6 = arith.constant 0 : index
    %get3A_7 = arith.constant 0 : index
    %get3A_8 = vector.load %arg1[%get3A_6, %get3A_7] : memref<1x10000xf32, #tpu.memory_space<vmem>>, vector<1x10000xf32>
    %add3A = arith.addf %broadcast_in_dim3A, %get3A_8 : vector<1x10000xf32>
    %mul3A = arith.mulf %get3A_5, %add3A : vector<1x10000xf32>
    %get3A_9 = arith.constant 0 : index
    %get3A_10 = arith.constant 0 : index
    %get3A_11 = vector.load %arg3[%get3A_9, %get3A_10] : memref<1x1xf32, #tpu.memory_space<vmem>>, vector<1x1xf32>
    %add3A_12 = vector.broadcast %get3A_11 : vector<1x1xf32> to vector<1x10000xf32>
    %add3A_13 = arith.addf %mul3A, %add3A_12 : vector<1x10000xf32>
    %tanh3A = math.tanh %add3A_13 : vector<1x10000xf32>
    %get3A_14 = arith.constant 0 : index
    %get3A_15 = arith.constant 0 : index
    %get3A_16 = vector.load %arg4[%get3A_14, %get3A_15] : memref<1x10000xf32, #tpu.memory_space<vmem>>, vector<1x10000xf32>
    %mul3A_17 = arith.mulf %tanh3A, %get3A_16 : vector<1x10000xf32>
    %reduce_sum3A_18 = arith.constant dense<0.000000e+00> : vector<1xf32>
    %reduce_sum3A_19 = vector.multi_reduction <add>, %mul3A_17, %reduce_sum3A_18 [1] : vector<1x10000xf32> to vector<1xf32>
    %broadcast_in_dim3A_20 = vector.shape_cast %reduce_sum3A_19 : vector<1xf32> to vector<1x1xf32>
    %get3A_21 = arith.constant 0 : index
    %get3A_22 = arith.constant 0 : index
    %get3A_23 = vector.load %arg5[%get3A_21, %get3A_22] : memref<1x1xf32, #tpu.memory_space<vmem>>, vector<1x1xf32>
    %add3A_24 = arith.addf %broadcast_in_dim3A_20, %get3A_23 : vector<1x1xf32>
    %swap3A = arith.constant 0 : index
    %swap3A_25 = arith.constant 0 : index
    %swap3A_26 = vector.load %arg6[%swap3A, %swap3A_25] : memref<1x1xf32, #tpu.memory_space<vmem>>, vector<1x1xf32>
    tpu.vector_store %arg6[%swap3A, %swap3A_25], %add3A_24 {strides = array<i32>} : memref<1x1xf32, #tpu.memory_space<vmem>>, vector<1x1xf32>,
    return
  }
}

</mosaic_0001>

<sc_bundles>
// kernel: kernel.10.cloned.1.call-start
scs
__scs_entry_jumppad:
0x0: {  	(pc) =	sbr.rel $0x88, $3  }
0x1: {  	(tag) =	ssettag $0x0;
	lr =	simm.s32 $0x1  }
0x2: {  	[smem:$0x3F97] =	sst lr;
	_ =	strace $0xD0000000  }
0x3: {  	_ = 	snop  }
0x4: {  	_ = 	snop  }
0x5: {  	_ = 	snop  }
0x6: {  	_ = 	snop  }
0x7: {  	_ = 	snop  }
__scs_overlays_trampoline_lowered:
0x8: {  	[smem:$0x3FA6] =	sst s0  }
0x9: {  	[smem:$0x3FA7] =	sst s1  }
0xa: {  	[smem:$0x3FA8] =	sst s2  }
0xb: {  	[smem:$0x3FA9] =	sst s3  }
0xc: {  	[smem:$0x3FAA] =	sst s4  }
0xd: {  	[smem:$0x3FAB] =	sst s5  }
0xe: {  	[smem:$0x3FAC] =	sst s6  }
0xf: {  	[smem:$0x3FAD] =	sst s7  }
0x10: {  	[smem:$0x3FAE] =	sst s8  }
0x11: {  	[smem:$0x3FAF] =	sst s9;
	s0 =	simm.s32 @!p0 $0x0  }
0x12: {  	s1 =	sld [smem:$0x3F95];
	s0 =	simm.s32 @p0 $0x1  }
0x13: {  	[smem:$0x3FB0] =	sst s0;
	s0 =	simm.s32 @!p1 $0x0  }
0x14: {  	s2 =	sld [smem:$0x3F94];
	s0 =	simm.s32 @p1 $0x1  }
0x15: {  	[smem:$0x3FB1] =	sst s0;
	s0 =	simm.s32 @!p2 $0x0  }
0x16: {  	s3 =	sld [smem:$0x3FDB];
	s0 =	simm.s32 @p2 $0x1  }
0x17: {  	s4 =	simm.s32 $0x1BF5;
	[smem:$0x3FB3] =	sst s0  }
0x18: {  	s0 =	sld [smem:$0x3F96];
	_ =	swait.ge [sflag:s4], $0x0  }
0x19: {  	s7 =	sld [smem:$0x3F97]  }
0x1a: {  	s8 =	sadd.s32 $0xFFFFE003, lr  }
0x1b: {  	s9 =	sadd.s32 $0xFFFFFEF7, lr;
	s5 =	simm.s32 $0xFFFFFFFF;
	p2 =	slt.u32 s8, $0xFFFFF086  }
0x1c: {  	p1 =	slt.u32 s9, $0xF7A;
	s5 =	simm.s32 @!p2 $0x0  }
0x1d: {  	s5 =	simm.s32 @p1 $0x1;
	p0 =	seq.s32 s7, s2  }
0x1e: {  	s7 =	smul.u32 @!p0 $0xF7A, s2;
	p2 =	seq.s32 @!p0 s5, $0x0  }
0x1f: {  	s9 =	smul.u32 $0xF7A, s1;
	s8 =	simm.s32 @!p0 $0x1BF5;
	p2 =	por !p2, p0  }
0x20: {  	[sflag:s8] =	ssyncset.s32 @!p0 $0xFFFFF086;
	s6 =	sadd.s32 @!p0 s3, s7;
	s7 =	simm.s32 @!p0 $0x108  }
0x21: {  	s3 =	sadd.s32 s3, s9;
	s6 =	sadd.s32 @!p0 $0x88, s6;
	s7 =	simm.s32 @p2 $0x1082  }
0x22: {  	[simem:s7], [sflag:s8] =	dma.local @!p0 [hbm:s6], $0xF7A  }
0x23: {  	s9 =	sor.u32 $0xD0000000, s2;
	s6 =	simm.s32 $0x108;
	_ =	swait.ge @!p0 [sflag:s8], $0x0  }
0x24: {  	s3 =	sadd.s32 $0x88, s3;
	s6 =	simm.s32 @!p1 $0x1082;
	[sflag:s4] =	ssyncset.s32 $0xFFFFF086  }
0x25: {  	[simem:s6], [sflag:s4] =	dma.local [hbm:s3], $0xF7A  }
0x26: {  	[smem:$0x3F97] =	sst s1;
	(tag) =	ssettag s2;
	_ =	strace s9  }
0x27: {  	s1 =	sld [smem:$0x3FA7]  }
0x28: {  	s2 =	sld [smem:$0x3FA8]  }
0x29: {  	s4 =	sld [smem:$0x3FAA]  }
0x2a: {  	p0 =	seq.s32 s5, $0x0;
	s5 =	sld [smem:$0x3FAB]  }
0x2b: {  	s6 =	sld [smem:$0x3FAC]  }
0x2c: {  	s7 =	sld [smem:$0x3FAD]  }
0x2d: {  	s3 =	simm.s32 $0x108;
	s8 =	sld [smem:$0x3FAE]  }
0x2e: {  	s3 =	simm.s32 @!p0 $0x1082;
	s9 =	sld [smem:$0x3FAF]  }
0x2f: {  	lr =	sadd.s32 s0, s3;
	s0 =	sld [smem:$0x3FA6]  }
0x30: {  	s3 =	sld [smem:$0x3FA9]  }
0x31: {  	[smem:$0x3FB2] =	sst s10  }
0x32: {  	s10 =	sld [smem:$0x3FB0];
	_ =	sdelay $0x3  }
0x33: {  	p0 =	seq.s32 s10, $0x1;
	s10 =	sld [smem:$0x3FB2];
	_ =	sdelay $0x3  }
0x34: {  	[smem:$0x3FB2] =	sst s10  }
0x35: {  	s10 =	sld [smem:$0x3FB1];
	_ =	sdelay $0x3  }
0x36: {  	p1 =	seq.s32 s10, $0x1;
	s10 =	sld [smem:$0x3FB2];
	_ =	sdelay $0x3  }
0x37: {  	[smem:$0x3FB2] =	sst s10  }
0x38: {  	s10 =	sld [smem:$0x3FB3]  }
0x39: {  	_ = 	snop;
	(pc) =	sbr.ind lr, $3  }
0x3a: {  	_ = 	snop  }
0x3b: {  	_ = 	snop  }
0x3c: {  	p2 =	seq.s32 s10, $0x1;
	s10 =	sld [smem:$0x3FB2]  }
0x3d: {  	_ =	shalt  }
0x3e: {  	_ =	shalt  }
0x3f: {  	_ =	shalt  }
0x40: {  	_ =	shalt  }
0x41: {  	_ =	shalt  }
0x42: {  	_ =	shalt  }
0x43: {  	_ =	shalt  }
0x44: {  	_ =	shalt  }
0x45: {  	_ =	shalt  }
0x46: {  	_ =	shalt  }
0x47: {  	_ =	shalt  }
0x48: {  	_ =	shalt  }
0x49: {  	_ =	shalt  }
0x4a: {  	_ =	shalt  }
0x4b: {  	_ =	shalt  }
0x4c: {  	_ =	shalt  }
0x4d: {  	_ =	shalt  }
0x4e: {  	_ =	shalt  }
0x4f: {  	_ =	shalt  }
0x50: {  	_ =	shalt  }
0x51: {  	_ =	shalt  }
0x52: {  	_ =	shalt  }
0x53: {  	_ =	shalt  }
0x54: {  	_ =	shalt  }
0x55: {  	_ =	shalt  }
0x56: {  	_ =	shalt  }
0x57: {  	_ =	shalt  }
0x58: {  	_ =	shalt  }
0x59: {  	_ =	shalt  }
0x5a: {  	_ =	shalt  }
0x5b: {  	_ =	shalt  }
0x5c: {  	_ =	shalt  }
0x5d: {  	_ =	shalt  }
0x5e: {  	_ =	shalt  }
0x5f: {  	_ =	shalt  }
0x60: {  	_ =	shalt  }
0x61: {  	_ =	shalt  }
0x62: {  	_ =	shalt  }
0x63: {  	_ =	shalt  }
0x64: {  	_ =	shalt  }
0x65: {  	_ =	shalt  }
0x66: {  	_ =	shalt  }
0x67: {  	_ =	shalt  }
0x68: {  	_ =	shalt  }
0x69: {  	_ =	shalt  }
0x6a: {  	_ =	shalt  }
0x6b: {  	_ =	shalt  }
0x6c: {  	_ =	shalt  }
0x6d: {  	_ =	shalt  }
0x6e: {  	_ =	shalt  }
0x6f: {  	_ =	shalt  }
0x70: {  	_ =	shalt  }
0x71: {  	_ =	shalt  }
0x72: {  	_ =	shalt  }
0x73: {  	_ =	shalt  }
0x74: {  	_ =	shalt  }
0x75: {  	_ =	shalt  }
0x76: {  	_ =	shalt  }
0x77: {  	_ =	shalt  }
0x78: {  	_ =	shalt  }
0x79: {  	_ =	shalt  }
0x7a: {  	_ =	shalt  }
0x7b: {  	_ =	shalt  }
0x7c: {  	_ =	shalt  }
0x7d: {  	_ =	shalt  }
0x7e: {  	_ =	shalt  }
0x7f: {  	_ =	shalt  }
0x80: {  	_ =	shalt  }
0x81: {  	_ =	shalt  }
0x82: {  	_ =	shalt  }
0x83: {  	_ =	shalt  }
0x84: {  	_ =	shalt  }
0x85: {  	_ =	shalt  }
0x86: {  	_ =	shalt  }
0x87: {  	_ =	shalt  }
.Lfunc_end0:
.L_simem_size_0:
called_computation_lowered:
.L_overlay_start_0:
0x88: {  	s2 =	sld [smem:$0x3FD9]  }
0x89: {  	s3 =	sld [smem:$0x3FFE];
	_ =	sdelay $0x1  }
0x8a: {  	s1 =	srdreg.scid  }
0x8b: {  	s0 =	sand.u32 $0x1, s1  }
0x8c: {  	s16 =	sshll.u32 s0, $0xA;
	s2 =	sadd.s32 s3, s2  }
0x8d: {  	s2 =	sadd.s32 s2, s16  }
0x8e: {  	[smem:$0x3FBE] =	sst s2  }
0x8f: {  	_ = 	snop  }
0x90: {  	(tm) =	ssettm $0x1  }
0x91: {  	s17 =	sld [smem:$0x3FFB];
	_ =	sdelay $0x3  }
0x92: {  	_ =	strace s17  }
0x93: {  	s2 =	sld [smem:$0x3FFC];
	_ =	sdelay $0x3  }
0x94: {  	_ =	strace s2  }
0x95: {  	s2 =	sld [smem:$0x3FFD];
	_ =	sdelay $0x3  }
0x96: {  	_ =	strace s2  }
0x97: {  	_ =	strace $0x8FFFFFFF  }
0x98: {  	s18 =	sld [smem:$0x3FDB];
	_ =	sdelay $0x1  }
0x99: {  	s19 =	simm.s32 $_scs_section_size  }
0x9a: {  	s4 =	simm.s32 $_size__tile_overlayer_lowered;
	s5 =	simm.s32 $_tile_overlayer_lowered  }
0x9b: {  	s22 =	simm.s32 $0x1BFF;
	s21 =	sshll.u32 s5, $0x1;
	s2 =	sadd.s32 s19, s18  }
0x9c: {  	s6 =	simm.s32 $0x0;
	s20 =	sshll.u32 s4, $0x1;
	s4 =	sadd.s32 s21, s2  }
0x9d: {  	[timem:s6], [sflag:s22] =	dma.local [hbm:s4], s20  }
0x9e: {  	_ =	swait.ge [sflag:s22], s20  }
0x9f: {  	s3 =	ssub.s32 $0x0, s20;
	[sflag:s22] =	ssyncset.done $0x0  }
0xa0: {  	[sflag:s22] =	ssyncadd.s32 s3;
	_ =	sdelay $0x1  }
0xa1: {  	s23 =	simm.s32 $0x1B8B  }
0xa2: {  	_ =	swait.ge [sflag:s23], $0x1  }
0xa3: {  	[sflag:s23] =	ssyncset.done $0x0  }
0xa4: {  	s25 =	simm.s32 $0x1B8E;
	s24 =	sld [smem:$0x3FFE];
	[sflag:s23] =	ssyncadd.s32 $0xFFFFFFFF  }
0xa5: {  	s26 =	simm.s32 $execute0_lowered;
	[smem:$0x3FD2] =	sst s25  }
0xa6: {  	s4 =	sshll.u32 s26, $0x1;
	_ =	strace $0x80000046;
	[dreg:$0x1] =	wrdreg $0xFFFFFFFF  }
0xa7: {  	s28 =	simm.s32 $_size_execute0_lowered;
	s2 =	sadd.s32 s2, s4;
	[dreg:$0x0] =	wrdreg $0x0  }
0xa8: {  	s4 =	sshll.u32 s28, $0x1;
	[dreg:$0x2] =	wrdreg s2  }
0xa9: {  	[dreg:$0x3] =	wrdreg s4  }
0xaa: {  	[dreg:$0x4] =	wrdreg $0xC0  }
0xab: {  	_ =	task [dreg:s6], $0x5FFFF  }
0xac: {  	[dreg:$0x1] =	wrdreg $0xFFFFFFFF  }
0xad: {  	[dreg:$0x0] =	wrdreg $0x60  }
0xae: {  	[dreg:$0x2] =	wrdreg s24  }
0xaf: {  	[dreg:$0x3] =	wrdreg $0x9  }
0xb0: {  	_ =	task.clear_ibuf [dreg:s6], $0x4FFFF;
	_ =	strace $0x90000046  }
0xb1: {  	s29 =	simm.s32 $0x9;
	_ =	strace $0x80000048  }
0xb2: {  	_ =	swait.ge [sflag:s29], $0x1  }
0xb3: {  	[sflag:s29] =	ssyncadd.s32 $0xFFFFFFFF  }
0xb4: {  	_ =	strace $0x90000048  }
0xb5: {  	_ =	sfence  }
0xb6: {  	s30 =	sld [smem:$0x0];
	_ =	sdelay $0x2  }
0xb7: {  	s31 =	sshll.u32 s1, $0xD;
	s1 =	sshrl.u32 s1, $0x2  }
0xb8: {  	s3 =	sand.u32 $0x4000, s31;
	s1 =	sadd.s32 s1, s30  }
0xb9: {  	s0 =	sor.u32 s3, s0;
	s1 =	sshll.u32 s1, $0x11  }
0xba: {  	s0 =	sor.u32 s1, s0  }
0xbb: {  	s0 =	sadd.s32 $0x8F2B, s0  }
0xbc: {  	[sflag:s0] =	ssyncadd.remote.s32 $0x1  }
0xbd: {  	_ =	sfence.sel $0xFFFF  }
0xbe: {  	[dreg:$0x0] =	wrdreg $0xFFFFFFFF;
	(pc) =	sbr.abs _section_cstart, $3  }
0xbf: {  	[dreg:$0x1] =	wrdreg $0xFFFFFFFF  }
0xc0: {  	_ =	task.clear_ibuf [dreg:s6], $0x2FFFF;
	_ =	strace $0x9FFFFFFF  }
0xc1: {  	(tm) =	ssettm $0x7FFFFFFF  }
tec
execute0_lowered:
.L_overlay_start_1:
0x0: {  	(tag) =	ssettag $0x1  }
0x1: {  	s1 =	srdreg.scid  }
0x2: {  	s0 =	stileid.u32;
	s3 =	rddreg [dreg:$0x0];
	s8 =	simm.s32 $0x80  }
0x3: {  	s9 =	simm.s32 $0x400;
	s10 =	simm.s32 $0x2;
	s11 =	simm.s32 $0x0  }
0x4: {  	s4 =	sand.u32 $0x1, s1;
	s2 =	sshll.u32 s0, $0x1;
	s1 =	rddreg [dreg:$0x1]  }
0x5: {  	s6 =	sshrl.u32 s0, $0x2;
	s5 =	sor.u32 s4, s2;
	s2 =	simm.s32 $0x0  }
0x6: {  	s6 =	smul.u32 $0x13C00, s6;
	s4 =	ssub.s32 $0x2, s4;
	s7 =	sshll.u32 s5, $0x7  }
0x7: {  	[smem:$0x7FF] =	sst s2;
	s5 =	smul.u32 $0x4E2, s5;
	s7 =	sand.u32 $0x380, s7  }
0x8: {  	s31 =	sshrl.u32 s4, $0x1;
	_ =	strace $0x80000047;
	s6 =	sor.u32 s6, s7  }
0x9: {  	s5 =	sadd.s32 s5, s3;
	s7 =	ssub.s32 s4, s31;
	s6 =	sshrl.u32 s6, $0x3  }
0xa: {  	s6 =	sadd.s32 s6, s3;
	s3 =	sadd.s32 $0x3600, s5;
	s5 =	smax.u32 s7, $0x1  }
0xb: {  	v0 =	vimm.f32 $0.0e+00;
	v1 =	vimm.f32 $1.000000000e+00;
	s7 =	simm.s32 $0x2780;
	s4 =	sadd.s32 $0xD400, s6;
	s6 =	simm.s32 $0x1  }
.LBB2_1:
0xc: {  	[tilespmem:s2], [sflag:$0x1] =	stream.linear.gather [hbm4b:s3+s2], $0x2710, $0x38;
	[tilespmem:$0x4F00] =	vst v63  }
0xd: {  	s12 =	simm.s32 $0x40;
	s13 =	simm.s32 $0x0  }
.LBB2_2:
0xe: {  	p0 =	sne.s32 s12, $0x9C00;
	[tilespmem:s13+$0x2780] =	vst v0;
	s13 =	smov.u32 s12;
	s12 =	sadd.s32 $0x40, s12  }
.Ltmp0:
0xf: {  	(pc) =	sbr.rel @p0 .LBB2_2-.Ltmp0, $2  }
0x10: {  	_ =	sdelay $0x2  }
0x11: {  	s13 =	sshra.s32 s13, $0x2  }
0x12: {  	[tilespmem:s13+$0x2780] =	vst v0  }
0x13: {  	_ =	swait.ge [sflag:s6], $0x2710  }
0x14: {  	[sflag:s6] =	ssyncset.done $0x0  }
0x15: {  	s12 =	simm.s32 $0x0;
	[sflag:s6] =	ssyncadd.s32 $0xFFFFD8F0  }
.LBB2_4:
0x16: {  	s13 =	sshra.s32 s12, $0x2  }
0x17: {  	v2 =	vld [tilespmem:s13+$0x0];
	_ =	sdelay $0x7  }
0x18: {  	[tilespmem:v2+s7+$0x0] =	vst.idx.add.f32.msk $0xffff, v1  }
0x19: {  	v2 =	vld [tilespmem:s13+$0x10];
	_ =	sdelay $0x7  }
0x1a: {  	[tilespmem:v2+s7+$0x0] =	vst.idx.add.f32.msk $0xffff, v1  }
0x1b: {  	v2 =	vld [tilespmem:s13+$0x20];
	_ =	sdelay $0x7  }
0x1c: {  	[tilespmem:v2+s7+$0x0] =	vst.idx.add.f32.msk $0xffff, v1  }
0x1d: {  	v2 =	vld [tilespmem:s13+$0x30];
	_ =	sdelay $0x7  }
0x1e: {  	[tilespmem:v2+s7+$0x0] =	vst.idx.add.f32.msk $0xffff, v1  }
0x1f: {  	v2 =	vld [tilespmem:s13+$0x40];
	_ =	sdelay $0x2  }
0x20: {  	p0 =	sne.s32 s12, $0x9B00  }
.Ltmp1:
0x21: {  	_ = 	snop;
	(pc) =	sbr.rel @p0 .LBB2_4-.Ltmp1, $2  }
0x22: {  	_ =	sdelay $0x2  }
0x23: {  	s12 =	sadd.s32 $0x140, s12;
	[tilespmem:v2+s7+$0x0] =	vst.idx.add.f32.msk $0xffff, v1  }
0x24: {  	s11 =	sadd.s32 $0x1, s11  }
0x25: {  	p0 =	sne.s32 s11, s5  }
.Ltmp2:
0x26: {  	_ = 	snop;
	(pc) =	sbr.rel @p0 .LBB2_1-.Ltmp2, $4  }
0x27: {  	[hbm4b:s4+s8] =	stream.strided.scatter [tilespmem:s7], [sflag:$0x2], $0x2780, s9, s8, $0x38;
	[tilespmem:$0x4F00] =	vst v63  }
0x28: {  	_ =	swait.ge [sflag:s10], $0x2780  }
0x29: {  	[sflag:s10] =	ssyncset.done $0x0  }
0x2a: {  	[sflag:s10] =	ssyncadd.s32 $0xFFFFD880  }
0x2b: {  	_ =	sfence.sel $0x180000  }
0x2c: {  	[bflag:$0x0] =	sbarrier.arrive $0xFFFF  }
0x2d: {  	p0 =	sne.s32 s0, $0x0;
	_ =	strace $0x90000047  }
0x2e: {  	s0 =	sadd.s32 @!p0 $0x100000, s1;
	[bflag:$0x2] =	sbarrier.arrive $0xFFFF  }
0x2f: {  	[sflag:s0] =	ssyncadd.tile.s32 @!p0 $0x1;
	_ =	shalt  }
.Lfunc_end2:
_tile_overlayer_lowered:
.L_overlay_start_2:
0x30: {  	(tag) =	ssettag $0x2  }
0x31: {  	s0 =	rddreg [dreg:$0x0];
	s2 =	stileid.u32  }
0x32: {  	s1 =	rddreg [dreg:$0x1];
	p0 =	sne.s32 s2, $0x0  }
0x33: {  	s3 =	rddreg [dreg:$0x2];
	[bflag:$0x3] =	sbarrier.arrive $0xFFFF;
	s2 =	simm.s32 @!p0 $0x1C02  }
0x34: {  	[timem:s3], [sflag:s2] =	dma.local @!p0 [hbm:s0], s1  }
0x35: {  	s0 =	simm.s32 @!p0 $0x2  }
0x36: {  	_ =	swait.ge @!p0 [sflag:s0], s1  }
0x37: {  	s1 =	ssub.s32 @!p0 $0x0, s1;
	[sflag:s0] =	ssyncset.done @!p0 $0x0  }
0x38: {  	[sflag:s0] =	ssyncadd.s32 @!p0 s1  }
0x39: {  	[bflag:$0x3] =	sbarrier.arrive $0xFFFF  }
0x3a: {  	_ =	shalt  }

// kernel: kernel.13.cloned.1.call-start
scs
__scs_entry_jumppad:
0x0: {  	(pc) =	sbr.rel $0x88, $3  }
0x1: {  	(tag) =	ssettag $0x0;
	lr =	simm.s32 $0x1  }
0x2: {  	[smem:$0x3F97] =	sst lr;
	_ =	strace $0xD0000000  }
0x3: {  	_ = 	snop  }
0x4: {  	_ = 	snop  }
0x5: {  	_ = 	snop  }
0x6: {  	_ = 	snop  }
0x7: {  	_ = 	snop  }
__scs_overlays_trampoline_lowered:
0x8: {  	[smem:$0x3FA6] =	sst s0  }
0x9: {  	[smem:$0x3FA7] =	sst s1  }
0xa: {  	[smem:$0x3FA8] =	sst s2  }
0xb: {  	[smem:$0x3FA9] =	sst s3  }
0xc: {  	[smem:$0x3FAA] =	sst s4  }
0xd: {  	[smem:$0x3FAB] =	sst s5  }
0xe: {  	[smem:$0x3FAC] =	sst s6  }
0xf: {  	[smem:$0x3FAD] =	sst s7  }
0x10: {  	[smem:$0x3FAE] =	sst s8  }
0x11: {  	[smem:$0x3FAF] =	sst s9;
	s0 =	simm.s32 @!p0 $0x0  }
0x12: {  	s1 =	sld [smem:$0x3F95];
	s0 =	simm.s32 @p0 $0x1  }
0x13: {  	[smem:$0x3FB0] =	sst s0;
	s0 =	simm.s32 @!p1 $0x0  }
0x14: {  	s2 =	sld [smem:$0x3F94];
	s0 =	simm.s32 @p1 $0x1  }
0x15: {  	[smem:$0x3FB1] =	sst s0;
	s0 =	simm.s32 @!p2 $0x0  }
0x16: {  	s3 =	sld [smem:$0x3FDB];
	s0 =	simm.s32 @p2 $0x1  }
0x17: {  	s4 =	simm.s32 $0x1BF5;
	[smem:$0x3FB3] =	sst s0  }
0x18: {  	s0 =	sld [smem:$0x3F96];
	_ =	swait.ge [sflag:s4], $0x0  }
0x19: {  	s7 =	sld [smem:$0x3F97]  }
0x1a: {  	s8 =	sadd.s32 $0xFFFFE003, lr  }
0x1b: {  	s9 =	sadd.s32 $0xFFFFFEF7, lr;
	s5 =	simm.s32 $0xFFFFFFFF;
	p2 =	slt.u32 s8, $0xFFFFF086  }
0x1c: {  	p1 =	slt.u32 s9, $0xF7A;
	s5 =	simm.s32 @!p2 $0x0  }
0x1d: {  	s5 =	simm.s32 @p1 $0x1;
	p0 =	seq.s32 s7, s2  }
0x1e: {  	s7 =	smul.u32 @!p0 $0xF7A, s2;
	p2 =	seq.s32 @!p0 s5, $0x0  }
0x1f: {  	s9 =	smul.u32 $0xF7A, s1;
	s8 =	simm.s32 @!p0 $0x1BF5;
	p2 =	por !p2, p0  }
0x20: {  	[sflag:s8] =	ssyncset.s32 @!p0 $0xFFFFF086;
	s6 =	sadd.s32 @!p0 s3, s7;
	s7 =	simm.s32 @!p0 $0x108  }
0x21: {  	s3 =	sadd.s32 s3, s9;
	s6 =	sadd.s32 @!p0 $0x88, s6;
	s7 =	simm.s32 @p2 $0x1082  }
0x22: {  	[simem:s7], [sflag:s8] =	dma.local @!p0 [hbm:s6], $0xF7A  }
0x23: {  	s9 =	sor.u32 $0xD0000000, s2;
	s6 =	simm.s32 $0x108;
	_ =	swait.ge @!p0 [sflag:s8], $0x0  }
0x24: {  	s3 =	sadd.s32 $0x88, s3;
	s6 =	simm.s32 @!p1 $0x1082;
	[sflag:s4] =	ssyncset.s32 $0xFFFFF086  }
0x25: {  	[simem:s6], [sflag:s4] =	dma.local [hbm:s3], $0xF7A  }
0x26: {  	[smem:$0x3F97] =	sst s1;
	(tag) =	ssettag s2;
	_ =	strace s9  }
0x27: {  	s1 =	sld [smem:$0x3FA7]  }
0x28: {  	s2 =	sld [smem:$0x3FA8]  }
0x29: {  	s4 =	sld [smem:$0x3FAA]  }
0x2a: {  	p0 =	seq.s32 s5, $0x0;
	s5 =	sld [smem:$0x3FAB]  }
0x2b: {  	s6 =	sld [smem:$0x3FAC]  }
0x2c: {  	s7 =	sld [smem:$0x3FAD]  }
0x2d: {  	s3 =	simm.s32 $0x108;
	s8 =	sld [smem:$0x3FAE]  }
0x2e: {  	s3 =	simm.s32 @!p0 $0x1082;
	s9 =	sld [smem:$0x3FAF]  }
0x2f: {  	lr =	sadd.s32 s0, s3;
	s0 =	sld [smem:$0x3FA6]  }
0x30: {  	s3 =	sld [smem:$0x3FA9]  }
0x31: {  	[smem:$0x3FB2] =	sst s10  }
0x32: {  	s10 =	sld [smem:$0x3FB0];
	_ =	sdelay $0x3  }
0x33: {  	p0 =	seq.s32 s10, $0x1;
	s10 =	sld [smem:$0x3FB2];
	_ =	sdelay $0x3  }
0x34: {  	[smem:$0x3FB2] =	sst s10  }
0x35: {  	s10 =	sld [smem:$0x3FB1];
	_ =	sdelay $0x3  }
0x36: {  	p1 =	seq.s32 s10, $0x1;
	s10 =	sld [smem:$0x3FB2];
	_ =	sdelay $0x3  }
0x37: {  	[smem:$0x3FB2] =	sst s10  }
0x38: {  	s10 =	sld [smem:$0x3FB3]  }
0x39: {  	_ = 	snop;
	(pc) =	sbr.ind lr, $3  }
0x3a: {  	_ = 	snop  }
0x3b: {  	_ = 	snop  }
0x3c: {  	p2 =	seq.s32 s10, $0x1;
	s10 =	sld [smem:$0x3FB2]  }
0x3d: {  	_ =	shalt  }
0x3e: {  	_ =	shalt  }
0x3f: {  	_ =	shalt  }
0x40: {  	_ =	shalt  }
0x41: {  	_ =	shalt  }
0x42: {  	_ =	shalt  }
0x43: {  	_ =	shalt  }
0x44: {  	_ =	shalt  }
0x45: {  	_ =	shalt  }
0x46: {  	_ =	shalt  }
0x47: {  	_ =	shalt  }
0x48: {  	_ =	shalt  }
0x49: {  	_ =	shalt  }
0x4a: {  	_ =	shalt  }
0x4b: {  	_ =	shalt  }
0x4c: {  	_ =	shalt  }
0x4d: {  	_ =	shalt  }
0x4e: {  	_ =	shalt  }
0x4f: {  	_ =	shalt  }
0x50: {  	_ =	shalt  }
0x51: {  	_ =	shalt  }
0x52: {  	_ =	shalt  }
0x53: {  	_ =	shalt  }
0x54: {  	_ =	shalt  }
0x55: {  	_ =	shalt  }
0x56: {  	_ =	shalt  }
0x57: {  	_ =	shalt  }
0x58: {  	_ =	shalt  }
0x59: {  	_ =	shalt  }
0x5a: {  	_ =	shalt  }
0x5b: {  	_ =	shalt  }
0x5c: {  	_ =	shalt  }
0x5d: {  	_ =	shalt  }
0x5e: {  	_ =	shalt  }
0x5f: {  	_ =	shalt  }
0x60: {  	_ =	shalt  }
0x61: {  	_ =	shalt  }
0x62: {  	_ =	shalt  }
0x63: {  	_ =	shalt  }
0x64: {  	_ =	shalt  }
0x65: {  	_ =	shalt  }
0x66: {  	_ =	shalt  }
0x67: {  	_ =	shalt  }
0x68: {  	_ =	shalt  }
0x69: {  	_ =	shalt  }
0x6a: {  	_ =	shalt  }
0x6b: {  	_ =	shalt  }
0x6c: {  	_ =	shalt  }
0x6d: {  	_ =	shalt  }
0x6e: {  	_ =	shalt  }
0x6f: {  	_ =	shalt  }
0x70: {  	_ =	shalt  }
0x71: {  	_ =	shalt  }
0x72: {  	_ =	shalt  }
0x73: {  	_ =	shalt  }
0x74: {  	_ =	shalt  }
0x75: {  	_ =	shalt  }
0x76: {  	_ =	shalt  }
0x77: {  	_ =	shalt  }
0x78: {  	_ =	shalt  }
0x79: {  	_ =	shalt  }
0x7a: {  	_ =	shalt  }
0x7b: {  	_ =	shalt  }
0x7c: {  	_ =	shalt  }
0x7d: {  	_ =	shalt  }
0x7e: {  	_ =	shalt  }
0x7f: {  	_ =	shalt  }
0x80: {  	_ =	shalt  }
0x81: {  	_ =	shalt  }
0x82: {  	_ =	shalt  }
0x83: {  	_ =	shalt  }
0x84: {  	_ =	shalt  }
0x85: {  	_ =	shalt  }
0x86: {  	_ =	shalt  }
0x87: {  	_ =	shalt  }
.Lfunc_end0:
.L_simem_size_0:
called_computation.1_lowered:
.L_overlay_start_0:
0x88: {  	s2 =	sld [smem:$0x3FD9]  }
0x89: {  	s3 =	sld [smem:$0x3FFE];
	_ =	sdelay $0x1  }
0x8a: {  	s1 =	srdreg.scid  }
0x8b: {  	s0 =	sand.u32 $0x1, s1  }
0x8c: {  	s16 =	sshll.u32 s0, $0xA;
	s2 =	sadd.s32 s3, s2  }
0x8d: {  	s2 =	sadd.s32 s2, s16  }
0x8e: {  	[smem:$0x3FBE] =	sst s2  }
0x8f: {  	_ = 	snop  }
0x90: {  	(tm) =	ssettm $0x1  }
0x91: {  	s17 =	sld [smem:$0x3FFB];
	_ =	sdelay $0x3  }
0x92: {  	_ =	strace s17  }
0x93: {  	s2 =	sld [smem:$0x3FFC];
	_ =	sdelay $0x3  }
0x94: {  	_ =	strace s2  }
0x95: {  	s2 =	sld [smem:$0x3FFD];
	_ =	sdelay $0x3  }
0x96: {  	_ =	strace s2  }
0x97: {  	_ =	strace $0x8FFFFFFF  }
0x98: {  	s18 =	sld [smem:$0x3FDB];
	_ =	sdelay $0x1  }
0x99: {  	s19 =	simm.s32 $_scs_section_size  }
0x9a: {  	s4 =	simm.s32 $_size__tile_overlayer_lowered;
	s5 =	simm.s32 $_tile_overlayer_lowered  }
0x9b: {  	s22 =	simm.s32 $0x1BFF;
	s21 =	sshll.u32 s5, $0x1;
	s2 =	sadd.s32 s19, s18  }
0x9c: {  	s6 =	simm.s32 $0x0;
	s20 =	sshll.u32 s4, $0x1;
	s4 =	sadd.s32 s21, s2  }
0x9d: {  	[timem:s6], [sflag:s22] =	dma.local [hbm:s4], s20  }
0x9e: {  	_ =	swait.ge [sflag:s22], s20  }
0x9f: {  	s3 =	ssub.s32 $0x0, s20;
	[sflag:s22] =	ssyncset.done $0x0  }
0xa0: {  	[sflag:s22] =	ssyncadd.s32 s3;
	_ =	sdelay $0x1  }
0xa1: {  	s23 =	simm.s32 $0x1B8B  }
0xa2: {  	_ =	swait.ge [sflag:s23], $0x1  }
0xa3: {  	[sflag:s23] =	ssyncset.done $0x0  }
0xa4: {  	s25 =	simm.s32 $0x1B8E;
	s24 =	sld [smem:$0x3FFE];
	[sflag:s23] =	ssyncadd.s32 $0xFFFFFFFF  }
0xa5: {  	s26 =	simm.s32 $execute0_lowered;
	[smem:$0x3FD2] =	sst s25  }
0xa6: {  	s4 =	sshll.u32 s26, $0x1;
	_ =	strace $0x80000049;
	[dreg:$0x1] =	wrdreg $0xFFFFFFFF  }
0xa7: {  	s28 =	simm.s32 $_size_execute0_lowered;
	s2 =	sadd.s32 s2, s4;
	[dreg:$0x0] =	wrdreg $0x0  }
0xa8: {  	s4 =	sshll.u32 s28, $0x1;
	[dreg:$0x2] =	wrdreg s2  }
0xa9: {  	[dreg:$0x3] =	wrdreg s4  }
0xaa: {  	[dreg:$0x4] =	wrdreg $0xC0  }
0xab: {  	_ =	task [dreg:s6], $0x5FFFF  }
0xac: {  	[dreg:$0x1] =	wrdreg $0xFFFFFFFF  }
0xad: {  	[dreg:$0x0] =	wrdreg $0x60  }
0xae: {  	[dreg:$0x2] =	wrdreg s24  }
0xaf: {  	[dreg:$0x3] =	wrdreg $0x9  }
0xb0: {  	_ =	task.clear_ibuf [dreg:s6], $0x4FFFF;
	_ =	strace $0x90000049  }
0xb1: {  	s29 =	simm.s32 $0x9;
	_ =	strace $0x8000004B  }
0xb2: {  	_ =	swait.ge [sflag:s29], $0x1  }
0xb3: {  	[sflag:s29] =	ssyncadd.s32 $0xFFFFFFFF  }
0xb4: {  	_ =	strace $0x9000004B  }
0xb5: {  	_ =	sfence  }
0xb6: {  	s30 =	sld [smem:$0x0];
	_ =	sdelay $0x2  }
0xb7: {  	s31 =	sshll.u32 s1, $0xD;
	s1 =	sshrl.u32 s1, $0x2  }
0xb8: {  	s3 =	sand.u32 $0x4000, s31;
	s1 =	sadd.s32 s1, s30  }
0xb9: {  	s0 =	sor.u32 s3, s0;
	s1 =	sshll.u32 s1, $0x11  }
0xba: {  	s0 =	sor.u32 s1, s0  }
0xbb: {  	s0 =	sadd.s32 $0x8F2B, s0  }
0xbc: {  	[sflag:s0] =	ssyncadd.remote.s32 $0x1  }
0xbd: {  	_ =	sfence.sel $0xFFFF  }
0xbe: {  	[dreg:$0x0] =	wrdreg $0xFFFFFFFF;
	(pc) =	sbr.abs _section_cstart, $3  }
0xbf: {  	[dreg:$0x1] =	wrdreg $0xFFFFFFFF  }
0xc0: {  	_ =	task.clear_ibuf [dreg:s6], $0x2FFFF;
	_ =	strace $0x9FFFFFFF  }
0xc1: {  	(tm) =	ssettm $0x7FFFFFFF  }
tec
execute0_lowered:
.L_overlay_start_1:
0x0: {  	(tag) =	ssettag $0x1  }
0x1: {  	s0 =	rddreg [dreg:$0x0]  }
0x2: {  	s2 =	simm.s32 $0x0;
	s3 =	srdreg.scid;
	s1 =	stileid.u32  }
0x3: {  	s15 =	simm.s32 $0x15500;
	s16 =	simm.s32 $0x80;
	s17 =	simm.s32 $0x400  }
0x4: {  	s18 =	simm.s32 $0x9E00;
	s19 =	simm.s32 $0xC580;
	s20 =	simm.s32 $0xED00  }
0x5: {  	s21 =	simm.s32 $0x11480;
	s22 =	simm.s32 $0x4;
	s23 =	simm.s32 $0x2780  }
0x6: {  	s24 =	simm.s32 $0x4F00;
	s25 =	simm.s32 $0x7680;
	s28 =	simm.s32 $0x1  }
0x7: {  	s29 =	simm.s32 $0x2;
	s30 =	simm.s32 $0x0;
	[smem:$0x7FF] =	sst s2  }
0x8: {  	s4 =	sand.u32 $0x1, s3;
	s5 =	smul.u32 $0x13C00, s1;
	s8 =	sadd.s32 $0xD400, s0  }
0x9: {  	s3 =	sadd.s32 $0x3600, s0;
	s6 =	sshll.u32 s4, $0x9;
	s4 =	ssub.s32 $0x2, s4  }
0xa: {  	s12 =	sadd.s32 $0x34C00, s0;
	s5 =	sor.u32 s6, s5;
	s26 =	sshrl.u32 s4, $0x1  }
0xb: {  	_ =	strace $0x8000004A;
	s9 =	sshrl.u32 s5, $0x3;
	s13 =	ssub.s32 s4, s26  }
.Ltmp0:
0xc: {  	s4 =	sadd.s32 $0x3920, s0;
	s26 =	simm.s32 $0x3;
	(pc) =	sbr.rel .LBB2_1-.Ltmp0, $4  }
0xd: {  	s5 =	sadd.s32 s8, s9;
	s31 =	sor.u32 $0x10, s9;
	s11 =	sor.u32 $0x20, s9  }
0xe: {  	s14 =	sor.u32 $0x30, s9;
	s9 =	sadd.s32 s12, s9;
	s13 =	smax.u32 s13, $0x1  }
0xf: {  	s6 =	sadd.s32 s8, s31;
	s7 =	sadd.s32 s8, s11;
	s8 =	sadd.s32 s8, s14  }
0x10: {  	s10 =	sadd.s32 s12, s31;
	s11 =	sadd.s32 s12, s11;
	s12 =	sadd.s32 s12, s14  }
.LBB2_8:
0x11: {  	[hbm4b:s9+s16] =	stream.strided.scatter [tilespmem:s18], [sflag:$0x4], $0x2780, s17, s16, $0x38;
	[tilespmem:$0x16E00] =	vst v63  }
0x12: {  	_ =	swait.ge [sflag:s22], $0x2780  }
0x13: {  	[sflag:s22] =	ssyncset.done $0x0  }
0x14: {  	[sflag:s22] =	ssyncadd.s32 $0xFFFFD880  }
0x15: {  	[hbm4b:s10+s16] =	stream.strided.scatter [tilespmem:s19], [sflag:$0x4], $0x2780, s17, s16, $0x38;
	[tilespmem:$0x16E00] =	vst v63  }
0x16: {  	_ =	swait.ge [sflag:s22], $0x2780  }
0x17: {  	[sflag:s22] =	ssyncset.done $0x0  }
0x18: {  	[sflag:s22] =	ssyncadd.s32 $0xFFFFD880  }
0x19: {  	[hbm4b:s11+s16] =	stream.strided.scatter [tilespmem:s20], [sflag:$0x4], $0x2780, s17, s16, $0x38;
	[tilespmem:$0x16E00] =	vst v63  }
0x1a: {  	s30 =	sadd.s32 $0x1, s30;
	_ =	swait.ge [sflag:s22], $0x2780  }
0x1b: {  	p0 =	sne.s32 s30, s13;
	[sflag:s22] =	ssyncset.done $0x0  }
.Ltmp1:
0x1c: {  	[sflag:s22] =	ssyncadd.s32 $0xFFFFD880;
	(pc) =	sbr.rel @!p0 .LBB2_9-.Ltmp1, $4  }
0x1d: {  	[hbm4b:s12+s16] =	stream.strided.scatter [tilespmem:s21], [sflag:$0x4], $0x2780, s17, s16, $0x38;
	[tilespmem:$0x16E00] =	vst v63  }
0x1e: {  	_ =	swait.ge [sflag:s22], $0x2780  }
0x1f: {  	[sflag:s22] =	ssyncset.done $0x0  }
0x20: {  	[sflag:s22] =	ssyncadd.s32 $0xFFFFD880  }
.LBB2_1:
0x21: {  	s0 =	simm.s32 $0x13C00  }
0x22: {  	[tilespmem:s0], [sflag:$0x1] =	stream.linear.gather [hbm4b:s3+s2], $0x1900, $0x38;
	[tilespmem:$0x16E00] =	vst v63  }
0x23: {  	_ = 	snop  }
0x24: {  	[tilespmem:s15], [sflag:$0x2] =	stream.linear.gather [hbm4b:s4+s2], $0x1900, $0x38;
	[tilespmem:$0x16E00] =	vst v63  }
0x25: {  	_ = 	snop  }
0x26: {  	[tilespmem:s18], [sflag:$0x3] =	stream.strided.gather [hbm4b:s5+s16], $0x2780, s17, s16, $0x38;
	[tilespmem:$0x16E00] =	vst v63  }
0x27: {  	_ = 	snop  }
0x28: {  	[tilespmem:s19], [sflag:$0x3] =	stream.strided.gather [hbm4b:s6+s16], $0x2780, s17, s16, $0x38;
	[tilespmem:$0x16E00] =	vst v63  }
0x29: {  	_ = 	snop  }
0x2a: {  	[tilespmem:s20], [sflag:$0x3] =	stream.strided.gather [hbm4b:s7+s16], $0x2780, s17, s16, $0x38;
	[tilespmem:$0x16E00] =	vst v63  }
0x2b: {  	_ = 	snop  }
0x2c: {  	[tilespmem:s21], [sflag:$0x3] =	stream.strided.gather [hbm4b:s8+s16], $0x2780, s17, s16, $0x38;
	[tilespmem:$0x16E00] =	vst v63  }
0x2d: {  	_ = 	snop  }
0x2e: {  	[tilespmem:s2], [sflag:$0x4] =	stream.strided.gather [hbm4b:s5+s16], $0x2780, s17, s16, $0x38;
	[tilespmem:$0x16E00] =	vst v63  }
0x2f: {  	_ =	swait.ge [sflag:s22], $0x2780  }
0x30: {  	[sflag:s22] =	ssyncset.done $0x0  }
0x31: {  	[sflag:s22] =	ssyncadd.s32 $0xFFFFD880  }
0x32: {  	[tilespmem:s23], [sflag:$0x4] =	stream.strided.gather [hbm4b:s6+s16], $0x2780, s17, s16, $0x38;
	[tilespmem:$0x16E00] =	vst v63  }
0x33: {  	_ =	swait.ge [sflag:s22], $0x2780  }
0x34: {  	[sflag:s22] =	ssyncset.done $0x0  }
0x35: {  	[sflag:s22] =	ssyncadd.s32 $0xFFFFD880  }
0x36: {  	[tilespmem:s24], [sflag:$0x4] =	stream.strided.gather [hbm4b:s7+s16], $0x2780, s17, s16, $0x38;
	[tilespmem:$0x16E00] =	vst v63  }
0x37: {  	_ =	swait.ge [sflag:s22], $0x2780  }
0x38: {  	[sflag:s22] =	ssyncset.done $0x0  }
0x39: {  	[sflag:s22] =	ssyncadd.s32 $0xFFFFD880  }
0x3a: {  	[tilespmem:s25], [sflag:$0x4] =	stream.strided.gather [hbm4b:s8+s16], $0x2780, s17, s16, $0x38;
	[tilespmem:$0x16E00] =	vst v63  }
0x3b: {  	_ =	swait.ge [sflag:s22], $0x2780  }
0x3c: {  	[sflag:s22] =	ssyncset.done $0x0  }
0x3d: {  	[sflag:s22] =	ssyncadd.s32 $0xFFFFD880  }
0x3e: {  	_ =	swait.ge [sflag:s26], $0x2780  }
0x3f: {  	[sflag:s26] =	ssyncset.done $0x0  }
0x40: {  	[sflag:s26] =	ssyncadd.s32 $0xFFFFD880  }
0x41: {  	_ =	swait.ge [sflag:s26], $0x2780  }
0x42: {  	[sflag:s26] =	ssyncset.done $0x0  }
0x43: {  	[sflag:s26] =	ssyncadd.s32 $0xFFFFD880  }
0x44: {  	_ =	swait.ge [sflag:s26], $0x2780  }
0x45: {  	[sflag:s26] =	ssyncset.done $0x0  }
0x46: {  	[sflag:s26] =	ssyncadd.s32 $0xFFFFD880  }
0x47: {  	_ =	swait.ge [sflag:s26], $0x2780  }
0x48: {  	[sflag:s26] =	ssyncset.done $0x0  }
0x49: {  	s31 =	simm.s32 $0x0;
	[sflag:s26] =	ssyncadd.s32 $0xFFFFD880  }
.LBB2_2:
0x4a: {  	_ =	swait.ge [sflag:s28], $0x1900  }
0x4b: {  	[sflag:s28] =	ssyncset.done $0x0  }
0x4c: {  	s0 =	simm.s32 $0x0;
	[sflag:s28] =	ssyncadd.s32 $0xFFFFE700  }
0x4d: {  	v3 =	vld [tilespmem:s0+$0x13C30];
	_ =	sdelay $0x2  }
0x4e: {  	v4 =	vld [tilespmem:s0+$0x13C10]  }
0x4f: {  	v5 =	vld [tilespmem:s0+$0x13C00]  }
0x50: {  	v6 =	vld [tilespmem:s0+$0x13C70];
	v0 =	vand.u32 $0xFFFF, v3  }
0x51: {  	v7 =	vld [tilespmem:s0+$0x13C60]  }
0x52: {  	v8 =	vld [tilespmem:s0+$0x13C40]  }
0x53: {  	v9 =	vld [tilespmem:s0+$0x13C50]  }
0x54: {  	v10 =	vld [tilespmem:s0+$0x13C20];
	v1 =	vand.u32 $0xFFFF, v5  }
0x55: {  	v11 =	vld.idx.msk [tilespmem:v0+s25+$0x0], $0xffff  }
0x56: {  	v2 =	vand.u32 $0xFFFF, v7;
	v12 =	vld.idx.msk [tilespmem:v0+s23+$0x0], $0xffff  }
0x57: {  	v13 =	vld.idx.msk [tilespmem:v0+s24+$0x0], $0xffff  }
0x58: {  	v14 =	vand.u32 $0xFFFF, v4;
	v15 =	vld.idx.msk [tilespmem:v0+s2+$0x0], $0xffff  }
0x59: {  	v16 =	vld.idx.msk [tilespmem:v1+s25+$0x0], $0xffff  }
0x5a: {  	v17 =	vand.u32 $0xFFFF, v6;
	v18 =	vld.idx.msk [tilespmem:v1+s24+$0x0], $0xffff  }
0x5b: {  	v19 =	vld.idx.msk [tilespmem:v2+s25+$0x0], $0xffff  }
0x5c: {  	v20 =	vld.idx.msk [tilespmem:v1+s23+$0x0], $0xffff  }
0x5d: {  	v21 =	vld.idx.msk [tilespmem:v14+s25+$0x0], $0xffff  }
0x5e: {  	v22 =	vand.u32 $0xFFFF, v10;
	v23 =	vld.idx.msk [tilespmem:v2+s24+$0x0], $0xffff  }
0x5f: {  	v0 =	vld.idx.msk [tilespmem:v17+s25+$0x0], $0xffff  }
0x60: {  	v24 =	vld.idx.msk [tilespmem:v2+s23+$0x0], $0xffff  }
0x61: {  	v25 =	vld.idx.msk [tilespmem:v2+s2+$0x0], $0xffff  }
0x62: {  	v26 =	vld.idx.msk [tilespmem:v14+s24+$0x0], $0xffff  }
0x63: {  	v27 =	vld.idx.msk [tilespmem:v22+s24+$0x0], $0xffff  }
0x64: {  	v28 =	vld.idx.msk [tilespmem:v1+s2+$0x0], $0xffff  }
0x65: {  	v1 =	vld.idx.msk [tilespmem:v17+s24+$0x0], $0xffff  }
0x66: {  	v29 =	vand.u32 $0xFFFF, v8;
	v30 =	vld.idx.msk [tilespmem:v22+s25+$0x0], $0xffff  }
0x67: {  	v31 =	vld.idx.msk [tilespmem:v22+s23+$0x0], $0xffff  }
0x68: {  	v32 =	vld.idx.msk [tilespmem:v14+s23+$0x0], $0xffff  }
0x69: {  	v22 =	vld.idx.msk [tilespmem:v22+s2+$0x0], $0xffff  }
0x6a: {  	v33 =	vand.u32 $0xFFFF, v9;
	v2 =	vld.idx.msk [tilespmem:v17+s23+$0x0], $0xffff  }
0x6b: {  	v34 =	vld.idx.msk [tilespmem:v29+s25+$0x0], $0xffff  }
0x6c: {  	v35 =	vld.idx.msk [tilespmem:v29+s24+$0x0], $0xffff  }
0x6d: {  	v14 =	vld.idx.msk [tilespmem:v14+s2+$0x0], $0xffff  }
0x6e: {  	v17 =	vld.idx.msk [tilespmem:v17+s2+$0x0], $0xffff  }
0x6f: {  	v36 =	vld.idx.msk [tilespmem:v33+s25+$0x0], $0xffff  }
0x70: {  	v5 =	vshrl.u32 v5, $0x10;
	v37 =	vld.idx.msk [tilespmem:v29+s23+$0x0], $0xffff  }
0x71: {  	v29 =	vld.idx.msk [tilespmem:v29+s2+$0x0], $0xffff  }
0x72: {  	v38 =	vld.idx.msk [tilespmem:v33+s24+$0x0], $0xffff  }
0x73: {  	v39 =	vld.idx.msk [tilespmem:v33+s23+$0x0], $0xffff  }
0x74: {  	v4 =	vshrl.u32 v4, $0x10;
	v33 =	vld.idx.msk [tilespmem:v33+s2+$0x0], $0xffff  }
0x75: {  	[tilespmem:v5+s18+$0x0] =	vst.idx.add.f32.msk $0xffff, v28  }
0x76: {  	[tilespmem:v5+s19+$0x0] =	vst.idx.add.f32.msk $0xffff, v20  }
0x77: {  	[tilespmem:v5+s20+$0x0] =	vst.idx.add.f32.msk $0xffff, v18  }
0x78: {  	v10 =	vshrl.u32 v10, $0x10;
	[tilespmem:v5+s21+$0x0] =	vst.idx.add.f32.msk $0xffff, v16  }
0x79: {  	[tilespmem:v4+s18+$0x0] =	vst.idx.add.f32.msk $0xffff, v14  }
0x7a: {  	[tilespmem:v4+s19+$0x0] =	vst.idx.add.f32.msk $0xffff, v32  }
0x7b: {  	[tilespmem:v4+s20+$0x0] =	vst.idx.add.f32.msk $0xffff, v26  }
0x7c: {  	v3 =	vshrl.u32 v3, $0x10;
	[tilespmem:v4+s21+$0x0] =	vst.idx.add.f32.msk $0xffff, v21  }
0x7d: {  	[tilespmem:v10+s18+$0x0] =	vst.idx.add.f32.msk $0xffff, v22  }
0x7e: {  	[tilespmem:v10+s19+$0x0] =	vst.idx.add.f32.msk $0xffff, v31  }
0x7f: {  	[tilespmem:v10+s20+$0x0] =	vst.idx.add.f32.msk $0xffff, v27  }
0x80: {  	v4 =	vshrl.u32 v8, $0x10;
	[tilespmem:v10+s21+$0x0] =	vst.idx.add.f32.msk $0xffff, v30  }
0x81: {  	[tilespmem:v3+s18+$0x0] =	vst.idx.add.f32.msk $0xffff, v15  }
0x82: {  	[tilespmem:v3+s19+$0x0] =	vst.idx.add.f32.msk $0xffff, v12  }
0x83: {  	[tilespmem:v3+s20+$0x0] =	vst.idx.add.f32.msk $0xffff, v13  }
0x84: {  	v5 =	vshrl.u32 v9, $0x10;
	[tilespmem:v3+s21+$0x0] =	vst.idx.add.f32.msk $0xffff, v11  }
0x85: {  	[tilespmem:v4+s18+$0x0] =	vst.idx.add.f32.msk $0xffff, v29  }
0x86: {  	[tilespmem:v4+s19+$0x0] =	vst.idx.add.f32.msk $0xffff, v37  }
0x87: {  	[tilespmem:v4+s20+$0x0] =	vst.idx.add.f32.msk $0xffff, v35  }
0x88: {  	v7 =	vshrl.u32 v7, $0x10;
	[tilespmem:v4+s21+$0x0] =	vst.idx.add.f32.msk $0xffff, v34  }
0x89: {  	[tilespmem:v5+s18+$0x0] =	vst.idx.add.f32.msk $0xffff, v33  }
0x8a: {  	[tilespmem:v5+s19+$0x0] =	vst.idx.add.f32.msk $0xffff, v39  }
0x8b: {  	[tilespmem:v5+s20+$0x0] =	vst.idx.add.f32.msk $0xffff, v38  }
0x8c: {  	v3 =	vshrl.u32 v6, $0x10;
	[tilespmem:v5+s21+$0x0] =	vst.idx.add.f32.msk $0xffff, v36  }
0x8d: {  	[tilespmem:v7+s18+$0x0] =	vst.idx.add.f32.msk $0xffff, v25  }
0x8e: {  	[tilespmem:v7+s19+$0x0] =	vst.idx.add.f32.msk $0xffff, v24  }
0x8f: {  	[tilespmem:v7+s20+$0x0] =	vst.idx.add.f32.msk $0xffff, v23  }
0x90: {  	[tilespmem:v7+s21+$0x0] =	vst.idx.add.f32.msk $0xffff, v19  }
0x91: {  	s0 =	simm.s32 $0x200;
	[tilespmem:v3+s18+$0x0] =	vst.idx.add.f32.msk $0xffff, v17  }
.LBB2_3:
0x92: {  	s1 =	sshra.s32 s0, $0x2;
	p0 =	sne.s32 s0, $0x6200;
	s0 =	sadd.s32 $0x200, s0;
	[tilespmem:v3+s19+$0x0] =	vst.idx.add.f32.msk $0xffff, v2  }
0x93: {  	[tilespmem:v3+s20+$0x0] =	vst.idx.add.f32.msk $0xffff, v1  }
0x94: {  	[tilespmem:v3+s21+$0x0] =	vst.idx.add.f32.msk $0xffff, v0  }
0x95: {  	v4 =	vld [tilespmem:s1+$0x13C30];
	_ =	sdelay $0x1  }
0x96: {  	v5 =	vld [tilespmem:s1+$0x13C10]  }
0x97: {  	v3 =	vld [tilespmem:s1+$0x13C70]  }
0x98: {  	v6 =	vld [tilespmem:s1+$0x13C00]  }
0x99: {  	v0 =	vand.u32 $0xFFFF, v4;
	v7 =	vld [tilespmem:s1+$0x13C60]  }
0x9a: {  	v8 =	vld [tilespmem:s1+$0x13C40]  }
0x9b: {  	v9 =	vand.u32 $0xFFFF, v5;
	v10 =	vld [tilespmem:s1+$0x13C50]  }
0x9c: {  	v11 =	vld [tilespmem:s1+$0x13C20];
	v12 =	vand.u32 $0xFFFF, v3  }
0x9d: {  	v1 =	vand.u32 $0xFFFF, v6  }
0x9e: {  	v13 =	vld.idx.msk [tilespmem:v0+s25+$0x0], $0xffff;
	v2 =	vand.u32 $0xFFFF, v7  }
0x9f: {  	v14 =	vld.idx.msk [tilespmem:v0+s23+$0x0], $0xffff;
	v15 =	vand.u32 $0xFFFF, v8  }
0xa0: {  	v16 =	vld.idx.msk [tilespmem:v0+s24+$0x0], $0xffff;
	v17 =	vand.u32 $0xFFFF, v10  }
0xa1: {  	v18 =	vand.u32 $0xFFFF, v11;
	v19 =	vld.idx.msk [tilespmem:v0+s2+$0x0], $0xffff  }
0xa2: {  	v20 =	vld.idx.msk [tilespmem:v1+s25+$0x0], $0xffff  }
0xa3: {  	v21 =	vld.idx.msk [tilespmem:v1+s24+$0x0], $0xffff  }
0xa4: {  	v22 =	vld.idx.msk [tilespmem:v2+s25+$0x0], $0xffff  }
0xa5: {  	v23 =	vld.idx.msk [tilespmem:v1+s23+$0x0], $0xffff  }
0xa6: {  	v24 =	vld.idx.msk [tilespmem:v9+s25+$0x0], $0xffff  }
0xa7: {  	v25 =	vld.idx.msk [tilespmem:v2+s24+$0x0], $0xffff  }
0xa8: {  	v0 =	vld.idx.msk [tilespmem:v12+s25+$0x0], $0xffff  }
0xa9: {  	v26 =	vld.idx.msk [tilespmem:v2+s23+$0x0], $0xffff  }
0xaa: {  	v27 =	vld.idx.msk [tilespmem:v2+s2+$0x0], $0xffff  }
0xab: {  	v28 =	vld.idx.msk [tilespmem:v9+s24+$0x0], $0xffff  }
0xac: {  	v29 =	vld.idx.msk [tilespmem:v18+s24+$0x0], $0xffff  }
0xad: {  	v30 =	vld.idx.msk [tilespmem:v1+s2+$0x0], $0xffff  }
0xae: {  	v1 =	vld.idx.msk [tilespmem:v12+s24+$0x0], $0xffff  }
0xaf: {  	v31 =	vld.idx.msk [tilespmem:v18+s25+$0x0], $0xffff  }
0xb0: {  	v32 =	vld.idx.msk [tilespmem:v18+s23+$0x0], $0xffff  }
0xb1: {  	v33 =	vld.idx.msk [tilespmem:v9+s23+$0x0], $0xffff  }
0xb2: {  	v18 =	vld.idx.msk [tilespmem:v18+s2+$0x0], $0xffff  }
0xb3: {  	v2 =	vld.idx.msk [tilespmem:v12+s23+$0x0], $0xffff  }
0xb4: {  	v34 =	vld.idx.msk [tilespmem:v15+s25+$0x0], $0xffff  }
0xb5: {  	v35 =	vld.idx.msk [tilespmem:v15+s24+$0x0], $0xffff  }
0xb6: {  	v9 =	vld.idx.msk [tilespmem:v9+s2+$0x0], $0xffff  }
0xb7: {  	v12 =	vld.idx.msk [tilespmem:v12+s2+$0x0], $0xffff  }
0xb8: {  	v6 =	vshrl.u32 v6, $0x10;
	v36 =	vld.idx.msk [tilespmem:v17+s25+$0x0], $0xffff  }
0xb9: {  	v37 =	vld.idx.msk [tilespmem:v15+s23+$0x0], $0xffff  }
0xba: {  	v15 =	vld.idx.msk [tilespmem:v15+s2+$0x0], $0xffff  }
0xbb: {  	v38 =	vld.idx.msk [tilespmem:v17+s24+$0x0], $0xffff  }
0xbc: {  	v5 =	vshrl.u32 v5, $0x10;
	v39 =	vld.idx.msk [tilespmem:v17+s23+$0x0], $0xffff  }
0xbd: {  	v17 =	vld.idx.msk [tilespmem:v17+s2+$0x0], $0xffff  }
0xbe: {  	[tilespmem:v6+s18+$0x0] =	vst.idx.add.f32.msk $0xffff, v30  }
0xbf: {  	[tilespmem:v6+s19+$0x0] =	vst.idx.add.f32.msk $0xffff, v23  }
0xc0: {  	v11 =	vshrl.u32 v11, $0x10;
	[tilespmem:v6+s20+$0x0] =	vst.idx.add.f32.msk $0xffff, v21  }
0xc1: {  	[tilespmem:v6+s21+$0x0] =	vst.idx.add.f32.msk $0xffff, v20  }
0xc2: {  	[tilespmem:v5+s18+$0x0] =	vst.idx.add.f32.msk $0xffff, v9  }
0xc3: {  	[tilespmem:v5+s19+$0x0] =	vst.idx.add.f32.msk $0xffff, v33  }
0xc4: {  	v4 =	vshrl.u32 v4, $0x10;
	[tilespmem:v5+s20+$0x0] =	vst.idx.add.f32.msk $0xffff, v28  }
0xc5: {  	[tilespmem:v5+s21+$0x0] =	vst.idx.add.f32.msk $0xffff, v24  }
0xc6: {  	[tilespmem:v11+s18+$0x0] =	vst.idx.add.f32.msk $0xffff, v18  }
0xc7: {  	[tilespmem:v11+s19+$0x0] =	vst.idx.add.f32.msk $0xffff, v32  }
0xc8: {  	v5 =	vshrl.u32 v8, $0x10;
	[tilespmem:v11+s20+$0x0] =	vst.idx.add.f32.msk $0xffff, v29  }
0xc9: {  	[tilespmem:v11+s21+$0x0] =	vst.idx.add.f32.msk $0xffff, v31  }
0xca: {  	[tilespmem:v4+s18+$0x0] =	vst.idx.add.f32.msk $0xffff, v19  }
0xcb: {  	[tilespmem:v4+s19+$0x0] =	vst.idx.add.f32.msk $0xffff, v14  }
0xcc: {  	v6 =	vshrl.u32 v10, $0x10;
	[tilespmem:v4+s20+$0x0] =	vst.idx.add.f32.msk $0xffff, v16  }
0xcd: {  	[tilespmem:v4+s21+$0x0] =	vst.idx.add.f32.msk $0xffff, v13  }
0xce: {  	[tilespmem:v5+s18+$0x0] =	vst.idx.add.f32.msk $0xffff, v15  }
0xcf: {  	[tilespmem:v5+s19+$0x0] =	vst.idx.add.f32.msk $0xffff, v37  }
0xd0: {  	v4 =	vshrl.u32 v7, $0x10;
	[tilespmem:v5+s20+$0x0] =	vst.idx.add.f32.msk $0xffff, v35  }
0xd1: {  	[tilespmem:v5+s21+$0x0] =	vst.idx.add.f32.msk $0xffff, v34  }
0xd2: {  	[tilespmem:v6+s18+$0x0] =	vst.idx.add.f32.msk $0xffff, v17  }
0xd3: {  	[tilespmem:v6+s19+$0x0] =	vst.idx.add.f32.msk $0xffff, v39  }
0xd4: {  	v3 =	vshrl.u32 v3, $0x10;
	[tilespmem:v6+s20+$0x0] =	vst.idx.add.f32.msk $0xffff, v38  }
0xd5: {  	[tilespmem:v6+s21+$0x0] =	vst.idx.add.f32.msk $0xffff, v36  }
.Ltmp2:
0xd6: {  	[tilespmem:v4+s18+$0x0] =	vst.idx.add.f32.msk $0xffff, v27;
	(pc) =	sbr.rel @p0 .LBB2_3-.Ltmp2, $4  }
0xd7: {  	[tilespmem:v4+s19+$0x0] =	vst.idx.add.f32.msk $0xffff, v26  }
0xd8: {  	[tilespmem:v4+s20+$0x0] =	vst.idx.add.f32.msk $0xffff, v25  }
0xd9: {  	[tilespmem:v4+s21+$0x0] =	vst.idx.add.f32.msk $0xffff, v22  }
0xda: {  	[tilespmem:v3+s18+$0x0] =	vst.idx.add.f32.msk $0xffff, v12  }
0xdb: {  	_ = 	snop  }
0xdc: {  	p0 =	seq.s32 s31, $0x18  }
0xdd: {  	s0 =	smul.u32 @!p0 $0x3200, s31;
	_ =	sdelay $0x1  }
0xde: {  	[tilespmem:v3+s19+$0x0] =	vst.idx.add.f32.msk $0xffff, v2;
	s0 =	sshrl.u32 @!p0 s0, $0x3  }
0xdf: {  	[tilespmem:v3+s20+$0x0] =	vst.idx.add.f32.msk $0xffff, v1;
	s0 =	sadd.s32 @!p0 s3, s0  }
0xe0: {  	s1 =	simm.s32 @!p0 $0x0;
	s14 =	simm.s32 @!p0 $0x13C00;
	[tilespmem:v3+s21+$0x0] =	vst.idx.add.f32.msk $0xffff, v0;
	s0 =	sadd.s32 @!p0 $0x640, s0  }
0xe1: {  	[tilespmem:s14], [sflag:$0x1] =	stream.linear.gather @!p0 [hbm4b:s0+s1], $0x1900, $0x38;
	[tilespmem:$0x16E00] =	vst v63  }
0xe2: {  	_ =	swait.ge [sflag:s29], $0x1900  }
0xe3: {  	[sflag:s29] =	ssyncset.done $0x0  }
0xe4: {  	s14 =	simm.s32 $0x0;
	[sflag:s29] =	ssyncadd.s32 $0xFFFFE700  }
0xe5: {  	v3 =	vld [tilespmem:s14+$0x15530];
	_ =	sdelay $0x2  }
0xe6: {  	v4 =	vld [tilespmem:s14+$0x15510]  }
0xe7: {  	v5 =	vld [tilespmem:s14+$0x15500]  }
0xe8: {  	v6 =	vld [tilespmem:s14+$0x15570];
	v0 =	vand.u32 $0xFFFF, v3  }
0xe9: {  	v7 =	vld [tilespmem:s14+$0x15560]  }
0xea: {  	v8 =	vld [tilespmem:s14+$0x15540]  }
0xeb: {  	v9 =	vld [tilespmem:s14+$0x15550]  }
0xec: {  	v10 =	vld [tilespmem:s14+$0x15520];
	v1 =	vand.u32 $0xFFFF, v5  }
0xed: {  	v11 =	vld.idx.msk [tilespmem:v0+s25+$0x0], $0xffff  }
0xee: {  	v2 =	vand.u32 $0xFFFF, v7;
	v12 =	vld.idx.msk [tilespmem:v0+s23+$0x0], $0xffff  }
0xef: {  	v13 =	vld.idx.msk [tilespmem:v0+s24+$0x0], $0xffff  }
0xf0: {  	v14 =	vand.u32 $0xFFFF, v4;
	v15 =	vld.idx.msk [tilespmem:v0+s2+$0x0], $0xffff  }
0xf1: {  	v16 =	vld.idx.msk [tilespmem:v1+s25+$0x0], $0xffff  }
0xf2: {  	v17 =	vand.u32 $0xFFFF, v6;
	v18 =	vld.idx.msk [tilespmem:v1+s24+$0x0], $0xffff  }
0xf3: {  	v19 =	vld.idx.msk [tilespmem:v2+s25+$0x0], $0xffff  }
0xf4: {  	v20 =	vld.idx.msk [tilespmem:v1+s23+$0x0], $0xffff  }
0xf5: {  	v21 =	vld.idx.msk [tilespmem:v14+s25+$0x0], $0xffff  }
0xf6: {  	v22 =	vand.u32 $0xFFFF, v10;
	v23 =	vld.idx.msk [tilespmem:v2+s24+$0x0], $0xffff  }
0xf7: {  	v0 =	vld.idx.msk [tilespmem:v17+s25+$0x0], $0xffff  }
0xf8: {  	v24 =	vld.idx.msk [tilespmem:v2+s23+$0x0], $0xffff  }
0xf9: {  	v25 =	vld.idx.msk [tilespmem:v2+s2+$0x0], $0xffff  }
0xfa: {  	v26 =	vld.idx.msk [tilespmem:v14+s24+$0x0], $0xffff  }
0xfb: {  	v27 =	vld.idx.msk [tilespmem:v22+s24+$0x0], $0xffff  }
0xfc: {  	v28 =	vld.idx.msk [tilespmem:v1+s2+$0x0], $0xffff  }
0xfd: {  	v1 =	vld.idx.msk [tilespmem:v17+s24+$0x0], $0xffff  }
0xfe: {  	v29 =	vand.u32 $0xFFFF, v8;
	v30 =	vld.idx.msk [tilespmem:v22+s25+$0x0], $0xffff  }
0xff: {  	v31 =	vld.idx.msk [tilespmem:v22+s23+$0x0], $0xffff  }
0x100: {  	v32 =	vld.idx.msk [tilespmem:v14+s23+$0x0], $0xffff  }
0x101: {  	v22 =	vld.idx.msk [tilespmem:v22+s2+$0x0], $0xffff  }
0x102: {  	v33 =	vand.u32 $0xFFFF, v9;
	v2 =	vld.idx.msk [tilespmem:v17+s23+$0x0], $0xffff  }
0x103: {  	v34 =	vld.idx.msk [tilespmem:v29+s25+$0x0], $0xffff  }
0x104: {  	v35 =	vld.idx.msk [tilespmem:v29+s24+$0x0], $0xffff  }
0x105: {  	v14 =	vld.idx.msk [tilespmem:v14+s2+$0x0], $0xffff  }
0x106: {  	v17 =	vld.idx.msk [tilespmem:v17+s2+$0x0], $0xffff  }
0x107: {  	v36 =	vld.idx.msk [tilespmem:v33+s25+$0x0], $0xffff  }
0x108: {  	v5 =	vshrl.u32 v5, $0x10;
	v37 =	vld.idx.msk [tilespmem:v29+s23+$0x0], $0xffff  }
0x109: {  	v29 =	vld.idx.msk [tilespmem:v29+s2+$0x0], $0xffff  }
0x10a: {  	v38 =	vld.idx.msk [tilespmem:v33+s24+$0x0], $0xffff  }
0x10b: {  	v39 =	vld.idx.msk [tilespmem:v33+s23+$0x0], $0xffff  }
0x10c: {  	v4 =	vshrl.u32 v4, $0x10;
	v33 =	vld.idx.msk [tilespmem:v33+s2+$0x0], $0xffff  }
0x10d: {  	[tilespmem:v5+s18+$0x0] =	vst.idx.add.f32.msk $0xffff, v28  }
0x10e: {  	[tilespmem:v5+s19+$0x0] =	vst.idx.add.f32.msk $0xffff, v20  }
0x10f: {  	[tilespmem:v5+s20+$0x0] =	vst.idx.add.f32.msk $0xffff, v18  }
0x110: {  	v10 =	vshrl.u32 v10, $0x10;
	[tilespmem:v5+s21+$0x0] =	vst.idx.add.f32.msk $0xffff, v16  }
0x111: {  	[tilespmem:v4+s18+$0x0] =	vst.idx.add.f32.msk $0xffff, v14  }
0x112: {  	[tilespmem:v4+s19+$0x0] =	vst.idx.add.f32.msk $0xffff, v32  }
0x113: {  	[tilespmem:v4+s20+$0x0] =	vst.idx.add.f32.msk $0xffff, v26  }
0x114: {  	v3 =	vshrl.u32 v3, $0x10;
	[tilespmem:v4+s21+$0x0] =	vst.idx.add.f32.msk $0xffff, v21  }
0x115: {  	[tilespmem:v10+s18+$0x0] =	vst.idx.add.f32.msk $0xffff, v22  }
0x116: {  	[tilespmem:v10+s19+$0x0] =	vst.idx.add.f32.msk $0xffff, v31  }
0x117: {  	[tilespmem:v10+s20+$0x0] =	vst.idx.add.f32.msk $0xffff, v27  }
0x118: {  	v4 =	vshrl.u32 v8, $0x10;
	[tilespmem:v10+s21+$0x0] =	vst.idx.add.f32.msk $0xffff, v30  }
0x119: {  	[tilespmem:v3+s18+$0x0] =	vst.idx.add.f32.msk $0xffff, v15  }
0x11a: {  	[tilespmem:v3+s19+$0x0] =	vst.idx.add.f32.msk $0xffff, v12  }
0x11b: {  	[tilespmem:v3+s20+$0x0] =	vst.idx.add.f32.msk $0xffff, v13  }
0x11c: {  	v5 =	vshrl.u32 v9, $0x10;
	[tilespmem:v3+s21+$0x0] =	vst.idx.add.f32.msk $0xffff, v11  }
0x11d: {  	[tilespmem:v4+s18+$0x0] =	vst.idx.add.f32.msk $0xffff, v29  }
0x11e: {  	[tilespmem:v4+s19+$0x0] =	vst.idx.add.f32.msk $0xffff, v37  }
0x11f: {  	[tilespmem:v4+s20+$0x0] =	vst.idx.add.f32.msk $0xffff, v35  }
0x120: {  	v7 =	vshrl.u32 v7, $0x10;
	[tilespmem:v4+s21+$0x0] =	vst.idx.add.f32.msk $0xffff, v34  }
0x121: {  	[tilespmem:v5+s18+$0x0] =	vst.idx.add.f32.msk $0xffff, v33  }
0x122: {  	[tilespmem:v5+s19+$0x0] =	vst.idx.add.f32.msk $0xffff, v39  }
0x123: {  	[tilespmem:v5+s20+$0x0] =	vst.idx.add.f32.msk $0xffff, v38  }
0x124: {  	v3 =	vshrl.u32 v6, $0x10;
	[tilespmem:v5+s21+$0x0] =	vst.idx.add.f32.msk $0xffff, v36  }
0x125: {  	[tilespmem:v7+s18+$0x0] =	vst.idx.add.f32.msk $0xffff, v25  }
0x126: {  	[tilespmem:v7+s19+$0x0] =	vst.idx.add.f32.msk $0xffff, v24  }
0x127: {  	[tilespmem:v7+s20+$0x0] =	vst.idx.add.f32.msk $0xffff, v23  }
0x128: {  	[tilespmem:v7+s21+$0x0] =	vst.idx.add.f32.msk $0xffff, v19  }
0x129: {  	s0 =	simm.s32 $0x200;
	[tilespmem:v3+s18+$0x0] =	vst.idx.add.f32.msk $0xffff, v17  }
.LBB2_5:
0x12a: {  	s1 =	sshra.s32 s0, $0x2;
	p1 =	sne.s32 s0, $0x6200;
	s0 =	sadd.s32 $0x200, s0;
	[tilespmem:v3+s19+$0x0] =	vst.idx.add.f32.msk $0xffff, v2  }
0x12b: {  	[tilespmem:v3+s20+$0x0] =	vst.idx.add.f32.msk $0xffff, v1  }
0x12c: {  	[tilespmem:v3+s21+$0x0] =	vst.idx.add.f32.msk $0xffff, v0  }
0x12d: {  	v4 =	vld [tilespmem:s1+$0x15530];
	_ =	sdelay $0x1  }
0x12e: {  	v5 =	vld [tilespmem:s1+$0x15510]  }
0x12f: {  	v3 =	vld [tilespmem:s1+$0x15570]  }
0x130: {  	v6 =	vld [tilespmem:s1+$0x15500]  }
0x131: {  	v0 =	vand.u32 $0xFFFF, v4;
	v7 =	vld [tilespmem:s1+$0x15560]  }
0x132: {  	v8 =	vld [tilespmem:s1+$0x15540]  }
0x133: {  	v9 =	vand.u32 $0xFFFF, v5;
	v10 =	vld [tilespmem:s1+$0x15550]  }
0x134: {  	v11 =	vld [tilespmem:s1+$0x15520];
	v12 =	vand.u32 $0xFFFF, v3  }
0x135: {  	v1 =	vand.u32 $0xFFFF, v6  }
0x136: {  	v13 =	vld.idx.msk [tilespmem:v0+s25+$0x0], $0xffff;
	v2 =	vand.u32 $0xFFFF, v7  }
0x137: {  	v14 =	vld.idx.msk [tilespmem:v0+s23+$0x0], $0xffff;
	v15 =	vand.u32 $0xFFFF, v8  }
0x138: {  	v16 =	vld.idx.msk [tilespmem:v0+s24+$0x0], $0xffff;
	v17 =	vand.u32 $0xFFFF, v10  }
0x139: {  	v18 =	vand.u32 $0xFFFF, v11;
	v19 =	vld.idx.msk [tilespmem:v0+s2+$0x0], $0xffff  }
0x13a: {  	v20 =	vld.idx.msk [tilespmem:v1+s25+$0x0], $0xffff  }
0x13b: {  	v21 =	vld.idx.msk [tilespmem:v1+s24+$0x0], $0xffff  }
0x13c: {  	v22 =	vld.idx.msk [tilespmem:v2+s25+$0x0], $0xffff  }
0x13d: {  	v23 =	vld.idx.msk [tilespmem:v1+s23+$0x0], $0xffff  }
0x13e: {  	v24 =	vld.idx.msk [tilespmem:v9+s25+$0x0], $0xffff  }
0x13f: {  	v25 =	vld.idx.msk [tilespmem:v2+s24+$0x0], $0xffff  }
0x140: {  	v0 =	vld.idx.msk [tilespmem:v12+s25+$0x0], $0xffff  }
0x141: {  	v26 =	vld.idx.msk [tilespmem:v2+s23+$0x0], $0xffff  }
0x142: {  	v27 =	vld.idx.msk [tilespmem:v2+s2+$0x0], $0xffff  }
0x143: {  	v28 =	vld.idx.msk [tilespmem:v9+s24+$0x0], $0xffff  }
0x144: {  	v29 =	vld.idx.msk [tilespmem:v18+s24+$0x0], $0xffff  }
0x145: {  	v30 =	vld.idx.msk [tilespmem:v1+s2+$0x0], $0xffff  }
0x146: {  	v1 =	vld.idx.msk [tilespmem:v12+s24+$0x0], $0xffff  }
0x147: {  	v31 =	vld.idx.msk [tilespmem:v18+s25+$0x0], $0xffff  }
0x148: {  	v32 =	vld.idx.msk [tilespmem:v18+s23+$0x0], $0xffff  }
0x149: {  	v33 =	vld.idx.msk [tilespmem:v9+s23+$0x0], $0xffff  }
0x14a: {  	v18 =	vld.idx.msk [tilespmem:v18+s2+$0x0], $0xffff  }
0x14b: {  	v2 =	vld.idx.msk [tilespmem:v12+s23+$0x0], $0xffff  }
0x14c: {  	v34 =	vld.idx.msk [tilespmem:v15+s25+$0x0], $0xffff  }
0x14d: {  	v35 =	vld.idx.msk [tilespmem:v15+s24+$0x0], $0xffff  }
0x14e: {  	v9 =	vld.idx.msk [tilespmem:v9+s2+$0x0], $0xffff  }
0x14f: {  	v12 =	vld.idx.msk [tilespmem:v12+s2+$0x0], $0xffff  }
0x150: {  	v6 =	vshrl.u32 v6, $0x10;
	v36 =	vld.idx.msk [tilespmem:v17+s25+$0x0], $0xffff  }
0x151: {  	v37 =	vld.idx.msk [tilespmem:v15+s23+$0x0], $0xffff  }
0x152: {  	v15 =	vld.idx.msk [tilespmem:v15+s2+$0x0], $0xffff  }
0x153: {  	v38 =	vld.idx.msk [tilespmem:v17+s24+$0x0], $0xffff  }
0x154: {  	v5 =	vshrl.u32 v5, $0x10;
	v39 =	vld.idx.msk [tilespmem:v17+s23+$0x0], $0xffff  }
0x155: {  	v17 =	vld.idx.msk [tilespmem:v17+s2+$0x0], $0xffff  }
0x156: {  	[tilespmem:v6+s18+$0x0] =	vst.idx.add.f32.msk $0xffff, v30  }
0x157: {  	[tilespmem:v6+s19+$0x0] =	vst.idx.add.f32.msk $0xffff, v23  }
0x158: {  	v11 =	vshrl.u32 v11, $0x10;
	[tilespmem:v6+s20+$0x0] =	vst.idx.add.f32.msk $0xffff, v21  }
0x159: {  	[tilespmem:v6+s21+$0x0] =	vst.idx.add.f32.msk $0xffff, v20  }
0x15a: {  	[tilespmem:v5+s18+$0x0] =	vst.idx.add.f32.msk $0xffff, v9  }
0x15b: {  	[tilespmem:v5+s19+$0x0] =	vst.idx.add.f32.msk $0xffff, v33  }
0x15c: {  	v4 =	vshrl.u32 v4, $0x10;
	[tilespmem:v5+s20+$0x0] =	vst.idx.add.f32.msk $0xffff, v28  }
0x15d: {  	[tilespmem:v5+s21+$0x0] =	vst.idx.add.f32.msk $0xffff, v24  }
0x15e: {  	[tilespmem:v11+s18+$0x0] =	vst.idx.add.f32.msk $0xffff, v18  }
0x15f: {  	[tilespmem:v11+s19+$0x0] =	vst.idx.add.f32.msk $0xffff, v32  }
0x160: {  	v5 =	vshrl.u32 v8, $0x10;
	[tilespmem:v11+s20+$0x0] =	vst.idx.add.f32.msk $0xffff, v29  }
0x161: {  	[tilespmem:v11+s21+$0x0] =	vst.idx.add.f32.msk $0xffff, v31  }
0x162: {  	[tilespmem:v4+s18+$0x0] =	vst.idx.add.f32.msk $0xffff, v19  }
0x163: {  	[tilespmem:v4+s19+$0x0] =	vst.idx.add.f32.msk $0xffff, v14  }
0x164: {  	v6 =	vshrl.u32 v10, $0x10;
	[tilespmem:v4+s20+$0x0] =	vst.idx.add.f32.msk $0xffff, v16  }
0x165: {  	[tilespmem:v4+s21+$0x0] =	vst.idx.add.f32.msk $0xffff, v13  }
0x166: {  	[tilespmem:v5+s18+$0x0] =	vst.idx.add.f32.msk $0xffff, v15  }
0x167: {  	[tilespmem:v5+s19+$0x0] =	vst.idx.add.f32.msk $0xffff, v37  }
0x168: {  	v4 =	vshrl.u32 v7, $0x10;
	[tilespmem:v5+s20+$0x0] =	vst.idx.add.f32.msk $0xffff, v35  }
0x169: {  	[tilespmem:v5+s21+$0x0] =	vst.idx.add.f32.msk $0xffff, v34  }
0x16a: {  	[tilespmem:v6+s18+$0x0] =	vst.idx.add.f32.msk $0xffff, v17  }
0x16b: {  	[tilespmem:v6+s19+$0x0] =	vst.idx.add.f32.msk $0xffff, v39  }
0x16c: {  	v3 =	vshrl.u32 v3, $0x10;
	[tilespmem:v6+s20+$0x0] =	vst.idx.add.f32.msk $0xffff, v38  }
0x16d: {  	[tilespmem:v6+s21+$0x0] =	vst.idx.add.f32.msk $0xffff, v36  }
.Ltmp3:
0x16e: {  	[tilespmem:v4+s18+$0x0] =	vst.idx.add.f32.msk $0xffff, v27;
	(pc) =	sbr.rel @p1 .LBB2_5-.Ltmp3, $4  }
0x16f: {  	[tilespmem:v4+s19+$0x0] =	vst.idx.add.f32.msk $0xffff, v26  }
0x170: {  	[tilespmem:v4+s20+$0x0] =	vst.idx.add.f32.msk $0xffff, v25  }
0x171: {  	[tilespmem:v4+s21+$0x0] =	vst.idx.add.f32.msk $0xffff, v22  }
0x172: {  	[tilespmem:v3+s18+$0x0] =	vst.idx.add.f32.msk $0xffff, v12  }
0x173: {  	_ =	sdelay $0x1  }
.Ltmp4:
0x174: {  	_ = 	snop;
	(pc) =	sbr.rel @p0 .LBB2_8-.Ltmp4, $4  }
0x175: {  	_ = 	snop  }
0x176: {  	[tilespmem:v3+s19+$0x0] =	vst.idx.add.f32.msk $0xffff, v2  }
0x177: {  	[tilespmem:v3+s20+$0x0] =	vst.idx.add.f32.msk $0xffff, v1  }
0x178: {  	[tilespmem:v3+s21+$0x0] =	vst.idx.add.f32.msk $0xffff, v0  }
0x179: {  	s0 =	smul.u32 $0x3200, s31  }
.Ltmp5:
0x17a: {  	_ = 	snop;
	(pc) =	sbr.rel .LBB2_2-.Ltmp5, $4  }
0x17b: {  	s0 =	sshrl.u32 s0, $0x3  }
0x17c: {  	s0 =	sadd.s32 s3, s0  }
0x17d: {  	s31 =	sadd.s32 $0x1, s31;
	s0 =	sadd.s32 $0x960, s0  }
0x17e: {  	[tilespmem:s15], [sflag:$0x2] =	stream.linear.gather [hbm4b:s0+s2], $0x1900, $0x38;
	[tilespmem:$0x16E00] =	vst v63  }
.LBB2_9:
0x17f: {  	_ =	sfence.sel $0x180000  }
0x180: {  	[bflag:$0x0] =	sbarrier.arrive $0xFFFF  }
0x181: {  	_ =	strace $0x9000004A  }
0x182: {  	s0 =	stileid.u32;
	[bflag:$0x2] =	sbarrier.arrive $0xFFFF  }
0x183: {  	p0 =	sne.s32 s0, $0x0;
	s0 =	rddreg [dreg:$0x1]  }
0x184: {  	s0 =	sadd.s32 @!p0 $0x100000, s0  }
0x185: {  	[sflag:s0] =	ssyncadd.tile.s32 @!p0 $0x1;
	_ =	shalt  }
.Lfunc_end2:
_tile_overlayer_lowered:
.L_overlay_start_2:
0x186: {  	(tag) =	ssettag $0x2  }
0x187: {  	s0 =	rddreg [dreg:$0x0];
	s2 =	stileid.u32  }
0x188: {  	s1 =	rddreg [dreg:$0x1];
	p0 =	sne.s32 s2, $0x0  }
0x189: {  	s3 =	rddreg [dreg:$0x2];
	[bflag:$0x3] =	sbarrier.arrive $0xFFFF;
	s2 =	simm.s32 @!p0 $0x1C04  }
0x18a: {  	[timem:s3], [sflag:s2] =	dma.local @!p0 [hbm:s0], s1  }
0x18b: {  	s0 =	simm.s32 @!p0 $0x4  }
0x18c: {  	_ =	swait.ge @!p0 [sflag:s0], s1  }
0x18d: {  	s1 =	ssub.s32 @!p0 $0x0, s1;
	[sflag:s0] =	ssyncset.done @!p0 $0x0  }
0x18e: {  	[sflag:s0] =	ssyncadd.s32 @!p0 s1  }
0x18f: {  	[bflag:$0x3] =	sbarrier.arrive $0xFFFF  }
0x190: {  	_ =	shalt  }

// kernel: kernel.16.cloned.1.call-start
scs
__scs_entry_jumppad:
0x0: {  	(pc) =	sbr.rel $0x88, $3  }
0x1: {  	(tag) =	ssettag $0x0;
	lr =	simm.s32 $0x1  }
0x2: {  	[smem:$0x3F97] =	sst lr;
	_ =	strace $0xD0000000  }
0x3: {  	_ = 	snop  }
0x4: {  	_ = 	snop  }
0x5: {  	_ = 	snop  }
0x6: {  	_ = 	snop  }
0x7: {  	_ = 	snop  }
__scs_overlays_trampoline_lowered:
0x8: {  	[smem:$0x3FA6] =	sst s0  }
0x9: {  	[smem:$0x3FA7] =	sst s1  }
0xa: {  	[smem:$0x3FA8] =	sst s2  }
0xb: {  	[smem:$0x3FA9] =	sst s3  }
0xc: {  	[smem:$0x3FAA] =	sst s4  }
0xd: {  	[smem:$0x3FAB] =	sst s5  }
0xe: {  	[smem:$0x3FAC] =	sst s6  }
0xf: {  	[smem:$0x3FAD] =	sst s7  }
0x10: {  	[smem:$0x3FAE] =	sst s8  }
0x11: {  	[smem:$0x3FAF] =	sst s9;
	s0 =	simm.s32 @!p0 $0x0  }
0x12: {  	s1 =	sld [smem:$0x3F95];
	s0 =	simm.s32 @p0 $0x1  }
0x13: {  	[smem:$0x3FB0] =	sst s0;
	s0 =	simm.s32 @!p1 $0x0  }
0x14: {  	s2 =	sld [smem:$0x3F94];
	s0 =	simm.s32 @p1 $0x1  }
0x15: {  	[smem:$0x3FB1] =	sst s0;
	s0 =	simm.s32 @!p2 $0x0  }
0x16: {  	s3 =	sld [smem:$0x3FDB];
	s0 =	simm.s32 @p2 $0x1  }
0x17: {  	s4 =	simm.s32 $0x1BF5;
	[smem:$0x3FB3] =	sst s0  }
0x18: {  	s0 =	sld [smem:$0x3F96];
	_ =	swait.ge [sflag:s4], $0x0  }
0x19: {  	s7 =	sld [smem:$0x3F97]  }
0x1a: {  	s8 =	sadd.s32 $0xFFFFE003, lr  }
0x1b: {  	s9 =	sadd.s32 $0xFFFFFEF7, lr;
	s5 =	simm.s32 $0xFFFFFFFF;
	p2 =	slt.u32 s8, $0xFFFFF086  }
0x1c: {  	p1 =	slt.u32 s9, $0xF7A;
	s5 =	simm.s32 @!p2 $0x0  }
0x1d: {  	s5 =	simm.s32 @p1 $0x1;
	p0 =	seq.s32 s7, s2  }
0x1e: {  	s7 =	smul.u32 @!p0 $0xF7A, s2;
	p2 =	seq.s32 @!p0 s5, $0x0  }
0x1f: {  	s9 =	smul.u32 $0xF7A, s1;
	s8 =	simm.s32 @!p0 $0x1BF5;
	p2 =	por !p2, p0  }
0x20: {  	[sflag:s8] =	ssyncset.s32 @!p0 $0xFFFFF086;
	s6 =	sadd.s32 @!p0 s3, s7;
	s7 =	simm.s32 @!p0 $0x108  }
0x21: {  	s3 =	sadd.s32 s3, s9;
	s6 =	sadd.s32 @!p0 $0x88, s6;
	s7 =	simm.s32 @p2 $0x1082  }
0x22: {  	[simem:s7], [sflag:s8] =	dma.local @!p0 [hbm:s6], $0xF7A  }
0x23: {  	s9 =	sor.u32 $0xD0000000, s2;
	s6 =	simm.s32 $0x108;
	_ =	swait.ge @!p0 [sflag:s8], $0x0  }
0x24: {  	s3 =	sadd.s32 $0x88, s3;
	s6 =	simm.s32 @!p1 $0x1082;
	[sflag:s4] =	ssyncset.s32 $0xFFFFF086  }
0x25: {  	[simem:s6], [sflag:s4] =	dma.local [hbm:s3], $0xF7A  }
0x26: {  	[smem:$0x3F97] =	sst s1;
	(tag) =	ssettag s2;
	_ =	strace s9  }
0x27: {  	s1 =	sld [smem:$0x3FA7]  }
0x28: {  	s2 =	sld [smem:$0x3FA8]  }
0x29: {  	s4 =	sld [smem:$0x3FAA]  }
0x2a: {  	p0 =	seq.s32 s5, $0x0;
	s5 =	sld [smem:$0x3FAB]  }
0x2b: {  	s6 =	sld [smem:$0x3FAC]  }
0x2c: {  	s7 =	sld [smem:$0x3FAD]  }
0x2d: {  	s3 =	simm.s32 $0x108;
	s8 =	sld [smem:$0x3FAE]  }
0x2e: {  	s3 =	simm.s32 @!p0 $0x1082;
	s9 =	sld [smem:$0x3FAF]  }
0x2f: {  	lr =	sadd.s32 s0, s3;
	s0 =	sld [smem:$0x3FA6]  }
0x30: {  	s3 =	sld [smem:$0x3FA9]  }
0x31: {  	[smem:$0x3FB2] =	sst s10  }
0x32: {  	s10 =	sld [smem:$0x3FB0];
	_ =	sdelay $0x3  }
0x33: {  	p0 =	seq.s32 s10, $0x1;
	s10 =	sld [smem:$0x3FB2];
	_ =	sdelay $0x3  }
0x34: {  	[smem:$0x3FB2] =	sst s10  }
0x35: {  	s10 =	sld [smem:$0x3FB1];
	_ =	sdelay $0x3  }
0x36: {  	p1 =	seq.s32 s10, $0x1;
	s10 =	sld [smem:$0x3FB2];
	_ =	sdelay $0x3  }
0x37: {  	[smem:$0x3FB2] =	sst s10  }
0x38: {  	s10 =	sld [smem:$0x3FB3]  }
0x39: {  	_ = 	snop;
	(pc) =	sbr.ind lr, $3  }
0x3a: {  	_ = 	snop  }
0x3b: {  	_ = 	snop  }
0x3c: {  	p2 =	seq.s32 s10, $0x1;
	s10 =	sld [smem:$0x3FB2]  }
0x3d: {  	_ =	shalt  }
0x3e: {  	_ =	shalt  }
0x3f: {  	_ =	shalt  }
0x40: {  	_ =	shalt  }
0x41: {  	_ =	shalt  }
0x42: {  	_ =	shalt  }
0x43: {  	_ =	shalt  }
0x44: {  	_ =	shalt  }
0x45: {  	_ =	shalt  }
0x46: {  	_ =	shalt  }
0x47: {  	_ =	shalt  }
0x48: {  	_ =	shalt  }
0x49: {  	_ =	shalt  }
0x4a: {  	_ =	shalt  }
0x4b: {  	_ =	shalt  }
0x4c: {  	_ =	shalt  }
0x4d: {  	_ =	shalt  }
0x4e: {  	_ =	shalt  }
0x4f: {  	_ =	shalt  }
0x50: {  	_ =	shalt  }
0x51: {  	_ =	shalt  }
0x52: {  	_ =	shalt  }
0x53: {  	_ =	shalt  }
0x54: {  	_ =	shalt  }
0x55: {  	_ =	shalt  }
0x56: {  	_ =	shalt  }
0x57: {  	_ =	shalt  }
0x58: {  	_ =	shalt  }
0x59: {  	_ =	shalt  }
0x5a: {  	_ =	shalt  }
0x5b: {  	_ =	shalt  }
0x5c: {  	_ =	shalt  }
0x5d: {  	_ =	shalt  }
0x5e: {  	_ =	shalt  }
0x5f: {  	_ =	shalt  }
0x60: {  	_ =	shalt  }
0x61: {  	_ =	shalt  }
0x62: {  	_ =	shalt  }
0x63: {  	_ =	shalt  }
0x64: {  	_ =	shalt  }
0x65: {  	_ =	shalt  }
0x66: {  	_ =	shalt  }
0x67: {  	_ =	shalt  }
0x68: {  	_ =	shalt  }
0x69: {  	_ =	shalt  }
0x6a: {  	_ =	shalt  }
0x6b: {  	_ =	shalt  }
0x6c: {  	_ =	shalt  }
0x6d: {  	_ =	shalt  }
0x6e: {  	_ =	shalt  }
0x6f: {  	_ =	shalt  }
0x70: {  	_ =	shalt  }
0x71: {  	_ =	shalt  }
0x72: {  	_ =	shalt  }
0x73: {  	_ =	shalt  }
0x74: {  	_ =	shalt  }
0x75: {  	_ =	shalt  }
0x76: {  	_ =	shalt  }
0x77: {  	_ =	shalt  }
0x78: {  	_ =	shalt  }
0x79: {  	_ =	shalt  }
0x7a: {  	_ =	shalt  }
0x7b: {  	_ =	shalt  }
0x7c: {  	_ =	shalt  }
0x7d: {  	_ =	shalt  }
0x7e: {  	_ =	shalt  }
0x7f: {  	_ =	shalt  }
0x80: {  	_ =	shalt  }
0x81: {  	_ =	shalt  }
0x82: {  	_ =	shalt  }
0x83: {  	_ =	shalt  }
0x84: {  	_ =	shalt  }
0x85: {  	_ =	shalt  }
0x86: {  	_ =	shalt  }
0x87: {  	_ =	shalt  }
.Lfunc_end0:
.L_simem_size_0:
called_computation.2_lowered:
.L_overlay_start_0:
0x88: {  	s2 =	sld [smem:$0x3FD9]  }
0x89: {  	s3 =	sld [smem:$0x3FFE];
	_ =	sdelay $0x1  }
0x8a: {  	s1 =	srdreg.scid  }
0x8b: {  	s0 =	sand.u32 $0x1, s1  }
0x8c: {  	s16 =	sshll.u32 s0, $0xA;
	s2 =	sadd.s32 s3, s2  }
0x8d: {  	s2 =	sadd.s32 s2, s16  }
0x8e: {  	[smem:$0x3FBE] =	sst s2  }
0x8f: {  	_ = 	snop  }
0x90: {  	(tm) =	ssettm $0x1  }
0x91: {  	s17 =	sld [smem:$0x3FFB];
	_ =	sdelay $0x3  }
0x92: {  	_ =	strace s17  }
0x93: {  	s2 =	sld [smem:$0x3FFC];
	_ =	sdelay $0x3  }
0x94: {  	_ =	strace s2  }
0x95: {  	s2 =	sld [smem:$0x3FFD];
	_ =	sdelay $0x3  }
0x96: {  	_ =	strace s2  }
0x97: {  	_ =	strace $0x8FFFFFFF  }
0x98: {  	s18 =	sld [smem:$0x3FDB];
	_ =	sdelay $0x1  }
0x99: {  	s19 =	simm.s32 $_scs_section_size  }
0x9a: {  	s4 =	simm.s32 $_size__tile_overlayer_lowered;
	s5 =	simm.s32 $_tile_overlayer_lowered  }
0x9b: {  	s22 =	simm.s32 $0x1BFF;
	s21 =	sshll.u32 s5, $0x1;
	s2 =	sadd.s32 s19, s18  }
0x9c: {  	s6 =	simm.s32 $0x0;
	s20 =	sshll.u32 s4, $0x1;
	s4 =	sadd.s32 s21, s2  }
0x9d: {  	[timem:s6], [sflag:s22] =	dma.local [hbm:s4], s20  }
0x9e: {  	_ =	swait.ge [sflag:s22], s20  }
0x9f: {  	s3 =	ssub.s32 $0x0, s20;
	[sflag:s22] =	ssyncset.done $0x0  }
0xa0: {  	[sflag:s22] =	ssyncadd.s32 s3;
	_ =	sdelay $0x1  }
0xa1: {  	s23 =	simm.s32 $0x1B8B  }
0xa2: {  	_ =	swait.ge [sflag:s23], $0x1  }
0xa3: {  	[sflag:s23] =	ssyncset.done $0x0  }
0xa4: {  	s25 =	simm.s32 $0x1B8E;
	s24 =	sld [smem:$0x3FFE];
	[sflag:s23] =	ssyncadd.s32 $0xFFFFFFFF  }
0xa5: {  	s26 =	simm.s32 $execute0_lowered;
	[smem:$0x3FD2] =	sst s25  }
0xa6: {  	s4 =	sshll.u32 s26, $0x1;
	_ =	strace $0x8000004C;
	[dreg:$0x1] =	wrdreg $0xFFFFFFFF  }
0xa7: {  	s28 =	simm.s32 $_size_execute0_lowered;
	s2 =	sadd.s32 s2, s4;
	[dreg:$0x0] =	wrdreg $0x0  }
0xa8: {  	s4 =	sshll.u32 s28, $0x1;
	[dreg:$0x2] =	wrdreg s2  }
0xa9: {  	[dreg:$0x3] =	wrdreg s4  }
0xaa: {  	[dreg:$0x4] =	wrdreg $0xC0  }
0xab: {  	_ =	task [dreg:s6], $0x5FFFF  }
0xac: {  	[dreg:$0x1] =	wrdreg $0xFFFFFFFF  }
0xad: {  	[dreg:$0x0] =	wrdreg $0x60  }
0xae: {  	[dreg:$0x2] =	wrdreg s24  }
0xaf: {  	[dreg:$0x3] =	wrdreg $0x9  }
0xb0: {  	_ =	task.clear_ibuf [dreg:s6], $0x4FFFF;
	_ =	strace $0x9000004C  }
0xb1: {  	s29 =	simm.s32 $0x9;
	_ =	strace $0x8000004E  }
0xb2: {  	_ =	swait.ge [sflag:s29], $0x1  }
0xb3: {  	[sflag:s29] =	ssyncadd.s32 $0xFFFFFFFF  }
0xb4: {  	_ =	strace $0x9000004E  }
0xb5: {  	_ =	sfence  }
0xb6: {  	s30 =	sld [smem:$0x0];
	_ =	sdelay $0x2  }
0xb7: {  	s31 =	sshll.u32 s1, $0xD;
	s1 =	sshrl.u32 s1, $0x2  }
0xb8: {  	s3 =	sand.u32 $0x4000, s31;
	s1 =	sadd.s32 s1, s30  }
0xb9: {  	s0 =	sor.u32 s3, s0;
	s1 =	sshll.u32 s1, $0x11  }
0xba: {  	s0 =	sor.u32 s1, s0  }
0xbb: {  	s0 =	sadd.s32 $0x8F2B, s0  }
0xbc: {  	[sflag:s0] =	ssyncadd.remote.s32 $0x1  }
0xbd: {  	_ =	sfence.sel $0xFFFF  }
0xbe: {  	[dreg:$0x0] =	wrdreg $0xFFFFFFFF;
	(pc) =	sbr.abs _section_cstart, $3  }
0xbf: {  	[dreg:$0x1] =	wrdreg $0xFFFFFFFF  }
0xc0: {  	_ =	task.clear_ibuf [dreg:s6], $0x2FFFF;
	_ =	strace $0x9FFFFFFF  }
0xc1: {  	(tm) =	ssettm $0x7FFFFFFF  }
tec
execute0_lowered:
.L_overlay_start_1:
0x0: {  	(tag) =	ssettag $0x1  }
0x1: {  	s4 =	rddreg [dreg:$0x0]  }
0x2: {  	s0 =	rddreg [dreg:$0x1];
	s2 =	simm.s32 $0x0  }
0x3: {  	s3 =	srdreg.scid;
	s1 =	stileid.u32;
	s12 =	simm.s32 $0x80  }
0x4: {  	s13 =	simm.s32 $0x400;
	s14 =	simm.s32 $0x4F00;
	s15 =	simm.s32 $0x7680  }
0x5: {  	s16 =	simm.s32 $0x4;
	s17 =	simm.s32 $0x2780;
	s18 =	simm.s32 $0x3  }
0x6: {  	s19 =	simm.s32 $0x1;
	s20 =	simm.s32 $0x2;
	s21 =	simm.s32 $0x0  }
0x7: {  	[smem:$0x7FF] =	sst s2;
	s3 =	sand.u32 $0x1, s3;
	s5 =	sshll.u32 s1, $0x9  }
0x8: {  	s6 =	sshrl.u32 s1, $0x1;
	s29 =	sadd.s32 $0xD400, s4;
	s10 =	sadd.s32 $0x21000, s4  }
0x9: {  	s7 =	sshll.u32 s3, $0x8;
	s6 =	smul.u32 $0x13C00, s6;
	s5 =	sand.u32 $0x200, s5  }
0xa: {  	_ =	strace $0x8000004D;
	s8 =	ssub.s32 $0x2, s3;
	s5 =	sor.u32 s7, s5  }
.Ltmp0:
0xb: {  	s3 =	sadd.s32 $0x3600, s4;
	s5 =	sor.u32 s6, s5;
	(pc) =	sbr.rel .LBB2_1-.Ltmp0, $4  }
0xc: {  	s4 =	sadd.s32 $0x3920, s4;
	s30 =	sshrl.u32 s8, $0x1;
	s9 =	sshrl.u32 s5, $0x3  }
0xd: {  	s11 =	ssub.s32 s8, s30;
	s31 =	sor.u32 $0x10, s9;
	s5 =	sadd.s32 s29, s9  }
0xe: {  	s7 =	sadd.s32 s10, s9;
	s9 =	smax.u32 s11, $0x1;
	s11 =	simm.s32 $0xB700  }
0xf: {  	s6 =	sadd.s32 s29, s31;
	s8 =	sadd.s32 s10, s31;
	s10 =	simm.s32 $0x9E00  }
.LBB2_8:
0x10: {  	[hbm4b:s7+s12] =	stream.strided.scatter [tilespmem:s14], [sflag:$0x4], $0x2780, s13, s12, $0x38;
	[tilespmem:$0xD000] =	vst v63  }
0x11: {  	s21 =	sadd.s32 $0x1, s21;
	_ =	swait.ge [sflag:s16], $0x2780  }
0x12: {  	p0 =	sne.s32 s21, s9;
	[sflag:s16] =	ssyncset.done $0x0  }
.Ltmp1:
0x13: {  	[sflag:s16] =	ssyncadd.s32 $0xFFFFD880;
	(pc) =	sbr.rel @!p0 .LBB2_9-.Ltmp1, $4  }
0x14: {  	[hbm4b:s8+s12] =	stream.strided.scatter [tilespmem:s15], [sflag:$0x4], $0x2780, s13, s12, $0x38;
	[tilespmem:$0xD000] =	vst v63  }
0x15: {  	_ =	swait.ge [sflag:s16], $0x2780  }
0x16: {  	[sflag:s16] =	ssyncset.done $0x0  }
0x17: {  	[sflag:s16] =	ssyncadd.s32 $0xFFFFD880  }
.LBB2_1:
0x18: {  	[tilespmem:s10], [sflag:$0x1] =	stream.linear.gather [hbm4b:s3+s2], $0x1900, $0x38;
	[tilespmem:$0xD000] =	vst v63  }
0x19: {  	_ = 	snop  }
0x1a: {  	[tilespmem:s11], [sflag:$0x2] =	stream.linear.gather [hbm4b:s4+s2], $0x1900, $0x38;
	[tilespmem:$0xD000] =	vst v63  }
0x1b: {  	_ = 	snop  }
0x1c: {  	[tilespmem:s14], [sflag:$0x3] =	stream.strided.gather [hbm4b:s5+s12], $0x2780, s13, s12, $0x38;
	[tilespmem:$0xD000] =	vst v63  }
0x1d: {  	_ = 	snop  }
0x1e: {  	[tilespmem:s15], [sflag:$0x3] =	stream.strided.gather [hbm4b:s6+s12], $0x2780, s13, s12, $0x38;
	[tilespmem:$0xD000] =	vst v63  }
0x1f: {  	_ = 	snop  }
0x20: {  	[tilespmem:s2], [sflag:$0x4] =	stream.strided.gather [hbm4b:s5+s12], $0x2780, s13, s12, $0x38;
	[tilespmem:$0xD000] =	vst v63  }
0x21: {  	_ =	swait.ge [sflag:s16], $0x2780  }
0x22: {  	[sflag:s16] =	ssyncset.done $0x0  }
0x23: {  	[sflag:s16] =	ssyncadd.s32 $0xFFFFD880  }
0x24: {  	[tilespmem:s17], [sflag:$0x4] =	stream.strided.gather [hbm4b:s6+s12], $0x2780, s13, s12, $0x38;
	[tilespmem:$0xD000] =	vst v63  }
0x25: {  	_ =	swait.ge [sflag:s16], $0x2780  }
0x26: {  	[sflag:s16] =	ssyncset.done $0x0  }
0x27: {  	[sflag:s16] =	ssyncadd.s32 $0xFFFFD880  }
0x28: {  	_ =	swait.ge [sflag:s18], $0x2780  }
0x29: {  	[sflag:s18] =	ssyncset.done $0x0  }
0x2a: {  	[sflag:s18] =	ssyncadd.s32 $0xFFFFD880  }
0x2b: {  	_ =	swait.ge [sflag:s18], $0x2780  }
0x2c: {  	[sflag:s18] =	ssyncset.done $0x0  }
0x2d: {  	s22 =	simm.s32 $0x0;
	[sflag:s18] =	ssyncadd.s32 $0xFFFFD880  }
.LBB2_2:
0x2e: {  	_ =	swait.ge [sflag:s19], $0x1900  }
0x2f: {  	[sflag:s19] =	ssyncset.done $0x0  }
0x30: {  	s23 =	simm.s32 $0x0;
	[sflag:s19] =	ssyncadd.s32 $0xFFFFE700  }
0x31: {  	v1 =	vld [tilespmem:s23+$0x9EC0]  }
0x32: {  	v2 =	vld [tilespmem:s23+$0x9EE0]  }
0x33: {  	v3 =	vld [tilespmem:s23+$0x9EB0]  }
0x34: {  	v4 =	vld [tilespmem:s23+$0x9ED0]  }
0x35: {  	v5 =	vld [tilespmem:s23+$0x9EA0]  }
0x36: {  	v6 =	vld [tilespmem:s23+$0x9E90]  }
0x37: {  	v8 =	vld [tilespmem:s23+$0x9EF0]  }
0x38: {  	v7 =	vld [tilespmem:s23+$0x9E00]  }
0x39: {  	v9 =	vld [tilespmem:s23+$0x9E40]  }
0x3a: {  	v10 =	vld [tilespmem:s23+$0x9E20]  }
0x3b: {  	v11 =	vld [tilespmem:s23+$0x9E60]  }
0x3c: {  	v13 =	vld [tilespmem:s23+$0x9E50];
	v0 =	vand.u32 $0xFFFF, v4  }
0x3d: {  	v14 =	vld [tilespmem:s23+$0x9E80]  }
0x3e: {  	v17 =	vld [tilespmem:s23+$0x9E30];
	v12 =	vand.u32 $0xFFFF, v5  }
0x3f: {  	v19 =	vld [tilespmem:s23+$0x9E10];
	v16 =	vand.u32 $0xFFFF, v2  }
0x40: {  	v23 =	vld [tilespmem:s23+$0x9E70]  }
0x41: {  	v20 =	vand.u32 $0xFFFF, v10;
	v15 =	vld.idx.msk [tilespmem:v0+s17+$0x0], $0xffff  }
0x42: {  	v21 =	vand.u32 $0xFFFF, v13;
	v18 =	vld.idx.msk [tilespmem:v0+s2+$0x0], $0xffff  }
0x43: {  	v22 =	vld.idx.msk [tilespmem:v12+s2+$0x0], $0xffff  }
0x44: {  	v24 =	vand.u32 $0xFFFF, v14;
	v0 =	vld.idx.msk [tilespmem:v16+s17+$0x0], $0xffff  }
0x45: {  	v16 =	vld.idx.msk [tilespmem:v16+s2+$0x0], $0xffff  }
0x46: {  	v25 =	vand.u32 $0xFFFF, v11;
	v26 =	vld.idx.msk [tilespmem:v20+s2+$0x0], $0xffff  }
0x47: {  	v27 =	vld.idx.msk [tilespmem:v21+s17+$0x0], $0xffff  }
0x48: {  	v28 =	vand.u32 $0xFFFF, v1;
	v21 =	vld.idx.msk [tilespmem:v21+s2+$0x0], $0xffff  }
0x49: {  	v29 =	vand.u32 $0xFFFF, v23;
	v30 =	vld.idx.msk [tilespmem:v24+s17+$0x0], $0xffff  }
0x4a: {  	v31 =	vand.u32 $0xFFFF, v19;
	v24 =	vld.idx.msk [tilespmem:v24+s2+$0x0], $0xffff  }
0x4b: {  	v32 =	vld.idx.msk [tilespmem:v25+s17+$0x0], $0xffff  }
0x4c: {  	v25 =	vld.idx.msk [tilespmem:v25+s2+$0x0], $0xffff  }
0x4d: {  	v33 =	vld.idx.msk [tilespmem:v28+s17+$0x0], $0xffff  }
0x4e: {  	v34 =	vand.u32 $0xFFFF, v3;
	v35 =	vld.idx.msk [tilespmem:v29+s17+$0x0], $0xffff  }
0x4f: {  	v36 =	vld.idx.msk [tilespmem:v31+s17+$0x0], $0xffff  }
0x50: {  	v29 =	vld.idx.msk [tilespmem:v29+s2+$0x0], $0xffff  }
0x51: {  	v37 =	vand.u32 $0xFFFF, v6;
	v28 =	vld.idx.msk [tilespmem:v28+s2+$0x0], $0xffff  }
0x52: {  	v38 =	vand.u32 $0xFFFF, v17;
	v39 =	vld.idx.msk [tilespmem:v12+s17+$0x0], $0xffff  }
0x53: {  	v40 =	vld.idx.msk [tilespmem:v34+s17+$0x0], $0xffff  }
0x54: {  	v31 =	vld.idx.msk [tilespmem:v31+s2+$0x0], $0xffff  }
0x55: {  	v34 =	vld.idx.msk [tilespmem:v34+s2+$0x0], $0xffff  }
0x56: {  	v43 =	vand.u32 $0xFFFF, v8;
	v41 =	vld.idx.msk [tilespmem:v37+s17+$0x0], $0xffff  }
0x57: {  	v12 =	vand.u32 $0xFFFF, v7;
	v42 =	vld.idx.msk [tilespmem:v38+s17+$0x0], $0xffff  }
0x58: {  	v20 =	vld.idx.msk [tilespmem:v20+s17+$0x0], $0xffff  }
0x59: {  	v44 =	vand.u32 $0xFFFF, v9;
	v38 =	vld.idx.msk [tilespmem:v38+s2+$0x0], $0xffff  }
0x5a: {  	v37 =	vld.idx.msk [tilespmem:v37+s2+$0x0], $0xffff  }
0x5b: {  	v46 =	vshrl.u32 v7, $0x10;
	v7 =	vld.idx.msk [tilespmem:v43+s17+$0x0], $0xffff  }
0x5c: {  	v45 =	vld.idx.msk [tilespmem:v12+s2+$0x0], $0xffff  }
0x5d: {  	v47 =	vld.idx.msk [tilespmem:v12+s17+$0x0], $0xffff  }
0x5e: {  	v19 =	vshrl.u32 v19, $0x10;
	v48 =	vld.idx.msk [tilespmem:v44+s17+$0x0], $0xffff  }
0x5f: {  	v44 =	vld.idx.msk [tilespmem:v44+s2+$0x0], $0xffff  }
0x60: {  	v10 =	vshrl.u32 v10, $0x10;
	v12 =	vld.idx.msk [tilespmem:v43+s2+$0x0], $0xffff  }
0x61: {  	[tilespmem:v46+s14+$0x0] =	vst.idx.add.f32.msk $0xffff, v45  }
0x62: {  	v17 =	vshrl.u32 v17, $0x10;
	[tilespmem:v46+s15+$0x0] =	vst.idx.add.f32.msk $0xffff, v47  }
0x63: {  	[tilespmem:v19+s14+$0x0] =	vst.idx.add.f32.msk $0xffff, v31  }
0x64: {  	v9 =	vshrl.u32 v9, $0x10;
	[tilespmem:v19+s15+$0x0] =	vst.idx.add.f32.msk $0xffff, v36  }
0x65: {  	[tilespmem:v10+s14+$0x0] =	vst.idx.add.f32.msk $0xffff, v26  }
0x66: {  	v13 =	vshrl.u32 v13, $0x10;
	[tilespmem:v10+s15+$0x0] =	vst.idx.add.f32.msk $0xffff, v20  }
0x67: {  	[tilespmem:v17+s14+$0x0] =	vst.idx.add.f32.msk $0xffff, v38  }
0x68: {  	v60 =	vshrl.u32 v11, $0x10;
	[tilespmem:v17+s15+$0x0] =	vst.idx.add.f32.msk $0xffff, v42  }
0x69: {  	[tilespmem:v9+s14+$0x0] =	vst.idx.add.f32.msk $0xffff, v44  }
0x6a: {  	v61 =	vshrl.u32 v23, $0x10;
	[tilespmem:v9+s15+$0x0] =	vst.idx.add.f32.msk $0xffff, v48  }
0x6b: {  	[tilespmem:v13+s14+$0x0] =	vst.idx.add.f32.msk $0xffff, v21  }
0x6c: {  	v62 =	vshrl.u32 v14, $0x10;
	[tilespmem:v13+s15+$0x0] =	vst.idx.add.f32.msk $0xffff, v27  }
0x6d: {  	[tilespmem:v60+s14+$0x0] =	vst.idx.add.f32.msk $0xffff, v25  }
0x6e: {  	v6 =	vshrl.u32 v6, $0x10;
	[tilespmem:v60+s15+$0x0] =	vst.idx.add.f32.msk $0xffff, v32  }
0x6f: {  	[tilespmem:v61+s14+$0x0] =	vst.idx.add.f32.msk $0xffff, v29  }
0x70: {  	v5 =	vshrl.u32 v5, $0x10;
	[tilespmem:v61+s15+$0x0] =	vst.idx.add.f32.msk $0xffff, v35  }
0x71: {  	[tilespmem:v62+s14+$0x0] =	vst.idx.add.f32.msk $0xffff, v24  }
0x72: {  	v3 =	vshrl.u32 v3, $0x10;
	[tilespmem:v62+s15+$0x0] =	vst.idx.add.f32.msk $0xffff, v30  }
0x73: {  	[tilespmem:v6+s14+$0x0] =	vst.idx.add.f32.msk $0xffff, v37  }
0x74: {  	v63 =	vshrl.u32 v1, $0x10;
	[tilespmem:v6+s15+$0x0] =	vst.idx.add.f32.msk $0xffff, v41  }
0x75: {  	[tilespmem:v5+s14+$0x0] =	vst.idx.add.f32.msk $0xffff, v22  }
0x76: {  	v4 =	vshrl.u32 v4, $0x10;
	[tilespmem:v5+s15+$0x0] =	vst.idx.add.f32.msk $0xffff, v39  }
0x77: {  	[tilespmem:v3+s14+$0x0] =	vst.idx.add.f32.msk $0xffff, v34  }
0x78: {  	v1 =	vshrl.u32 v2, $0x10;
	[tilespmem:v3+s15+$0x0] =	vst.idx.add.f32.msk $0xffff, v40  }
0x79: {  	[tilespmem:v63+s14+$0x0] =	vst.idx.add.f32.msk $0xffff, v28  }
0x7a: {  	v2 =	vshrl.u32 v8, $0x10;
	[tilespmem:v63+s15+$0x0] =	vst.idx.add.f32.msk $0xffff, v33  }
0x7b: {  	[tilespmem:v4+s14+$0x0] =	vst.idx.add.f32.msk $0xffff, v18  }
0x7c: {  	[tilespmem:v4+s15+$0x0] =	vst.idx.add.f32.msk $0xffff, v15  }
0x7d: {  	s23 =	simm.s32 $0x400;
	[tilespmem:v1+s14+$0x0] =	vst.idx.add.f32.msk $0xffff, v16  }
.LBB2_3:
0x7e: {  	s24 =	sshra.s32 s23, $0x2;
	p0 =	sne.s32 s23, $0x6000;
	s23 =	sadd.s32 $0x400, s23;
	[tilespmem:v1+s15+$0x0] =	vst.idx.add.f32.msk $0xffff, v0  }
0x7f: {  	[tilespmem:v2+s14+$0x0] =	vst.idx.add.f32.msk $0xffff, v12  }
0x80: {  	[tilespmem:v2+s15+$0x0] =	vst.idx.add.f32.msk $0xffff, v7  }
0x81: {  	v3 =	vld [tilespmem:s24+$0x9EC0]  }
0x82: {  	v1 =	vld [tilespmem:s24+$0x9EE0]  }
0x83: {  	v5 =	vld [tilespmem:s24+$0x9EB0]  }
0x84: {  	v4 =	vld [tilespmem:s24+$0x9ED0]  }
0x85: {  	v8 =	vld [tilespmem:s24+$0x9EA0]  }
0x86: {  	v10 =	vld [tilespmem:s24+$0x9E90]  }
0x87: {  	v2 =	vld [tilespmem:s24+$0x9EF0]  }
0x88: {  	v7 =	vld [tilespmem:s24+$0x9E00]  }
0x89: {  	v13 =	vld [tilespmem:s24+$0x9E40];
	v0 =	vand.u32 $0xFFFF, v4  }
0x8a: {  	v12 =	vld [tilespmem:s24+$0x9E20]  }
0x8b: {  	v14 =	vld [tilespmem:s24+$0x9E60]  }
0x8c: {  	v16 =	vand.u32 $0xFFFF, v8;
	v15 =	vld [tilespmem:s24+$0x9E50]  }
0x8d: {  	v18 =	vand.u32 $0xFFFF, v2;
	v17 =	vld [tilespmem:s24+$0x9E80]  }
0x8e: {  	v11 =	vand.u32 $0xFFFF, v1;
	v6 =	vld.idx.msk [tilespmem:v0+s17+$0x0], $0xffff  }
0x8f: {  	v19 =	vand.u32 $0xFFFF, v7;
	v20 =	vld [tilespmem:s24+$0x9E30]  }
0x90: {  	v22 =	vand.u32 $0xFFFF, v10;
	v21 =	vand.u32 $0xFFFF, v13;
	v9 =	vld.idx.msk [tilespmem:v0+s2+$0x0], $0xffff  }
0x91: {  	v26 =	vand.u32 $0xFFFF, v5;
	v24 =	vand.u32 $0xFFFF, v12;
	v25 =	vand.u32 $0xFFFF, v14;
	v23 =	vld [tilespmem:s24+$0x9E10]  }
0x92: {  	v29 =	vand.u32 $0xFFFF, v3;
	v27 =	vand.u32 $0xFFFF, v15;
	v28 =	vld.idx.msk [tilespmem:v16+s2+$0x0], $0xffff  }
0x93: {  	v30 =	vld [tilespmem:s24+$0x9E70]  }
0x94: {  	v31 =	vand.u32 $0xFFFF, v17;
	v0 =	vld.idx.msk [tilespmem:v11+s17+$0x0], $0xffff  }
0x95: {  	v11 =	vld.idx.msk [tilespmem:v11+s2+$0x0], $0xffff  }
0x96: {  	v32 =	vand.u32 $0xFFFF, v23;
	v33 =	vld.idx.msk [tilespmem:v24+s2+$0x0], $0xffff  }
0x97: {  	v34 =	vld.idx.msk [tilespmem:v27+s17+$0x0], $0xffff  }
0x98: {  	v27 =	vld.idx.msk [tilespmem:v27+s2+$0x0], $0xffff;
	v35 =	vand.u32 $0xFFFF, v30  }
0x99: {  	v36 =	vld.idx.msk [tilespmem:v31+s17+$0x0], $0xffff  }
0x9a: {  	v31 =	vld.idx.msk [tilespmem:v31+s2+$0x0], $0xffff  }
0x9b: {  	v37 =	vld.idx.msk [tilespmem:v25+s17+$0x0], $0xffff  }
0x9c: {  	v25 =	vld.idx.msk [tilespmem:v25+s2+$0x0], $0xffff  }
0x9d: {  	v38 =	vand.u32 $0xFFFF, v20;
	v39 =	vld.idx.msk [tilespmem:v29+s17+$0x0], $0xffff  }
0x9e: {  	v40 =	vld.idx.msk [tilespmem:v35+s17+$0x0], $0xffff  }
0x9f: {  	v41 =	vld.idx.msk [tilespmem:v32+s17+$0x0], $0xffff  }
0xa0: {  	v35 =	vld.idx.msk [tilespmem:v35+s2+$0x0], $0xffff  }
0xa1: {  	v29 =	vld.idx.msk [tilespmem:v29+s2+$0x0], $0xffff  }
0xa2: {  	v16 =	vld.idx.msk [tilespmem:v16+s17+$0x0], $0xffff  }
0xa3: {  	v42 =	vld.idx.msk [tilespmem:v26+s17+$0x0], $0xffff  }
0xa4: {  	v32 =	vld.idx.msk [tilespmem:v32+s2+$0x0], $0xffff  }
0xa5: {  	v26 =	vld.idx.msk [tilespmem:v26+s2+$0x0], $0xffff  }
0xa6: {  	v43 =	vld.idx.msk [tilespmem:v22+s17+$0x0], $0xffff  }
0xa7: {  	v44 =	vld.idx.msk [tilespmem:v38+s17+$0x0], $0xffff  }
0xa8: {  	v24 =	vld.idx.msk [tilespmem:v24+s17+$0x0], $0xffff  }
0xa9: {  	v38 =	vld.idx.msk [tilespmem:v38+s2+$0x0], $0xffff  }
0xaa: {  	v22 =	vld.idx.msk [tilespmem:v22+s2+$0x0], $0xffff  }
0xab: {  	v45 =	vld.idx.msk [tilespmem:v19+s2+$0x0], $0xffff  }
0xac: {  	v46 =	vshrl.u32 v7, $0x10;
	v19 =	vld.idx.msk [tilespmem:v19+s17+$0x0], $0xffff  }
0xad: {  	v7 =	vld.idx.msk [tilespmem:v18+s17+$0x0], $0xffff  }
0xae: {  	v23 =	vshrl.u32 v23, $0x10;
	v47 =	vld.idx.msk [tilespmem:v21+s17+$0x0], $0xffff  }
0xaf: {  	v21 =	vld.idx.msk [tilespmem:v21+s2+$0x0], $0xffff  }
0xb0: {  	v48 =	vshrl.u32 v12, $0x10;
	v12 =	vld.idx.msk [tilespmem:v18+s2+$0x0], $0xffff  }
0xb1: {  	[tilespmem:v46+s14+$0x0] =	vst.idx.add.f32.msk $0xffff, v45  }
0xb2: {  	v18 =	vshrl.u32 v20, $0x10;
	[tilespmem:v46+s15+$0x0] =	vst.idx.add.f32.msk $0xffff, v19  }
0xb3: {  	[tilespmem:v23+s14+$0x0] =	vst.idx.add.f32.msk $0xffff, v32  }
0xb4: {  	v13 =	vshrl.u32 v13, $0x10;
	[tilespmem:v23+s15+$0x0] =	vst.idx.add.f32.msk $0xffff, v41  }
0xb5: {  	[tilespmem:v48+s14+$0x0] =	vst.idx.add.f32.msk $0xffff, v33  }
0xb6: {  	v15 =	vshrl.u32 v15, $0x10;
	[tilespmem:v48+s15+$0x0] =	vst.idx.add.f32.msk $0xffff, v24  }
0xb7: {  	[tilespmem:v18+s14+$0x0] =	vst.idx.add.f32.msk $0xffff, v38  }
0xb8: {  	v14 =	vshrl.u32 v14, $0x10;
	[tilespmem:v18+s15+$0x0] =	vst.idx.add.f32.msk $0xffff, v44  }
0xb9: {  	[tilespmem:v13+s14+$0x0] =	vst.idx.add.f32.msk $0xffff, v21  }
0xba: {  	v18 =	vshrl.u32 v30, $0x10;
	[tilespmem:v13+s15+$0x0] =	vst.idx.add.f32.msk $0xffff, v47  }
0xbb: {  	[tilespmem:v15+s14+$0x0] =	vst.idx.add.f32.msk $0xffff, v27  }
0xbc: {  	v13 =	vshrl.u32 v17, $0x10;
	[tilespmem:v15+s15+$0x0] =	vst.idx.add.f32.msk $0xffff, v34  }
0xbd: {  	[tilespmem:v14+s14+$0x0] =	vst.idx.add.f32.msk $0xffff, v25  }
0xbe: {  	v10 =	vshrl.u32 v10, $0x10;
	[tilespmem:v14+s15+$0x0] =	vst.idx.add.f32.msk $0xffff, v37  }
0xbf: {  	[tilespmem:v18+s14+$0x0] =	vst.idx.add.f32.msk $0xffff, v35  }
0xc0: {  	v8 =	vshrl.u32 v8, $0x10;
	[tilespmem:v18+s15+$0x0] =	vst.idx.add.f32.msk $0xffff, v40  }
0xc1: {  	[tilespmem:v13+s14+$0x0] =	vst.idx.add.f32.msk $0xffff, v31  }
0xc2: {  	v5 =	vshrl.u32 v5, $0x10;
	[tilespmem:v13+s15+$0x0] =	vst.idx.add.f32.msk $0xffff, v36  }
0xc3: {  	[tilespmem:v10+s14+$0x0] =	vst.idx.add.f32.msk $0xffff, v22  }
0xc4: {  	v3 =	vshrl.u32 v3, $0x10;
	[tilespmem:v10+s15+$0x0] =	vst.idx.add.f32.msk $0xffff, v43  }
0xc5: {  	[tilespmem:v8+s14+$0x0] =	vst.idx.add.f32.msk $0xffff, v28  }
0xc6: {  	v4 =	vshrl.u32 v4, $0x10;
	[tilespmem:v8+s15+$0x0] =	vst.idx.add.f32.msk $0xffff, v16  }
0xc7: {  	[tilespmem:v5+s14+$0x0] =	vst.idx.add.f32.msk $0xffff, v26  }
0xc8: {  	v1 =	vshrl.u32 v1, $0x10;
	[tilespmem:v5+s15+$0x0] =	vst.idx.add.f32.msk $0xffff, v42  }
.Ltmp2:
0xc9: {  	[tilespmem:v3+s14+$0x0] =	vst.idx.add.f32.msk $0xffff, v29;
	(pc) =	sbr.rel @p0 .LBB2_3-.Ltmp2, $4  }
0xca: {  	v2 =	vshrl.u32 v2, $0x10;
	[tilespmem:v3+s15+$0x0] =	vst.idx.add.f32.msk $0xffff, v39  }
0xcb: {  	[tilespmem:v4+s14+$0x0] =	vst.idx.add.f32.msk $0xffff, v9  }
0xcc: {  	[tilespmem:v4+s15+$0x0] =	vst.idx.add.f32.msk $0xffff, v6  }
0xcd: {  	[tilespmem:v1+s14+$0x0] =	vst.idx.add.f32.msk $0xffff, v11  }
0xce: {  	_ = 	snop  }
0xcf: {  	p0 =	seq.s32 s22, $0x18  }
0xd0: {  	s23 =	smul.u32 @!p0 $0x3200, s22;
	_ =	sdelay $0x1  }
0xd1: {  	[tilespmem:v1+s15+$0x0] =	vst.idx.add.f32.msk $0xffff, v0;
	s23 =	sshrl.u32 @!p0 s23, $0x3  }
0xd2: {  	[tilespmem:v2+s14+$0x0] =	vst.idx.add.f32.msk $0xffff, v12;
	s23 =	sadd.s32 @!p0 s3, s23  }
0xd3: {  	s24 =	simm.s32 @!p0 $0x0;
	s25 =	simm.s32 @!p0 $0x9E00;
	[tilespmem:v2+s15+$0x0] =	vst.idx.add.f32.msk $0xffff, v7;
	s23 =	sadd.s32 @!p0 $0x640, s23  }
0xd4: {  	[tilespmem:s25], [sflag:$0x1] =	stream.linear.gather @!p0 [hbm4b:s23+s24], $0x1900, $0x38;
	[tilespmem:$0xD000] =	vst v63  }
0xd5: {  	_ =	swait.ge [sflag:s20], $0x1900  }
0xd6: {  	[sflag:s20] =	ssyncset.done $0x0  }
0xd7: {  	s31 =	simm.s32 $0x0;
	[sflag:s20] =	ssyncadd.s32 $0xFFFFE700  }
0xd8: {  	v1 =	vld [tilespmem:s31+$0xB7C0]  }
0xd9: {  	v2 =	vld [tilespmem:s31+$0xB7E0]  }
0xda: {  	v3 =	vld [tilespmem:s31+$0xB7B0]  }
0xdb: {  	v4 =	vld [tilespmem:s31+$0xB7D0]  }
0xdc: {  	v5 =	vld [tilespmem:s31+$0xB7A0]  }
0xdd: {  	v6 =	vld [tilespmem:s31+$0xB790]  }
0xde: {  	v63 =	vld [tilespmem:s31+$0xB7F0]  }
0xdf: {  	v8 =	vld [tilespmem:s31+$0xB700]  }
0xe0: {  	v10 =	vld [tilespmem:s31+$0xB740]  }
0xe1: {  	v11 =	vld [tilespmem:s31+$0xB720]  }
0xe2: {  	v13 =	vld [tilespmem:s31+$0xB760]  }
0xe3: {  	v14 =	vld [tilespmem:s31+$0xB750];
	v0 =	vand.u32 $0xFFFF, v4  }
0xe4: {  	v15 =	vld [tilespmem:s31+$0xB780]  }
0xe5: {  	v17 =	vld [tilespmem:s31+$0xB730];
	v9 =	vand.u32 $0xFFFF, v5  }
0xe6: {  	v19 =	vld [tilespmem:s31+$0xB710];
	v12 =	vand.u32 $0xFFFF, v2  }
0xe7: {  	v23 =	vld [tilespmem:s31+$0xB770]  }
0xe8: {  	v20 =	vand.u32 $0xFFFF, v11;
	v16 =	vld.idx.msk [tilespmem:v0+s17+$0x0], $0xffff  }
0xe9: {  	v21 =	vand.u32 $0xFFFF, v14;
	v18 =	vld.idx.msk [tilespmem:v0+s2+$0x0], $0xffff  }
0xea: {  	v22 =	vld.idx.msk [tilespmem:v9+s2+$0x0], $0xffff  }
0xeb: {  	v24 =	vand.u32 $0xFFFF, v15;
	v0 =	vld.idx.msk [tilespmem:v12+s17+$0x0], $0xffff  }
0xec: {  	v25 =	vld.idx.msk [tilespmem:v12+s2+$0x0], $0xffff  }
0xed: {  	v28 =	vand.u32 $0xFFFF, v1;
	v26 =	vld.idx.msk [tilespmem:v20+s2+$0x0], $0xffff  }
0xee: {  	v29 =	vand.u32 $0xFFFF, v23;
	v27 =	vld.idx.msk [tilespmem:v21+s17+$0x0], $0xffff  }
0xef: {  	v31 =	vand.u32 $0xFFFF, v19;
	v21 =	vld.idx.msk [tilespmem:v21+s2+$0x0], $0xffff  }
0xf0: {  	v30 =	vld.idx.msk [tilespmem:v24+s17+$0x0], $0xffff  }
0xf1: {  	v24 =	vld.idx.msk [tilespmem:v24+s2+$0x0], $0xffff  }
0xf2: {  	v34 =	vld.idx.msk [tilespmem:v28+s17+$0x0], $0xffff  }
0xf3: {  	v35 =	vld.idx.msk [tilespmem:v29+s17+$0x0], $0xffff  }
0xf4: {  	v37 =	vand.u32 $0xFFFF, v6;
	v36 =	vld.idx.msk [tilespmem:v31+s17+$0x0], $0xffff  }
0xf5: {  	v12 =	vand.u32 $0xFFFF, v13;
	v29 =	vld.idx.msk [tilespmem:v29+s2+$0x0], $0xffff  }
0xf6: {  	v28 =	vld.idx.msk [tilespmem:v28+s2+$0x0], $0xffff  }
0xf7: {  	v38 =	vand.u32 $0xFFFF, v17;
	v39 =	vld.idx.msk [tilespmem:v9+s17+$0x0], $0xffff  }
0xf8: {  	v31 =	vld.idx.msk [tilespmem:v31+s2+$0x0], $0xffff  }
0xf9: {  	v42 =	vld.idx.msk [tilespmem:v37+s17+$0x0], $0xffff  }
0xfa: {  	v32 =	vld.idx.msk [tilespmem:v12+s17+$0x0], $0xffff  }
0xfb: {  	v33 =	vld.idx.msk [tilespmem:v12+s2+$0x0], $0xffff;
	v12 =	vand.u32 $0xFFFF, v3  }
0xfc: {  	v43 =	vld.idx.msk [tilespmem:v38+s17+$0x0], $0xffff  }
0xfd: {  	v44 =	vand.u32 $0xFFFF, v10;
	v20 =	vld.idx.msk [tilespmem:v20+s17+$0x0], $0xffff  }
0xfe: {  	v9 =	vand.u32 $0xFFFF, v8;
	v38 =	vld.idx.msk [tilespmem:v38+s2+$0x0], $0xffff  }
0xff: {  	v37 =	vld.idx.msk [tilespmem:v37+s2+$0x0], $0xffff  }
0x100: {  	v40 =	vld.idx.msk [tilespmem:v12+s17+$0x0], $0xffff  }
0x101: {  	v41 =	vld.idx.msk [tilespmem:v12+s2+$0x0], $0xffff;
	v12 =	vand.u32 $0xFFFF, v63  }
0x102: {  	v47 =	vld.idx.msk [tilespmem:v44+s17+$0x0], $0xffff  }
0x103: {  	v8 =	vshrl.u32 v8, $0x10;
	v45 =	vld.idx.msk [tilespmem:v9+s2+$0x0], $0xffff  }
0x104: {  	v46 =	vld.idx.msk [tilespmem:v9+s17+$0x0], $0xffff  }
0x105: {  	v19 =	vshrl.u32 v19, $0x10;
	v44 =	vld.idx.msk [tilespmem:v44+s2+$0x0], $0xffff  }
0x106: {  	v9 =	vld.idx.msk [tilespmem:v12+s17+$0x0], $0xffff  }
0x107: {  	v11 =	vshrl.u32 v11, $0x10;
	v12 =	vld.idx.msk [tilespmem:v12+s2+$0x0], $0xffff  }
0x108: {  	[tilespmem:v8+s14+$0x0] =	vst.idx.add.f32.msk $0xffff, v45  }
0x109: {  	v17 =	vshrl.u32 v17, $0x10;
	[tilespmem:v8+s15+$0x0] =	vst.idx.add.f32.msk $0xffff, v46  }
0x10a: {  	[tilespmem:v19+s14+$0x0] =	vst.idx.add.f32.msk $0xffff, v31  }
0x10b: {  	v8 =	vshrl.u32 v10, $0x10;
	[tilespmem:v19+s15+$0x0] =	vst.idx.add.f32.msk $0xffff, v36  }
0x10c: {  	[tilespmem:v11+s14+$0x0] =	vst.idx.add.f32.msk $0xffff, v26  }
0x10d: {  	v10 =	vshrl.u32 v14, $0x10;
	[tilespmem:v11+s15+$0x0] =	vst.idx.add.f32.msk $0xffff, v20  }
0x10e: {  	[tilespmem:v17+s14+$0x0] =	vst.idx.add.f32.msk $0xffff, v38  }
0x10f: {  	v11 =	vshrl.u32 v13, $0x10;
	[tilespmem:v17+s15+$0x0] =	vst.idx.add.f32.msk $0xffff, v43  }
0x110: {  	[tilespmem:v8+s14+$0x0] =	vst.idx.add.f32.msk $0xffff, v44  }
0x111: {  	v13 =	vshrl.u32 v23, $0x10;
	[tilespmem:v8+s15+$0x0] =	vst.idx.add.f32.msk $0xffff, v47  }
0x112: {  	[tilespmem:v10+s14+$0x0] =	vst.idx.add.f32.msk $0xffff, v21  }
0x113: {  	v8 =	vshrl.u32 v15, $0x10;
	[tilespmem:v10+s15+$0x0] =	vst.idx.add.f32.msk $0xffff, v27  }
0x114: {  	[tilespmem:v11+s14+$0x0] =	vst.idx.add.f32.msk $0xffff, v33  }
0x115: {  	v6 =	vshrl.u32 v6, $0x10;
	[tilespmem:v11+s15+$0x0] =	vst.idx.add.f32.msk $0xffff, v32  }
0x116: {  	[tilespmem:v13+s14+$0x0] =	vst.idx.add.f32.msk $0xffff, v29  }
0x117: {  	v5 =	vshrl.u32 v5, $0x10;
	[tilespmem:v13+s15+$0x0] =	vst.idx.add.f32.msk $0xffff, v35  }
0x118: {  	[tilespmem:v8+s14+$0x0] =	vst.idx.add.f32.msk $0xffff, v24  }
0x119: {  	v3 =	vshrl.u32 v3, $0x10;
	[tilespmem:v8+s15+$0x0] =	vst.idx.add.f32.msk $0xffff, v30  }
0x11a: {  	[tilespmem:v6+s14+$0x0] =	vst.idx.add.f32.msk $0xffff, v37  }
0x11b: {  	v8 =	vshrl.u32 v1, $0x10;
	[tilespmem:v6+s15+$0x0] =	vst.idx.add.f32.msk $0xffff, v42  }
0x11c: {  	[tilespmem:v5+s14+$0x0] =	vst.idx.add.f32.msk $0xffff, v22  }
0x11d: {  	v4 =	vshrl.u32 v4, $0x10;
	[tilespmem:v5+s15+$0x0] =	vst.idx.add.f32.msk $0xffff, v39  }
0x11e: {  	[tilespmem:v3+s14+$0x0] =	vst.idx.add.f32.msk $0xffff, v41  }
0x11f: {  	v1 =	vshrl.u32 v2, $0x10;
	[tilespmem:v3+s15+$0x0] =	vst.idx.add.f32.msk $0xffff, v40  }
0x120: {  	[tilespmem:v8+s14+$0x0] =	vst.idx.add.f32.msk $0xffff, v28  }
0x121: {  	v2 =	vshrl.u32 v63, $0x10;
	[tilespmem:v8+s15+$0x0] =	vst.idx.add.f32.msk $0xffff, v34  }
0x122: {  	[tilespmem:v4+s14+$0x0] =	vst.idx.add.f32.msk $0xffff, v18  }
0x123: {  	[tilespmem:v4+s15+$0x0] =	vst.idx.add.f32.msk $0xffff, v16  }
0x124: {  	s23 =	simm.s32 $0x400;
	[tilespmem:v1+s14+$0x0] =	vst.idx.add.f32.msk $0xffff, v25  }
.LBB2_5:
0x125: {  	s24 =	sshra.s32 s23, $0x2;
	p1 =	sne.s32 s23, $0x6000;
	s23 =	sadd.s32 $0x400, s23;
	[tilespmem:v1+s15+$0x0] =	vst.idx.add.f32.msk $0xffff, v0  }
0x126: {  	[tilespmem:v2+s14+$0x0] =	vst.idx.add.f32.msk $0xffff, v12  }
0x127: {  	[tilespmem:v2+s15+$0x0] =	vst.idx.add.f32.msk $0xffff, v9  }
0x128: {  	v3 =	vld [tilespmem:s24+$0xB7C0]  }
0x129: {  	v1 =	vld [tilespmem:s24+$0xB7E0]  }
0x12a: {  	v5 =	vld [tilespmem:s24+$0xB7B0]  }
0x12b: {  	v4 =	vld [tilespmem:s24+$0xB7D0]  }
0x12c: {  	v7 =	vld [tilespmem:s24+$0xB7A0]  }
0x12d: {  	v10 =	vld [tilespmem:s24+$0xB790]  }
0x12e: {  	v2 =	vld [tilespmem:s24+$0xB7F0]  }
0x12f: {  	v9 =	vld [tilespmem:s24+$0xB700]  }
0x130: {  	v13 =	vld [tilespmem:s24+$0xB740];
	v0 =	vand.u32 $0xFFFF, v4  }
0x131: {  	v12 =	vld [tilespmem:s24+$0xB720]  }
0x132: {  	v14 =	vld [tilespmem:s24+$0xB760]  }
0x133: {  	v16 =	vand.u32 $0xFFFF, v7;
	v15 =	vld [tilespmem:s24+$0xB750]  }
0x134: {  	v18 =	vand.u32 $0xFFFF, v2;
	v17 =	vld [tilespmem:s24+$0xB780]  }
0x135: {  	v11 =	vand.u32 $0xFFFF, v1;
	v6 =	vld.idx.msk [tilespmem:v0+s17+$0x0], $0xffff  }
0x136: {  	v19 =	vand.u32 $0xFFFF, v9;
	v20 =	vld [tilespmem:s24+$0xB730]  }
0x137: {  	v22 =	vand.u32 $0xFFFF, v10;
	v21 =	vand.u32 $0xFFFF, v13;
	v8 =	vld.idx.msk [tilespmem:v0+s2+$0x0], $0xffff  }
0x138: {  	v26 =	vand.u32 $0xFFFF, v5;
	v24 =	vand.u32 $0xFFFF, v12;
	v25 =	vand.u32 $0xFFFF, v14;
	v23 =	vld [tilespmem:s24+$0xB710]  }
0x139: {  	v29 =	vand.u32 $0xFFFF, v3;
	v27 =	vand.u32 $0xFFFF, v15;
	v28 =	vld.idx.msk [tilespmem:v16+s2+$0x0], $0xffff  }
0x13a: {  	v30 =	vld [tilespmem:s24+$0xB770]  }
0x13b: {  	v31 =	vand.u32 $0xFFFF, v17;
	v0 =	vld.idx.msk [tilespmem:v11+s17+$0x0], $0xffff  }
0x13c: {  	v11 =	vld.idx.msk [tilespmem:v11+s2+$0x0], $0xffff  }
0x13d: {  	v32 =	vand.u32 $0xFFFF, v23;
	v33 =	vld.idx.msk [tilespmem:v24+s2+$0x0], $0xffff  }
0x13e: {  	v34 =	vld.idx.msk [tilespmem:v27+s17+$0x0], $0xffff  }
0x13f: {  	v27 =	vld.idx.msk [tilespmem:v27+s2+$0x0], $0xffff;
	v35 =	vand.u32 $0xFFFF, v30  }
0x140: {  	v36 =	vld.idx.msk [tilespmem:v31+s17+$0x0], $0xffff  }
0x141: {  	v31 =	vld.idx.msk [tilespmem:v31+s2+$0x0], $0xffff  }
0x142: {  	v37 =	vld.idx.msk [tilespmem:v25+s17+$0x0], $0xffff  }
0x143: {  	v25 =	vld.idx.msk [tilespmem:v25+s2+$0x0], $0xffff  }
0x144: {  	v38 =	vand.u32 $0xFFFF, v20;
	v39 =	vld.idx.msk [tilespmem:v29+s17+$0x0], $0xffff  }
0x145: {  	v40 =	vld.idx.msk [tilespmem:v35+s17+$0x0], $0xffff  }
0x146: {  	v41 =	vld.idx.msk [tilespmem:v32+s17+$0x0], $0xffff  }
0x147: {  	v35 =	vld.idx.msk [tilespmem:v35+s2+$0x0], $0xffff  }
0x148: {  	v29 =	vld.idx.msk [tilespmem:v29+s2+$0x0], $0xffff  }
0x149: {  	v16 =	vld.idx.msk [tilespmem:v16+s17+$0x0], $0xffff  }
0x14a: {  	v42 =	vld.idx.msk [tilespmem:v26+s17+$0x0], $0xffff  }
0x14b: {  	v32 =	vld.idx.msk [tilespmem:v32+s2+$0x0], $0xffff  }
0x14c: {  	v26 =	vld.idx.msk [tilespmem:v26+s2+$0x0], $0xffff  }
0x14d: {  	v43 =	vld.idx.msk [tilespmem:v22+s17+$0x0], $0xffff  }
0x14e: {  	v44 =	vld.idx.msk [tilespmem:v38+s17+$0x0], $0xffff  }
0x14f: {  	v24 =	vld.idx.msk [tilespmem:v24+s17+$0x0], $0xffff  }
0x150: {  	v38 =	vld.idx.msk [tilespmem:v38+s2+$0x0], $0xffff  }
0x151: {  	v22 =	vld.idx.msk [tilespmem:v22+s2+$0x0], $0xffff  }
0x152: {  	v45 =	vld.idx.msk [tilespmem:v19+s2+$0x0], $0xffff  }
0x153: {  	v46 =	vshrl.u32 v9, $0x10;
	v19 =	vld.idx.msk [tilespmem:v19+s17+$0x0], $0xffff  }
0x154: {  	v9 =	vld.idx.msk [tilespmem:v18+s17+$0x0], $0xffff  }
0x155: {  	v23 =	vshrl.u32 v23, $0x10;
	v47 =	vld.idx.msk [tilespmem:v21+s17+$0x0], $0xffff  }
0x156: {  	v21 =	vld.idx.msk [tilespmem:v21+s2+$0x0], $0xffff  }
0x157: {  	v48 =	vshrl.u32 v12, $0x10;
	v12 =	vld.idx.msk [tilespmem:v18+s2+$0x0], $0xffff  }
0x158: {  	[tilespmem:v46+s14+$0x0] =	vst.idx.add.f32.msk $0xffff, v45  }
0x159: {  	v18 =	vshrl.u32 v20, $0x10;
	[tilespmem:v46+s15+$0x0] =	vst.idx.add.f32.msk $0xffff, v19  }
0x15a: {  	[tilespmem:v23+s14+$0x0] =	vst.idx.add.f32.msk $0xffff, v32  }
0x15b: {  	v13 =	vshrl.u32 v13, $0x10;
	[tilespmem:v23+s15+$0x0] =	vst.idx.add.f32.msk $0xffff, v41  }
0x15c: {  	[tilespmem:v48+s14+$0x0] =	vst.idx.add.f32.msk $0xffff, v33  }
0x15d: {  	v15 =	vshrl.u32 v15, $0x10;
	[tilespmem:v48+s15+$0x0] =	vst.idx.add.f32.msk $0xffff, v24  }
0x15e: {  	[tilespmem:v18+s14+$0x0] =	vst.idx.add.f32.msk $0xffff, v38  }
0x15f: {  	v14 =	vshrl.u32 v14, $0x10;
	[tilespmem:v18+s15+$0x0] =	vst.idx.add.f32.msk $0xffff, v44  }
0x160: {  	[tilespmem:v13+s14+$0x0] =	vst.idx.add.f32.msk $0xffff, v21  }
0x161: {  	v18 =	vshrl.u32 v30, $0x10;
	[tilespmem:v13+s15+$0x0] =	vst.idx.add.f32.msk $0xffff, v47  }
0x162: {  	[tilespmem:v15+s14+$0x0] =	vst.idx.add.f32.msk $0xffff, v27  }
0x163: {  	v13 =	vshrl.u32 v17, $0x10;
	[tilespmem:v15+s15+$0x0] =	vst.idx.add.f32.msk $0xffff, v34  }
0x164: {  	[tilespmem:v14+s14+$0x0] =	vst.idx.add.f32.msk $0xffff, v25  }
0x165: {  	v10 =	vshrl.u32 v10, $0x10;
	[tilespmem:v14+s15+$0x0] =	vst.idx.add.f32.msk $0xffff, v37  }
0x166: {  	[tilespmem:v18+s14+$0x0] =	vst.idx.add.f32.msk $0xffff, v35  }
0x167: {  	v7 =	vshrl.u32 v7, $0x10;
	[tilespmem:v18+s15+$0x0] =	vst.idx.add.f32.msk $0xffff, v40  }
0x168: {  	[tilespmem:v13+s14+$0x0] =	vst.idx.add.f32.msk $0xffff, v31  }
0x169: {  	v5 =	vshrl.u32 v5, $0x10;
	[tilespmem:v13+s15+$0x0] =	vst.idx.add.f32.msk $0xffff, v36  }
0x16a: {  	[tilespmem:v10+s14+$0x0] =	vst.idx.add.f32.msk $0xffff, v22  }
0x16b: {  	v3 =	vshrl.u32 v3, $0x10;
	[tilespmem:v10+s15+$0x0] =	vst.idx.add.f32.msk $0xffff, v43  }
0x16c: {  	[tilespmem:v7+s14+$0x0] =	vst.idx.add.f32.msk $0xffff, v28  }
0x16d: {  	v4 =	vshrl.u32 v4, $0x10;
	[tilespmem:v7+s15+$0x0] =	vst.idx.add.f32.msk $0xffff, v16  }
0x16e: {  	[tilespmem:v5+s14+$0x0] =	vst.idx.add.f32.msk $0xffff, v26  }
0x16f: {  	v1 =	vshrl.u32 v1, $0x10;
	[tilespmem:v5+s15+$0x0] =	vst.idx.add.f32.msk $0xffff, v42  }
.Ltmp3:
0x170: {  	[tilespmem:v3+s14+$0x0] =	vst.idx.add.f32.msk $0xffff, v29;
	(pc) =	sbr.rel @p1 .LBB2_5-.Ltmp3, $4  }
0x171: {  	v2 =	vshrl.u32 v2, $0x10;
	[tilespmem:v3+s15+$0x0] =	vst.idx.add.f32.msk $0xffff, v39  }
0x172: {  	[tilespmem:v4+s14+$0x0] =	vst.idx.add.f32.msk $0xffff, v8  }
0x173: {  	[tilespmem:v4+s15+$0x0] =	vst.idx.add.f32.msk $0xffff, v6  }
0x174: {  	[tilespmem:v1+s14+$0x0] =	vst.idx.add.f32.msk $0xffff, v11  }
0x175: {  	_ =	sdelay $0x1  }
.Ltmp4:
0x176: {  	_ = 	snop;
	(pc) =	sbr.rel @p0 .LBB2_8-.Ltmp4, $4  }
0x177: {  	_ = 	snop  }
0x178: {  	[tilespmem:v1+s15+$0x0] =	vst.idx.add.f32.msk $0xffff, v0  }
0x179: {  	[tilespmem:v2+s14+$0x0] =	vst.idx.add.f32.msk $0xffff, v12  }
0x17a: {  	[tilespmem:v2+s15+$0x0] =	vst.idx.add.f32.msk $0xffff, v9  }
0x17b: {  	s23 =	smul.u32 $0x3200, s22  }
.Ltmp5:
0x17c: {  	_ = 	snop;
	(pc) =	sbr.rel .LBB2_2-.Ltmp5, $4  }
0x17d: {  	s23 =	sshrl.u32 s23, $0x3  }
0x17e: {  	s23 =	sadd.s32 s3, s23  }
0x17f: {  	s22 =	sadd.s32 $0x1, s22;
	s23 =	sadd.s32 $0x960, s23  }
0x180: {  	[tilespmem:s11], [sflag:$0x2] =	stream.linear.gather [hbm4b:s23+s2], $0x1900, $0x38;
	[tilespmem:$0xD000] =	vst v63  }
.LBB2_9:
0x181: {  	_ =	sfence.sel $0x180000  }
0x182: {  	[bflag:$0x0] =	sbarrier.arrive $0xFFFF  }
0x183: {  	p0 =	sne.s32 s1, $0x0;
	_ =	strace $0x9000004D  }
0x184: {  	s0 =	sadd.s32 @!p0 $0x100000, s0;
	[bflag:$0x2] =	sbarrier.arrive $0xFFFF  }
0x185: {  	[sflag:s0] =	ssyncadd.tile.s32 @!p0 $0x1;
	_ =	shalt  }
.Lfunc_end2:
_tile_overlayer_lowered:
.L_overlay_start_2:
0x186: {  	(tag) =	ssettag $0x2  }
0x187: {  	s0 =	rddreg [dreg:$0x0];
	s2 =	stileid.u32  }
0x188: {  	s1 =	rddreg [dreg:$0x1];
	p0 =	sne.s32 s2, $0x0  }
0x189: {  	s3 =	rddreg [dreg:$0x2];
	[bflag:$0x3] =	sbarrier.arrive $0xFFFF;
	s2 =	simm.s32 @!p0 $0x1C04  }
0x18a: {  	[timem:s3], [sflag:s2] =	dma.local @!p0 [hbm:s0], s1  }
0x18b: {  	s0 =	simm.s32 @!p0 $0x4  }
0x18c: {  	_ =	swait.ge @!p0 [sflag:s0], s1  }
0x18d: {  	s1 =	ssub.s32 @!p0 $0x0, s1;
	[sflag:s0] =	ssyncset.done @!p0 $0x0  }
0x18e: {  	[sflag:s0] =	ssyncadd.s32 @!p0 s1  }
0x18f: {  	[bflag:$0x3] =	sbarrier.arrive $0xFFFF  }
0x190: {  	_ =	shalt  }

// kernel: kernel.19.cloned.1.call-start
scs
__scs_entry_jumppad:
0x0: {  	(pc) =	sbr.rel $0x88, $3  }
0x1: {  	(tag) =	ssettag $0x0;
	lr =	simm.s32 $0x1  }
0x2: {  	[smem:$0x3F97] =	sst lr;
	_ =	strace $0xD0000000  }
0x3: {  	_ = 	snop  }
0x4: {  	_ = 	snop  }
0x5: {  	_ = 	snop  }
0x6: {  	_ = 	snop  }
0x7: {  	_ = 	snop  }
__scs_overlays_trampoline_lowered:
0x8: {  	[smem:$0x3FA6] =	sst s0  }
0x9: {  	[smem:$0x3FA7] =	sst s1  }
0xa: {  	[smem:$0x3FA8] =	sst s2  }
0xb: {  	[smem:$0x3FA9] =	sst s3  }
0xc: {  	[smem:$0x3FAA] =	sst s4  }
0xd: {  	[smem:$0x3FAB] =	sst s5  }
0xe: {  	[smem:$0x3FAC] =	sst s6  }
0xf: {  	[smem:$0x3FAD] =	sst s7  }
0x10: {  	[smem:$0x3FAE] =	sst s8  }
0x11: {  	[smem:$0x3FAF] =	sst s9;
	s0 =	simm.s32 @!p0 $0x0  }
0x12: {  	s1 =	sld [smem:$0x3F95];
	s0 =	simm.s32 @p0 $0x1  }
0x13: {  	[smem:$0x3FB0] =	sst s0;
	s0 =	simm.s32 @!p1 $0x0  }
0x14: {  	s2 =	sld [smem:$0x3F94];
	s0 =	simm.s32 @p1 $0x1  }
0x15: {  	[smem:$0x3FB1] =	sst s0;
	s0 =	simm.s32 @!p2 $0x0  }
0x16: {  	s3 =	sld [smem:$0x3FDB];
	s0 =	simm.s32 @p2 $0x1  }
0x17: {  	s4 =	simm.s32 $0x1BF5;
	[smem:$0x3FB3] =	sst s0  }
0x18: {  	s0 =	sld [smem:$0x3F96];
	_ =	swait.ge [sflag:s4], $0x0  }
0x19: {  	s7 =	sld [smem:$0x3F97]  }
0x1a: {  	s8 =	sadd.s32 $0xFFFFE003, lr  }
0x1b: {  	s9 =	sadd.s32 $0xFFFFFEF7, lr;
	s5 =	simm.s32 $0xFFFFFFFF;
	p2 =	slt.u32 s8, $0xFFFFF086  }
0x1c: {  	p1 =	slt.u32 s9, $0xF7A;
	s5 =	simm.s32 @!p2 $0x0  }
0x1d: {  	s5 =	simm.s32 @p1 $0x1;
	p0 =	seq.s32 s7, s2  }
0x1e: {  	s7 =	smul.u32 @!p0 $0xF7A, s2;
	p2 =	seq.s32 @!p0 s5, $0x0  }
0x1f: {  	s9 =	smul.u32 $0xF7A, s1;
	s8 =	simm.s32 @!p0 $0x1BF5;
	p2 =	por !p2, p0  }
0x20: {  	[sflag:s8] =	ssyncset.s32 @!p0 $0xFFFFF086;
	s6 =	sadd.s32 @!p0 s3, s7;
	s7 =	simm.s32 @!p0 $0x108  }
0x21: {  	s3 =	sadd.s32 s3, s9;
	s6 =	sadd.s32 @!p0 $0x88, s6;
	s7 =	simm.s32 @p2 $0x1082  }
0x22: {  	[simem:s7], [sflag:s8] =	dma.local @!p0 [hbm:s6], $0xF7A  }
0x23: {  	s9 =	sor.u32 $0xD0000000, s2;
	s6 =	simm.s32 $0x108;
	_ =	swait.ge @!p0 [sflag:s8], $0x0  }
0x24: {  	s3 =	sadd.s32 $0x88, s3;
	s6 =	simm.s32 @!p1 $0x1082;
	[sflag:s4] =	ssyncset.s32 $0xFFFFF086  }
0x25: {  	[simem:s6], [sflag:s4] =	dma.local [hbm:s3], $0xF7A  }
0x26: {  	[smem:$0x3F97] =	sst s1;
	(tag) =	ssettag s2;
	_ =	strace s9  }
0x27: {  	s1 =	sld [smem:$0x3FA7]  }
0x28: {  	s2 =	sld [smem:$0x3FA8]  }
0x29: {  	s4 =	sld [smem:$0x3FAA]  }
0x2a: {  	p0 =	seq.s32 s5, $0x0;
	s5 =	sld [smem:$0x3FAB]  }
0x2b: {  	s6 =	sld [smem:$0x3FAC]  }
0x2c: {  	s7 =	sld [smem:$0x3FAD]  }
0x2d: {  	s3 =	simm.s32 $0x108;
	s8 =	sld [smem:$0x3FAE]  }
0x2e: {  	s3 =	simm.s32 @!p0 $0x1082;
	s9 =	sld [smem:$0x3FAF]  }
0x2f: {  	lr =	sadd.s32 s0, s3;
	s0 =	sld [smem:$0x3FA6]  }
0x30: {  	s3 =	sld [smem:$0x3FA9]  }
0x31: {  	[smem:$0x3FB2] =	sst s10  }
0x32: {  	s10 =	sld [smem:$0x3FB0];
	_ =	sdelay $0x3  }
0x33: {  	p0 =	seq.s32 s10, $0x1;
	s10 =	sld [smem:$0x3FB2];
	_ =	sdelay $0x3  }
0x34: {  	[smem:$0x3FB2] =	sst s10  }
0x35: {  	s10 =	sld [smem:$0x3FB1];
	_ =	sdelay $0x3  }
0x36: {  	p1 =	seq.s32 s10, $0x1;
	s10 =	sld [smem:$0x3FB2];
	_ =	sdelay $0x3  }
0x37: {  	[smem:$0x3FB2] =	sst s10  }
0x38: {  	s10 =	sld [smem:$0x3FB3]  }
0x39: {  	_ = 	snop;
	(pc) =	sbr.ind lr, $3  }
0x3a: {  	_ = 	snop  }
0x3b: {  	_ = 	snop  }
0x3c: {  	p2 =	seq.s32 s10, $0x1;
	s10 =	sld [smem:$0x3FB2]  }
0x3d: {  	_ =	shalt  }
0x3e: {  	_ =	shalt  }
0x3f: {  	_ =	shalt  }
0x40: {  	_ =	shalt  }
0x41: {  	_ =	shalt  }
0x42: {  	_ =	shalt  }
0x43: {  	_ =	shalt  }
0x44: {  	_ =	shalt  }
0x45: {  	_ =	shalt  }
0x46: {  	_ =	shalt  }
0x47: {  	_ =	shalt  }
0x48: {  	_ =	shalt  }
0x49: {  	_ =	shalt  }
0x4a: {  	_ =	shalt  }
0x4b: {  	_ =	shalt  }
0x4c: {  	_ =	shalt  }
0x4d: {  	_ =	shalt  }
0x4e: {  	_ =	shalt  }
0x4f: {  	_ =	shalt  }
0x50: {  	_ =	shalt  }
0x51: {  	_ =	shalt  }
0x52: {  	_ =	shalt  }
0x53: {  	_ =	shalt  }
0x54: {  	_ =	shalt  }
0x55: {  	_ =	shalt  }
0x56: {  	_ =	shalt  }
0x57: {  	_ =	shalt  }
0x58: {  	_ =	shalt  }
0x59: {  	_ =	shalt  }
0x5a: {  	_ =	shalt  }
0x5b: {  	_ =	shalt  }
0x5c: {  	_ =	shalt  }
0x5d: {  	_ =	shalt  }
0x5e: {  	_ =	shalt  }
0x5f: {  	_ =	shalt  }
0x60: {  	_ =	shalt  }
0x61: {  	_ =	shalt  }
0x62: {  	_ =	shalt  }
0x63: {  	_ =	shalt  }
0x64: {  	_ =	shalt  }
0x65: {  	_ =	shalt  }
0x66: {  	_ =	shalt  }
0x67: {  	_ =	shalt  }
0x68: {  	_ =	shalt  }
0x69: {  	_ =	shalt  }
0x6a: {  	_ =	shalt  }
0x6b: {  	_ =	shalt  }
0x6c: {  	_ =	shalt  }
0x6d: {  	_ =	shalt  }
0x6e: {  	_ =	shalt  }
0x6f: {  	_ =	shalt  }
0x70: {  	_ =	shalt  }
0x71: {  	_ =	shalt  }
0x72: {  	_ =	shalt  }
0x73: {  	_ =	shalt  }
0x74: {  	_ =	shalt  }
0x75: {  	_ =	shalt  }
0x76: {  	_ =	shalt  }
0x77: {  	_ =	shalt  }
0x78: {  	_ =	shalt  }
0x79: {  	_ =	shalt  }
0x7a: {  	_ =	shalt  }
0x7b: {  	_ =	shalt  }
0x7c: {  	_ =	shalt  }
0x7d: {  	_ =	shalt  }
0x7e: {  	_ =	shalt  }
0x7f: {  	_ =	shalt  }
0x80: {  	_ =	shalt  }
0x81: {  	_ =	shalt  }
0x82: {  	_ =	shalt  }
0x83: {  	_ =	shalt  }
0x84: {  	_ =	shalt  }
0x85: {  	_ =	shalt  }
0x86: {  	_ =	shalt  }
0x87: {  	_ =	shalt  }
.Lfunc_end0:
.L_simem_size_0:
called_computation.3_lowered:
.L_overlay_start_0:
0x88: {  	s2 =	sld [smem:$0x3FD9]  }
0x89: {  	s3 =	sld [smem:$0x3FFE];
	_ =	sdelay $0x1  }
0x8a: {  	s1 =	srdreg.scid  }
0x8b: {  	s0 =	sand.u32 $0x1, s1  }
0x8c: {  	s16 =	sshll.u32 s0, $0xA;
	s2 =	sadd.s32 s3, s2  }
0x8d: {  	s2 =	sadd.s32 s2, s16  }
0x8e: {  	[smem:$0x3FBE] =	sst s2  }
0x8f: {  	_ = 	snop  }
0x90: {  	(tm) =	ssettm $0x1  }
0x91: {  	s17 =	sld [smem:$0x3FFB];
	_ =	sdelay $0x3  }
0x92: {  	_ =	strace s17  }
0x93: {  	s2 =	sld [smem:$0x3FFC];
	_ =	sdelay $0x3  }
0x94: {  	_ =	strace s2  }
0x95: {  	s2 =	sld [smem:$0x3FFD];
	_ =	sdelay $0x3  }
0x96: {  	_ =	strace s2  }
0x97: {  	_ =	strace $0x8FFFFFFF  }
0x98: {  	s18 =	sld [smem:$0x3FDB];
	_ =	sdelay $0x1  }
0x99: {  	s19 =	simm.s32 $_scs_section_size  }
0x9a: {  	s4 =	simm.s32 $_size__tile_overlayer_lowered;
	s5 =	simm.s32 $_tile_overlayer_lowered  }
0x9b: {  	s22 =	simm.s32 $0x1BFF;
	s21 =	sshll.u32 s5, $0x1;
	s2 =	sadd.s32 s19, s18  }
0x9c: {  	s6 =	simm.s32 $0x0;
	s20 =	sshll.u32 s4, $0x1;
	s4 =	sadd.s32 s21, s2  }
0x9d: {  	[timem:s6], [sflag:s22] =	dma.local [hbm:s4], s20  }
0x9e: {  	_ =	swait.ge [sflag:s22], s20  }
0x9f: {  	s3 =	ssub.s32 $0x0, s20;
	[sflag:s22] =	ssyncset.done $0x0  }
0xa0: {  	[sflag:s22] =	ssyncadd.s32 s3;
	_ =	sdelay $0x1  }
0xa1: {  	s23 =	simm.s32 $0x1B8B  }
0xa2: {  	_ =	swait.ge [sflag:s23], $0x1  }
0xa3: {  	[sflag:s23] =	ssyncset.done $0x0  }
0xa4: {  	s25 =	simm.s32 $0x1B8E;
	s24 =	sld [smem:$0x3FFE];
	[sflag:s23] =	ssyncadd.s32 $0xFFFFFFFF  }
0xa5: {  	s26 =	simm.s32 $execute0_lowered;
	[smem:$0x3FD2] =	sst s25  }
0xa6: {  	s4 =	sshll.u32 s26, $0x1;
	_ =	strace $0x8000004F;
	[dreg:$0x1] =	wrdreg $0xFFFFFFFF  }
0xa7: {  	s28 =	simm.s32 $_size_execute0_lowered;
	s2 =	sadd.s32 s2, s4;
	[dreg:$0x0] =	wrdreg $0x0  }
0xa8: {  	s4 =	sshll.u32 s28, $0x1;
	[dreg:$0x2] =	wrdreg s2  }
0xa9: {  	[dreg:$0x3] =	wrdreg s4  }
0xaa: {  	[dreg:$0x4] =	wrdreg $0xC0  }
0xab: {  	_ =	task [dreg:s6], $0x5FFFF  }
0xac: {  	[dreg:$0x1] =	wrdreg $0xFFFFFFFF  }
0xad: {  	[dreg:$0x0] =	wrdreg $0x60  }
0xae: {  	[dreg:$0x2] =	wrdreg s24  }
0xaf: {  	[dreg:$0x3] =	wrdreg $0x9  }
0xb0: {  	_ =	task.clear_ibuf [dreg:s6], $0x4FFFF;
	_ =	strace $0x9000004F  }
0xb1: {  	s29 =	simm.s32 $0x9;
	_ =	strace $0x80000051  }
0xb2: {  	_ =	swait.ge [sflag:s29], $0x1  }
0xb3: {  	[sflag:s29] =	ssyncadd.s32 $0xFFFFFFFF  }
0xb4: {  	_ =	strace $0x90000051  }
0xb5: {  	_ =	sfence  }
0xb6: {  	s30 =	sld [smem:$0x0];
	_ =	sdelay $0x2  }
0xb7: {  	s31 =	sshll.u32 s1, $0xD;
	s1 =	sshrl.u32 s1, $0x2  }
0xb8: {  	s3 =	sand.u32 $0x4000, s31;
	s1 =	sadd.s32 s1, s30  }
0xb9: {  	s0 =	sor.u32 s3, s0;
	s1 =	sshll.u32 s1, $0x11  }
0xba: {  	s0 =	sor.u32 s1, s0  }
0xbb: {  	s0 =	sadd.s32 $0x8F2B, s0  }
0xbc: {  	[sflag:s0] =	ssyncadd.remote.s32 $0x1  }
0xbd: {  	_ =	sfence.sel $0xFFFF  }
0xbe: {  	[dreg:$0x0] =	wrdreg $0xFFFFFFFF;
	(pc) =	sbr.abs _section_cstart, $3  }
0xbf: {  	[dreg:$0x1] =	wrdreg $0xFFFFFFFF  }
0xc0: {  	_ =	task.clear_ibuf [dreg:s6], $0x2FFFF;
	_ =	strace $0x9FFFFFFF  }
0xc1: {  	(tm) =	ssettm $0x7FFFFFFF  }
tec
execute0_lowered:
.L_overlay_start_1:
0x0: {  	(tag) =	ssettag $0x1  }
0x1: {  	s1 =	srdreg.scid  }
0x2: {  	s0 =	stileid.u32;
	s4 =	rddreg [dreg:$0x0];
	s9 =	simm.s32 $0x2  }
0x3: {  	s10 =	simm.s32 $0x4F00;
	s11 =	simm.s32 $0x80;
	s12 =	simm.s32 $0x400  }
0x4: {  	s13 =	simm.s32 $0x3;
	s14 =	simm.s32 $0x0;
	s5 =	sand.u32 $0x1, s1  }
0x5: {  	s2 =	sshll.u32 s0, $0x1;
	s1 =	rddreg [dreg:$0x1];
	s6 =	sshrl.u32 s0, $0x2  }
0x6: {  	s3 =	sor.u32 s5, s2;
	s2 =	simm.s32 $0x0;
	s6 =	smul.u32 $0x13C00, s6  }
0x7: {  	s5 =	ssub.s32 $0x2, s5;
	s7 =	sshll.u32 s3, $0x7;
	[smem:$0x7FF] =	sst s2  }
0x8: {  	s8 =	smul.u32 $0x4E2, s3;
	s3 =	sadd.s32 $0xD400, s4;
	s7 =	sand.u32 $0x380, s7  }
0x9: {  	s30 =	sshrl.u32 s5, $0x1;
	_ =	strace $0x80000050;
	s6 =	sor.u32 s6, s7  }
0xa: {  	s31 =	ssub.s32 s5, s30;
	s29 =	sadd.s32 s8, s4;
	s6 =	sshrl.u32 s6, $0x3  }
0xb: {  	s7 =	simm.s32 $0x2780;
	s8 =	simm.s32 $0x1;
	s6 =	sadd.s32 s6, s4  }
0xc: {  	v0 =	vimm.f32 $0.0e+00;
	s4 =	sadd.s32 $0x3600, s29;
	s5 =	sadd.s32 $0xDA00, s6;
	s6 =	smax.u32 s31, $0x1  }
.LBB2_1:
0xd: {  	[tilespmem:s2], [sflag:$0x1] =	stream.linear.gather [hbm4b:s3+s2], $0x2780, $0x38;
	[tilespmem:$0x7680] =	vst v63  }
0xe: {  	s15 =	simm.s32 $0x40;
	s16 =	simm.s32 $0x0  }
0xf: {  	[tilespmem:s7], [sflag:$0x2] =	stream.linear.gather [hbm4b:s4+s2], $0x2710, $0x38;
	[tilespmem:$0x7680] =	vst v63  }
.LBB2_2:
0x10: {  	p0 =	sne.s32 s15, $0x9C00;
	[tilespmem:s16+$0x4F00] =	vst v0;
	s16 =	smov.u32 s15;
	s15 =	sadd.s32 $0x40, s15  }
.Ltmp0:
0x11: {  	(pc) =	sbr.rel @p0 .LBB2_2-.Ltmp0, $2  }
0x12: {  	_ =	sdelay $0x2  }
0x13: {  	s16 =	sshra.s32 s16, $0x2  }
0x14: {  	[tilespmem:s16+$0x4F00] =	vst v0  }
0x15: {  	_ =	swait.ge [sflag:s8], $0x2780  }
0x16: {  	[sflag:s8] =	ssyncset.done $0x0  }
0x17: {  	[sflag:s8] =	ssyncadd.s32 $0xFFFFD880  }
0x18: {  	_ =	swait.ge [sflag:s9], $0x2710  }
0x19: {  	[sflag:s9] =	ssyncset.done $0x0  }
0x1a: {  	s15 =	simm.s32 $0x0;
	[sflag:s9] =	ssyncadd.s32 $0xFFFFD8F0  }
0x1b: {  	v1 =	vld [tilespmem:s15+$0x2780]  }
0x1c: {  	v2 =	vld [tilespmem:s15+$0x2790]  }
0x1d: {  	v3 =	vld [tilespmem:s15+$0x27A0]  }
0x1e: {  	v4 =	vld [tilespmem:s15+$0x27B0]  }
0x1f: {  	v5 =	vld [tilespmem:s15+$0x27C0]  }
0x20: {  	v6 =	vand.u32 $0xFFFF, v1  }
0x21: {  	v7 =	vand.u32 $0xFFFF, v2  }
0x22: {  	v8 =	vand.u32 $0xFFFF, v3  }
0x23: {  	v9 =	vand.u32 $0xFFFF, v4  }
0x24: {  	v10 =	vand.u32 $0xFFFF, v5  }
0x25: {  	v11 =	vshrl.u32 v1, $0x10;
	v6 =	vld.idx.msk [tilespmem:v6+s2+$0x0], $0xffff  }
0x26: {  	v2 =	vshrl.u32 v2, $0x10;
	v7 =	vld.idx.msk [tilespmem:v7+s2+$0x0], $0xffff  }
0x27: {  	v8 =	vld.idx.msk [tilespmem:v8+s2+$0x0], $0xffff  }
0x28: {  	v3 =	vshrl.u32 v3, $0x10;
	v9 =	vld.idx.msk [tilespmem:v9+s2+$0x0], $0xffff  }
0x29: {  	v4 =	vshrl.u32 v4, $0x10;
	v1 =	vld.idx.msk [tilespmem:v10+s2+$0x0], $0xffff  }
0x2a: {  	[tilespmem:v11+s10+$0x0] =	vst.idx.add.f32.msk $0xffff, v6  }
0x2b: {  	[tilespmem:v2+s10+$0x0] =	vst.idx.add.f32.msk $0xffff, v7;
	v2 =	vshrl.u32 v5, $0x10;
	_ =	sdelay $0x1  }
0x2c: {  	[tilespmem:v3+s10+$0x0] =	vst.idx.add.f32.msk $0xffff, v8  }
0x2d: {  	s16 =	simm.s32 $0x280;
	s15 =	simm.s32 $0x140;
	[tilespmem:v4+s10+$0x0] =	vst.idx.add.f32.msk $0xffff, v9  }
.LBB2_4:
0x2e: {  	p0 =	sne.s32 s16, $0x9B00  }
0x2f: {  	s17 =	sshra.s32 s15, $0x2;
	[tilespmem:v2+s10+$0x0] =	vst.idx.add.f32.msk $0xffff, v1;
	s15 =	smov.u32 s16;
	s16 =	sadd.s32 $0x140, s16  }
0x30: {  	v1 =	vld [tilespmem:s17+$0x2780]  }
0x31: {  	v2 =	vld [tilespmem:s17+$0x2790]  }
0x32: {  	v3 =	vld [tilespmem:s17+$0x27A0]  }
0x33: {  	v4 =	vld [tilespmem:s17+$0x27B0]  }
0x34: {  	v5 =	vld [tilespmem:s17+$0x27C0]  }
0x35: {  	v6 =	vand.u32 $0xFFFF, v1  }
0x36: {  	v7 =	vand.u32 $0xFFFF, v2  }
0x37: {  	v8 =	vand.u32 $0xFFFF, v3  }
0x38: {  	v9 =	vand.u32 $0xFFFF, v4  }
0x39: {  	v10 =	vand.u32 $0xFFFF, v5  }
0x3a: {  	v6 =	vld.idx.msk [tilespmem:v6+s2+$0x0], $0xffff  }
0x3b: {  	v11 =	vshrl.u32 v1, $0x10;
	v7 =	vld.idx.msk [tilespmem:v7+s2+$0x0], $0xffff  }
0x3c: {  	v12 =	vshrl.u32 v2, $0x10;
	v8 =	vld.idx.msk [tilespmem:v8+s2+$0x0], $0xffff  }
0x3d: {  	v3 =	vshrl.u32 v3, $0x10;
	v9 =	vld.idx.msk [tilespmem:v9+s2+$0x0], $0xffff  }
0x3e: {  	v4 =	vshrl.u32 v4, $0x10;
	v1 =	vld.idx.msk [tilespmem:v10+s2+$0x0], $0xffff  }
.Ltmp1:
0x3f: {  	v2 =	vshrl.u32 v5, $0x10;
	(pc) =	sbr.rel @p0 .LBB2_4-.Ltmp1, $4  }
0x40: {  	[tilespmem:v11+s10+$0x0] =	vst.idx.add.f32.msk $0xffff, v6  }
0x41: {  	[tilespmem:v12+s10+$0x0] =	vst.idx.add.f32.msk $0xffff, v7  }
0x42: {  	[tilespmem:v3+s10+$0x0] =	vst.idx.add.f32.msk $0xffff, v8  }
0x43: {  	[tilespmem:v4+s10+$0x0] =	vst.idx.add.f32.msk $0xffff, v9  }
0x44: {  	_ =	sdelay $0x3  }
0x45: {  	s15 =	sshra.s32 s15, $0x2;
	[tilespmem:v2+s10+$0x0] =	vst.idx.add.f32.msk $0xffff, v1  }
0x46: {  	v1 =	vld [tilespmem:s15+$0x2780]  }
0x47: {  	v2 =	vld [tilespmem:s15+$0x2790]  }
0x48: {  	v3 =	vld [tilespmem:s15+$0x27A0]  }
0x49: {  	v4 =	vld [tilespmem:s15+$0x27B0]  }
0x4a: {  	v5 =	vld [tilespmem:s15+$0x27C0]  }
0x4b: {  	v6 =	vand.u32 $0xFFFF, v1  }
0x4c: {  	v7 =	vand.u32 $0xFFFF, v2  }
0x4d: {  	v8 =	vand.u32 $0xFFFF, v3  }
0x4e: {  	v9 =	vand.u32 $0xFFFF, v4  }
0x4f: {  	v10 =	vand.u32 $0xFFFF, v5  }
0x50: {  	v1 =	vshrl.u32 v1, $0x10;
	v6 =	vld.idx.msk [tilespmem:v6+s2+$0x0], $0xffff  }
0x51: {  	v2 =	vshrl.u32 v2, $0x10;
	v7 =	vld.idx.msk [tilespmem:v7+s2+$0x0], $0xffff  }
0x52: {  	v3 =	vshrl.u32 v3, $0x10;
	v8 =	vld.idx.msk [tilespmem:v8+s2+$0x0], $0xffff  }
0x53: {  	v4 =	vshrl.u32 v4, $0x10;
	v9 =	vld.idx.msk [tilespmem:v9+s2+$0x0], $0xffff  }
0x54: {  	v5 =	vshrl.u32 v5, $0x10;
	v10 =	vld.idx.msk [tilespmem:v10+s2+$0x0], $0xffff  }
0x55: {  	[tilespmem:v1+s10+$0x0] =	vst.idx.add.f32.msk $0xffff, v6  }
0x56: {  	[tilespmem:v2+s10+$0x0] =	vst.idx.add.f32.msk $0xffff, v7  }
0x57: {  	s14 =	sadd.s32 $0x1, s14;
	[tilespmem:v3+s10+$0x0] =	vst.idx.add.f32.msk $0xffff, v8  }
0x58: {  	p0 =	sne.s32 s14, s6;
	[tilespmem:v4+s10+$0x0] =	vst.idx.add.f32.msk $0xffff, v9  }
.Ltmp2:
0x59: {  	[tilespmem:v5+s10+$0x0] =	vst.idx.add.f32.msk $0xffff, v10;
	(pc) =	sbr.rel @p0 .LBB2_1-.Ltmp2, $4  }
0x5a: {  	[hbm4b:s5+s11] =	stream.strided.scatter [tilespmem:s10], [sflag:$0x3], $0x2780, s12, s11, $0x38;
	[tilespmem:$0x7680] =	vst v63  }
0x5b: {  	_ =	swait.ge [sflag:s13], $0x2780  }
0x5c: {  	[sflag:s13] =	ssyncset.done $0x0  }
0x5d: {  	[sflag:s13] =	ssyncadd.s32 $0xFFFFD880  }
0x5e: {  	_ =	sfence.sel $0x180000  }
0x5f: {  	[bflag:$0x0] =	sbarrier.arrive $0xFFFF  }
0x60: {  	p0 =	sne.s32 s0, $0x0;
	_ =	strace $0x90000050  }
0x61: {  	s0 =	sadd.s32 @!p0 $0x100000, s1;
	[bflag:$0x2] =	sbarrier.arrive $0xFFFF  }
0x62: {  	[sflag:s0] =	ssyncadd.tile.s32 @!p0 $0x1;
	_ =	shalt  }
.Lfunc_end2:
_tile_overlayer_lowered:
.L_overlay_start_2:
0x63: {  	(tag) =	ssettag $0x2  }
0x64: {  	s0 =	rddreg [dreg:$0x0];
	s2 =	stileid.u32  }
0x65: {  	s1 =	rddreg [dreg:$0x1];
	p0 =	sne.s32 s2, $0x0  }
0x66: {  	s3 =	rddreg [dreg:$0x2];
	[bflag:$0x3] =	sbarrier.arrive $0xFFFF;
	s2 =	simm.s32 @!p0 $0x1C03  }
0x67: {  	[timem:s3], [sflag:s2] =	dma.local @!p0 [hbm:s0], s1  }
0x68: {  	s0 =	simm.s32 @!p0 $0x3  }
0x69: {  	_ =	swait.ge @!p0 [sflag:s0], s1  }
0x6a: {  	s1 =	ssub.s32 @!p0 $0x0, s1;
	[sflag:s0] =	ssyncset.done @!p0 $0x0  }
0x6b: {  	[sflag:s0] =	ssyncadd.s32 @!p0 s1  }
0x6c: {  	[bflag:$0x3] =	sbarrier.arrive $0xFFFF  }
0x6d: {  	_ =	shalt  }

</sc_bundles>
